<compile_context>
chip_gen: v7x
topology: tpu7x:2x2x1
jax: 0.10.2.dev20260603
libtpu: 0.0.44.dev20260713+nightly
codegen_flags: <defaults>
</compile_context>

<pallas_src>
import math

import jax
import jax.numpy as jnp
from jax import lax
from jax.experimental import pallas as pl
from jax.experimental.pallas import tpu as pltpu
from jax.experimental.pallas import tpu_sc as plsc

D_FEAT = 128
NUM_HEADS = 4
FEATS_PER_HEAD = 32

N_PAD = 10240
NW = 32
W = 128
INV_SQRT_F = 1.0 / math.sqrt(float(FEATS_PER_HEAD))



def _mlp_body(x_ref, w1_ref, b1_ref, w2_ref, b2_ref, out_ref):
    h = jnp.dot(x_ref[...], w1_ref[...], preferred_element_type=jnp.float32)
    h = jnp.maximum(h + b1_ref[...], 0.0)
    h = jnp.dot(h, w2_ref[...], preferred_element_type=jnp.float32)
    out_ref[...] = jnp.maximum(h + b2_ref[...], 0.0)


def _logits_body(sent_ref, recv_ref, sel_ref, logit_ref, bmax_ref):
    p = sent_ref[...] * recv_ref[...]
    logits = jnp.dot(p, sel_ref[...], preferred_element_type=jnp.float32)
    logits = logits * INV_SQRT_F
    logit_ref[...] = logits
    bmax_ref[...] = jnp.max(logits, axis=0, keepdims=True)[None]


def _exp_body(logit_ref, bmax_ref, ex_ref):
    gmax = jnp.max(jnp.squeeze(bmax_ref[...], axis=1), axis=0, keepdims=True)
    ex_ref[...] = jnp.exp(logit_ref[...] - gmax)


def _msg_body(sent_ref, ex_ref, selt_ref, msg_ref, wexp_ref):
    wexp = jnp.dot(ex_ref[...], selt_ref[...],
                   preferred_element_type=jnp.float32)
    wexp_ref[...] = wexp
    msg_ref[...] = sent_ref[...] * wexp


def _final_body(p0_ref, p1_ref, s0_ref, s1_ref, out_ref):
    d = s0_ref[...] + s1_ref[...]
    d = jnp.where(d > 0.0, d, 1.0)
    out_ref[...] = jnp.maximum((p0_ref[...] + p1_ref[...]) / d, 0.0)



def _gather_body(emb, senders, receivers, sent_out, recv_out,
                 sidx, ridx, sbuf, rbuf,
                 gs0, gs1, gr0, gr1, ws0, ws1, wr0, wr1):
    n_edge = senders.shape[0]
    per_w = n_edge // NW
    nwin = per_w // W
    wid = lax.axis_index("s") * 2 + lax.axis_index("c")
    base = wid * per_w
    pltpu.sync_copy(senders.at[pl.ds(base, per_w)], sidx)
    pltpu.sync_copy(receivers.at[pl.ds(base, per_w)], ridx)

    gssem = (gs0, gs1)
    grsem = (gr0, gr1)
    wssem = (ws0, ws1)
    wrsem = (wr0, wr1)

    def gstart(w, b):
        pltpu.async_copy(emb.at[sidx.at[pl.ds(w * W, W)]], sbuf.at[b],
                         gssem[b])
        pltpu.async_copy(emb.at[ridx.at[pl.ds(w * W, W)]], rbuf.at[b],
                         grsem[b])

    def gwait(w, b):
        pltpu.make_async_copy(emb.at[sidx.at[pl.ds(w * W, W)]], sbuf.at[b],
                              gssem[b]).wait()
        pltpu.make_async_copy(emb.at[ridx.at[pl.ds(w * W, W)]], rbuf.at[b],
                              grsem[b]).wait()

    def wstart(w, b):
        off = base + w * W
        pltpu.async_copy(sbuf.at[b], sent_out.at[pl.ds(off, W)], wssem[b])
        pltpu.async_copy(rbuf.at[b], recv_out.at[pl.ds(off, W)], wrsem[b])

    def wwait(w, b):
        off = base + w * W
        pltpu.make_async_copy(sbuf.at[b], sent_out.at[pl.ds(off, W)],
                              wssem[b]).wait()
        pltpu.make_async_copy(rbuf.at[b], recv_out.at[pl.ds(off, W)],
                              wrsem[b]).wait()

    gstart(0, 0)
    gwait(0, 0)
    gstart(1, 1)
    wstart(0, 0)

    def body(g, _):
        w1 = 2 * g + 1
        gwait(w1, 1)
        wwait(w1 - 1, 0)
        gstart(w1 + 1, 0)
        wstart(w1, 1)
        w2 = 2 * g + 2
        gwait(w2, 0)
        wwait(w2 - 1, 1)
        gstart(w2 + 1, 1)
        wstart(w2, 0)
        return ()

    lax.fori_loop(0, (nwin - 2) // 2, body, (), unroll=False)
    wl = nwin - 1
    gwait(wl, 1)
    wwait(wl - 1, 0)
    wstart(wl, 1)
    wwait(wl, 1)



def _scatter_msg_body(receivers, msg2d, zeros128, part_out,
                      i0, i1, mbuf, agg_tbl, il0, il1, ls0, ls1, ss0, ss1):
    n_edge = receivers.shape[0]
    per_w = n_edge // NW
    nwin = per_w // W
    core = lax.axis_index("c")
    sid = lax.axis_index("s")
    base = core * (n_edge // 2) + sid * per_w
    rows = N_PAD // 16

    pltpu.sync_copy(zeros128.at[pl.ds(sid * rows, rows)],
                    agg_tbl.at[pl.ds(sid * rows, rows)])
    plsc.subcore_barrier()

    ib = (i0, i1)
    ilsem = (il0, il1)
    lsem = (ls0, ls1)
    ssem = (ss0, ss1)

    def lstart(w, b):
        off = base + w * W
        pltpu.async_copy(receivers.at[pl.ds(off, W)], ib[b], ilsem[b])
        pltpu.async_copy(msg2d.at[pl.ds(off, W)], mbuf.at[b], lsem[b])

    def lwait(w, b):
        off = base + w * W
        pltpu.make_async_copy(receivers.at[pl.ds(off, W)], ib[b],
                              ilsem[b]).wait()
        pltpu.make_async_copy(msg2d.at[pl.ds(off, W)], mbuf.at[b],
                              lsem[b]).wait()

    def sstart(w, b):
        pltpu.async_copy(mbuf.at[b], agg_tbl.at[ib[b]], ssem[b], add=True)

    def swait(w, b):
        pltpu.make_async_copy(mbuf.at[b], agg_tbl.at[ib[b]],
                              ssem[b]).wait()

    lstart(0, 0)
    lwait(0, 0)
    lstart(1, 1)
    sstart(0, 0)

    def body(g, _):
        w1 = 2 * g + 1
        lwait(w1, 1)
        swait(w1 - 1, 0)
        lstart(w1 + 1, 0)
        sstart(w1, 1)
        w2 = 2 * g + 2
        lwait(w2, 0)
        swait(w2 - 1, 1)
        lstart(w2 + 1, 1)
        sstart(w2, 0)
        return ()

    lax.fori_loop(0, (nwin - 2) // 2, body, (), unroll=False)
    wl = nwin - 1
    lwait(wl, 1)
    swait(wl - 1, 0)
    sstart(wl, 1)
    swait(wl, 1)

    plsc.subcore_barrier()
    pltpu.sync_copy(agg_tbl.at[pl.ds(sid * rows, rows)],
                    part_out.at[core, pl.ds(sid * rows, rows)])



def kernel(nodes, senders, receivers, W1, b1, W2, b2):
    n = nodes.shape[0]
    e = senders.shape[0]
    chunk = NW * W * 10
    e_pad = ((e + chunk - 1) // chunk) * chunk
    npad_edges = e_pad - e

    nodes_p = jnp.concatenate(
        [nodes, jnp.zeros((N_PAD - n, D_FEAT), jnp.float32)])
    senders_p = jnp.concatenate(
        [senders, jnp.zeros((npad_edges,), jnp.int32)])
    dummy = n + (jnp.arange(npad_edges, dtype=jnp.int32) % (N_PAD - n))
    receivers_p = jnp.concatenate([receivers, dummy])

    sel = jnp.repeat(jnp.eye(NUM_HEADS, dtype=jnp.float32),
                     FEATS_PER_HEAD, axis=0)
    selt = sel.T

    nblk = 8
    brows = N_PAD // nblk
    emb = pl.pallas_call(
        _mlp_body,
        grid=(nblk,),
        in_specs=[
            pl.BlockSpec((brows, D_FEAT), lambda i: (i, 0)),
            pl.BlockSpec((D_FEAT, D_FEAT), lambda i: (0, 0)),
            pl.BlockSpec((1, D_FEAT), lambda i: (0, 0)),
            pl.BlockSpec((D_FEAT, D_FEAT), lambda i: (0, 0)),
            pl.BlockSpec((1, D_FEAT), lambda i: (0, 0)),
        ],
        out_specs=pl.BlockSpec((brows, D_FEAT), lambda i: (i, 0)),
        out_shape=jax.ShapeDtypeStruct((N_PAD, D_FEAT), jnp.float32),
    )(nodes_p, W1, b1.reshape(1, -1), W2, b2.reshape(1, -1))

    mesh = plsc.VectorSubcoreMesh(core_axis_name="c", subcore_axis_name="s")
    per_w = e_pad // NW

    sent, recv = pl.kernel(
        _gather_body,
        out_type=[jax.ShapeDtypeStruct((e_pad, D_FEAT), jnp.float32),
                  jax.ShapeDtypeStruct((e_pad, D_FEAT), jnp.float32)],
        mesh=mesh,
        scratch_types=[
            pltpu.VMEM((per_w,), jnp.int32),
            pltpu.VMEM((per_w,), jnp.int32),
            pltpu.VMEM((2, W, D_FEAT), jnp.float32),
            pltpu.VMEM((2, W, D_FEAT), jnp.float32),
        ] + [pltpu.SemaphoreType.DMA] * 8,
    )(emb, senders_p, receivers_p)

    be = 2048
    ne_blk = e_pad // be
    logits, bmax = pl.pallas_call(
        _logits_body,
        grid=(ne_blk,),
        in_specs=[
            pl.BlockSpec((be, D_FEAT), lambda i: (i, 0)),
            pl.BlockSpec((be, D_FEAT), lambda i: (i, 0)),
            pl.BlockSpec((D_FEAT, NUM_HEADS), lambda i: (0, 0)),
        ],
        out_specs=[
            pl.BlockSpec((be, NUM_HEADS), lambda i: (i, 0)),
            pl.BlockSpec((1, 1, NUM_HEADS), lambda i: (i, 0, 0)),
        ],
        out_shape=[jax.ShapeDtypeStruct((e_pad, NUM_HEADS), jnp.float32),
                   jax.ShapeDtypeStruct((ne_blk, 1, NUM_HEADS), jnp.float32)],
    )(sent, recv, sel)

    ex = pl.pallas_call(
        _exp_body,
        grid=(ne_blk,),
        in_specs=[
            pl.BlockSpec((be, NUM_HEADS), lambda i: (i, 0)),
            pl.BlockSpec((ne_blk, 1, NUM_HEADS), lambda i: (0, 0, 0)),
        ],
        out_specs=pl.BlockSpec((be, NUM_HEADS), lambda i: (i, 0)),
        out_shape=jax.ShapeDtypeStruct((e_pad, NUM_HEADS), jnp.float32),
    )(logits, bmax)

    msg = pl.pallas_call(
        _msg_body,
        grid=(ne_blk,),
        in_specs=[
            pl.BlockSpec((be, D_FEAT), lambda i: (i, 0)),
            pl.BlockSpec((be, NUM_HEADS), lambda i: (i, 0)),
            pl.BlockSpec((NUM_HEADS, D_FEAT), lambda i: (0, 0)),
        ],
        out_specs=[pl.BlockSpec((be, D_FEAT), lambda i: (i, 0)),
                   pl.BlockSpec((be, D_FEAT), lambda i: (i, 0))],
        out_shape=[jax.ShapeDtypeStruct((e_pad, D_FEAT), jnp.float32),
                   jax.ShapeDtypeStruct((e_pad, D_FEAT), jnp.float32)],
    )(sent, ex, selt)
    msg, wexp = msg

    zeros128 = jnp.zeros((N_PAD, D_FEAT), jnp.float32)
    part = pl.kernel(
        _scatter_msg_body,
        out_type=jax.ShapeDtypeStruct((2, N_PAD, D_FEAT), jnp.float32),
        mesh=mesh,
        scratch_types=[
            pltpu.VMEM((W,), jnp.int32),
            pltpu.VMEM((W,), jnp.int32),
            pltpu.VMEM((2, W, D_FEAT), jnp.float32),
            pltpu.VMEM_SHARED((N_PAD, D_FEAT), jnp.float32),
        ] + [pltpu.SemaphoreType.DMA] * 6,
    )(receivers_p, msg, zeros128)

    segp = pl.kernel(
        _scatter_msg_body,
        out_type=jax.ShapeDtypeStruct((2, N_PAD, D_FEAT), jnp.float32),
        mesh=mesh,
        scratch_types=[
            pltpu.VMEM((W,), jnp.int32),
            pltpu.VMEM((W,), jnp.int32),
            pltpu.VMEM((2, W, D_FEAT), jnp.float32),
            pltpu.VMEM_SHARED((N_PAD, D_FEAT), jnp.float32),
        ] + [pltpu.SemaphoreType.DMA] * 6,
    )(receivers_p, wexp, zeros128)

    nfb = 10
    frows = n // nfb
    out = pl.pallas_call(
        _final_body,
        grid=(nfb,),
        in_specs=[
            pl.BlockSpec((frows, D_FEAT), lambda i: (i, 0)),
            pl.BlockSpec((frows, D_FEAT), lambda i: (i, 0)),
            pl.BlockSpec((frows, D_FEAT), lambda i: (i, 0)),
            pl.BlockSpec((frows, D_FEAT), lambda i: (i, 0)),
        ],
        out_specs=pl.BlockSpec((frows, D_FEAT), lambda i: (i, 0)),
        out_shape=jax.ShapeDtypeStruct((n, D_FEAT), jnp.float32),
    )(part[0], part[1], segp[0], segp[1])

    return out

# --- scband reference (transcript-rebuilt; emitter-appended) ---
"""Pipeline reference for scband-graph-multi-head-attention-layer-31387620999375 (READ-ONLY COPY).

The authoritative reference and input builder live on the scoring server;
editing this copy changes nothing except your own understanding.
"""

import jax, jax.numpy as jnp
import numpy as np

N_NODES = 10000
N_EDGES = 320000
D_FEAT = 128
NUM_HEADS = 4
FEATS_PER_HEAD = 32
TOTAL_OUT = NUM_HEADS * FEATS_PER_HEAD  # 128


def setup_inputs(seed: int = 0) -> dict:
    key = jax.random.key(seed)
    ks = jax.random.split(key, 8)
    nodes = jax.random.normal(ks[0], (N_NODES, D_FEAT), dtype=jnp.float32)
    senders = jax.random.randint(ks[1], (N_EDGES,), 0, N_NODES, dtype=jnp.int32)
    receivers = jax.random.randint(ks[2], (N_EDGES,), 0, N_NODES, dtype=jnp.int32)
    # MLPTorso with layer_sizes = [*attention_query_layer_sizes[:-1], total_output_features]
    # = [128, 128]; activate_final=True, no layer norm.
    W1 = jax.random.normal(ks[3], (D_FEAT, 128), dtype=jnp.float32) * 0.05
    b1 = jnp.zeros((128,), dtype=jnp.float32)
    W2 = jax.random.normal(ks[4], (128, TOTAL_OUT), dtype=jnp.float32) * 0.05
    b2 = jnp.zeros((TOTAL_OUT,), dtype=jnp.float32)
    return {"nodes": nodes, "senders": senders, "receivers": receivers,
            "W1": W1, "b1": b1, "W2": W2, "b2": b2}


def _segment_softmax(logits, segment_ids, num_segments):
    seg_max = jax.ops.segment_max(logits, segment_ids, num_segments=num_segments)
    shifted = logits - seg_max[segment_ids]
    ex = jnp.exp(shifted)
    seg_sum = jax.ops.segment_sum(ex, segment_ids, num_segments=num_segments)
    return ex / seg_sum[segment_ids]


def reference(nodes, senders, receivers, W1, b1, W2, b2):
    N = nodes.shape[0]
    # attention_query_fn: shared MLP projection, relu activation (activate_final=True)
    h = jax.nn.relu(jnp.dot(nodes, W1) + b1)
    h = jax.nn.relu(jnp.dot(h, W2) + b2)
    emb = jnp.reshape(h, (N, NUM_HEADS, FEATS_PER_HEAD))
    # compute_messages_fn: project sender/receiver features per edge
    sent = emb[senders]      # [E, H, F]
    recv = emb[receivers]    # [E, H, F]
    logits = jnp.einsum('ehf,ehf->eh', sent, recv)
    logits = logits / jnp.sqrt(jnp.float32(FEATS_PER_HEAD))
    weights = _segment_softmax(logits, receivers, N)  # [E, H]
    messages = sent * weights[..., None]              # [E, H, F]
    # aggregate_edges_for_nodes_fn = segment_sum over receivers
    agg = jax.ops.segment_sum(messages, receivers, num_segments=N)  # [N, H, F]
    # node_update_fn: activation then head concat (avg_multi_head=False)
    agg = jax.nn.relu(agg)
    return jnp.reshape(agg, (N, NUM_HEADS * FEATS_PER_HEAD))

if __name__ == "__main__":
    import jax
    _d = setup_inputs()
    print(jax.jit(kernel)(*tuple(_d.values())))

</pallas_src>

<mosaic_0001>
#map = affine_map<(d0, d1) -> (0)>
#map1 = affine_map<(d0, d1) -> (0, 0)>
#map2 = affine_map<(d0, d1) -> (0, 0, 0)>
module attributes {stable_mosaic.version = 14 : i64} {
  func.func @_scatter_msg_body(%arg0: i32, %arg1: i32, %arg2: memref<327680xi32, #tpu.memory_space<hbm>>, %arg3: memref<327680x128xf32, #tpu.memory_space<hbm>>, %arg4: memref<10240x128xf32, #tpu.memory_space<hbm>>, %arg5: memref<2x10240x128xf32, #tpu.memory_space<hbm>>, %arg6: memref<128xi32, #tpu.memory_space<vmem>>, %arg7: memref<128xi32, #tpu.memory_space<vmem>>, %arg8: memref<2x128x128xf32, #tpu.memory_space<vmem>>, %arg9: memref<10240x128xf32, #tpu.memory_space<vmem_shared>>, %arg10: memref<!tpu.dma_semaphore, #tpu.memory_space<semaphore_mem>>, %arg11: memref<!tpu.dma_semaphore, #tpu.memory_space<semaphore_mem>>, %arg12: memref<!tpu.dma_semaphore, #tpu.memory_space<semaphore_mem>>, %arg13: memref<!tpu.dma_semaphore, #tpu.memory_space<semaphore_mem>>, %arg14: memref<!tpu.dma_semaphore, #tpu.memory_space<semaphore_mem>>, %arg15: memref<!tpu.dma_semaphore, #tpu.memory_space<semaphore_mem>>) attributes {dimension_semantics = [#tpu.dimension_semantics<core_parallel>, #tpu.dimension_semantics<subcore_parallel>], iteration_bounds = array<i64: 2, 16>, scalar_prefetch = 0 : i64, scratch_operands = 10 : i64, tpu.core_type = #tpu.core_type<sc_vector_subcore>, window_params = [{transform_indices = #map}, {transform_indices = #map1}, {transform_indices = #map1}, {transform_indices = #map2}]} {
    %mul3A = arith.constant 163840 : i32
    %mul3A_0 = arith.muli %arg0, %mul3A : i32
    %mul3A_1 = arith.constant 10240 : i32
    %mul3A_2 = arith.muli %arg1, %mul3A_1 : i32
    %add3A = arith.addi %mul3A_0, %mul3A_2 : i32
    %mul3A_3 = arith.constant 640 : i32
    %mul3A_4 = arith.muli %arg1, %mul3A_3 : i32
    %mul3A_5 = arith.constant 640 : i32
    %mul3A_6 = arith.muli %arg1, %mul3A_5 : i32
    "tpu.region"() ({
      %run_scoped3A = tpu.sem_alloc : memref<!tpu.dma_semaphore, #tpu.memory_space<semaphore_mem>>
      %dma_start3A_114 = arith.constant 0 : i32
      %dma_start3A_115 = tpu.memref_slice %arg9[%mul3A_6, %dma_start3A_114] : memref<10240x128xf32, #tpu.memory_space<vmem_shared>> -> memref<640x128xf32, #tpu.memory_space<vmem_shared>>
      %dma_start3A_116 = arith.constant 0 : i32
      %dma_start3A_117 = tpu.memref_slice %arg4[%mul3A_4, %dma_start3A_116] : memref<10240x128xf32, #tpu.memory_space<hbm>> -> memref<640x128xf32, #tpu.memory_space<hbm>>
      tpu.enqueue_dma source(%dma_start3A_117 : memref<640x128xf32, #tpu.memory_space<hbm>>) target(%dma_start3A_115 : memref<640x128xf32, #tpu.memory_space<vmem_shared>>) target_semaphore(%run_scoped3A : memref<!tpu.dma_semaphore, #tpu.memory_space<semaphore_mem>>)
      %dma_wait3A_118 = arith.constant 0 : i32
      %dma_wait3A_119 = tpu.memref_slice %arg9[%mul3A_6, %dma_wait3A_118] : memref<10240x128xf32, #tpu.memory_space<vmem_shared>> -> memref<640x128xf32, #tpu.memory_space<vmem_shared>>
      %dma_wait3A_120 = arith.constant 0 : i32
      %dma_wait3A_121 = tpu.memref_slice %arg4[%mul3A_4, %dma_wait3A_120] : memref<10240x128xf32, #tpu.memory_space<hbm>> -> memref<640x128xf32, #tpu.memory_space<hbm>>
      tpu.wait_dma2 semaphore(%run_scoped3A : memref<!tpu.dma_semaphore, #tpu.memory_space<semaphore_mem>>) src(%dma_wait3A_121 : memref<640x128xf32, #tpu.memory_space<hbm>>) dst(%dma_wait3A_119 : memref<640x128xf32, #tpu.memory_space<vmem_shared>>)
      tpu.yield
    }) : () -> ()
    %barrier3A = arith.constant 0 : index
    tpu.barrier barrier_id(%barrier3A)
    %add3A_7 = arith.constant 0 : i32
    %add3A_8 = arith.addi %add3A, %add3A_7 : i32
    %dma_start3A = tpu.memref_slice %arg2[%add3A_8] : memref<327680xi32, #tpu.memory_space<hbm>> -> memref<128xi32, #tpu.memory_space<hbm>>
    %dma_start3A_9 = tpu.memref_slice %arg2[%add3A_8] : memref<327680xi32, #tpu.memory_space<hbm>> -> memref<128xi32, #tpu.memory_space<hbm>>
    tpu.enqueue_dma source(%dma_start3A_9 : memref<128xi32, #tpu.memory_space<hbm>>) target(%arg6 : memref<128xi32, #tpu.memory_space<vmem>>) target_semaphore(%arg10 : memref<!tpu.dma_semaphore, #tpu.memory_space<semaphore_mem>>)
    %dma_start3A_10 = arith.constant 0 : i32
    %dma_start3A_11 = arith.constant 0 : i32
    %dma_start3A_12 = arith.constant 0 : i32
    %dma_start3A_13 = tpu.memref_slice %arg8[%dma_start3A_10, %dma_start3A_11, %dma_start3A_12] : memref<2x128x128xf32, #tpu.memory_space<vmem>> -> memref<1x128x128xf32, #tpu.memory_space<vmem>>
    %dma_start3A_14 = tpu.memref_squeeze %dma_start3A_13 : memref<1x128x128xf32, #tpu.memory_space<vmem>> -> memref<128x128xf32, #tpu.memory_space<vmem>>
    %dma_start3A_15 = arith.constant 0 : i32
    %dma_start3A_16 = tpu.memref_slice %arg3[%add3A_8, %dma_start3A_15] : memref<327680x128xf32, #tpu.memory_space<hbm>> -> memref<128x128xf32, #tpu.memory_space<hbm>>
    %dma_start3A_17 = arith.constant 0 : i32
    %dma_start3A_18 = arith.constant 0 : i32
    %dma_start3A_19 = tpu.memref_slice %arg8[%dma_start3A_10, %dma_start3A_17, %dma_start3A_18] : memref<2x128x128xf32, #tpu.memory_space<vmem>> -> memref<1x128x128xf32, #tpu.memory_space<vmem>>
    %dma_start3A_20 = tpu.memref_squeeze %dma_start3A_19 : memref<1x128x128xf32, #tpu.memory_space<vmem>> -> memref<128x128xf32, #tpu.memory_space<vmem>>
    %dma_start3A_21 = arith.constant 0 : i32
    %dma_start3A_22 = tpu.memref_slice %arg3[%add3A_8, %dma_start3A_21] : memref<327680x128xf32, #tpu.memory_space<hbm>> -> memref<128x128xf32, #tpu.memory_space<hbm>>
    tpu.enqueue_dma source(%dma_start3A_22 : memref<128x128xf32, #tpu.memory_space<hbm>>) target(%dma_start3A_20 : memref<128x128xf32, #tpu.memory_space<vmem>>) target_semaphore(%arg12 : memref<!tpu.dma_semaphore, #tpu.memory_space<semaphore_mem>>)
    %add3A_23 = arith.constant 0 : i32
    %add3A_24 = arith.addi %add3A, %add3A_23 : i32
    %dma_wait3A = tpu.memref_slice %arg2[%add3A_24] : memref<327680xi32, #tpu.memory_space<hbm>> -> memref<128xi32, #tpu.memory_space<hbm>>
    %dma_wait3A_25 = tpu.memref_slice %arg2[%add3A_24] : memref<327680xi32, #tpu.memory_space<hbm>> -> memref<128xi32, #tpu.memory_space<hbm>>
    tpu.wait_dma2 semaphore(%arg10 : memref<!tpu.dma_semaphore, #tpu.memory_space<semaphore_mem>>) src(%dma_wait3A_25 : memref<128xi32, #tpu.memory_space<hbm>>) dst(%arg6 : memref<128xi32, #tpu.memory_space<vmem>>)
    %dma_wait3A_26 = arith.constant 0 : i32
    %dma_wait3A_27 = arith.constant 0 : i32
    %dma_wait3A_28 = arith.constant 0 : i32
    %dma_wait3A_29 = tpu.memref_slice %arg8[%dma_wait3A_26, %dma_wait3A_27, %dma_wait3A_28] : memref<2x128x128xf32, #tpu.memory_space<vmem>> -> memref<1x128x128xf32, #tpu.memory_space<vmem>>
    %dma_wait3A_30 = tpu.memref_squeeze %dma_wait3A_29 : memref<1x128x128xf32, #tpu.memory_space<vmem>> -> memref<128x128xf32, #tpu.memory_space<vmem>>
    %dma_wait3A_31 = arith.constant 0 : i32
    %dma_wait3A_32 = tpu.memref_slice %arg3[%add3A_24, %dma_wait3A_31] : memref<327680x128xf32, #tpu.memory_space<hbm>> -> memref<128x128xf32, #tpu.memory_space<hbm>>
    %dma_wait3A_33 = arith.constant 0 : i32
    %dma_wait3A_34 = arith.constant 0 : i32
    %dma_wait3A_35 = tpu.memref_slice %arg8[%dma_wait3A_26, %dma_wait3A_33, %dma_wait3A_34] : memref<2x128x128xf32, #tpu.memory_space<vmem>> -> memref<1x128x128xf32, #tpu.memory_space<vmem>>
    %dma_wait3A_36 = tpu.memref_squeeze %dma_wait3A_35 : memref<1x128x128xf32, #tpu.memory_space<vmem>> -> memref<128x128xf32, #tpu.memory_space<vmem>>
    %dma_wait3A_37 = arith.constant 0 : i32
    %dma_wait3A_38 = tpu.memref_slice %arg3[%add3A_24, %dma_wait3A_37] : memref<327680x128xf32, #tpu.memory_space<hbm>> -> memref<128x128xf32, #tpu.memory_space<hbm>>
    tpu.wait_dma2 semaphore(%arg12 : memref<!tpu.dma_semaphore, #tpu.memory_space<semaphore_mem>>) src(%dma_wait3A_38 : memref<128x128xf32, #tpu.memory_space<hbm>>) dst(%dma_wait3A_36 : memref<128x128xf32, #tpu.memory_space<vmem>>)
    %add3A_39 = arith.constant 128 : i32
    %add3A_40 = arith.addi %add3A, %add3A_39 : i32
    %dma_start3A_41 = tpu.memref_slice %arg2[%add3A_40] : memref<327680xi32, #tpu.memory_space<hbm>> -> memref<128xi32, #tpu.memory_space<hbm>>
    %dma_start3A_42 = tpu.memref_slice %arg2[%add3A_40] : memref<327680xi32, #tpu.memory_space<hbm>> -> memref<128xi32, #tpu.memory_space<hbm>>
    tpu.enqueue_dma source(%dma_start3A_42 : memref<128xi32, #tpu.memory_space<hbm>>) target(%arg7 : memref<128xi32, #tpu.memory_space<vmem>>) target_semaphore(%arg11 : memref<!tpu.dma_semaphore, #tpu.memory_space<semaphore_mem>>)
    %dma_start3A_43 = arith.constant 1 : i32
    %dma_start3A_44 = arith.constant 0 : i32
    %dma_start3A_45 = arith.constant 0 : i32
    %dma_start3A_46 = tpu.memref_slice %arg8[%dma_start3A_43, %dma_start3A_44, %dma_start3A_45] : memref<2x128x128xf32, #tpu.memory_space<vmem>> -> memref<1x128x128xf32, #tpu.memory_space<vmem>>
    %dma_start3A_47 = tpu.memref_squeeze %dma_start3A_46 : memref<1x128x128xf32, #tpu.memory_space<vmem>> -> memref<128x128xf32, #tpu.memory_space<vmem>>
    %dma_start3A_48 = arith.constant 0 : i32
    %dma_start3A_49 = tpu.memref_slice %arg3[%add3A_40, %dma_start3A_48] : memref<327680x128xf32, #tpu.memory_space<hbm>> -> memref<128x128xf32, #tpu.memory_space<hbm>>
    %dma_start3A_50 = arith.constant 0 : i32
    %dma_start3A_51 = arith.constant 0 : i32
    %dma_start3A_52 = tpu.memref_slice %arg8[%dma_start3A_43, %dma_start3A_50, %dma_start3A_51] : memref<2x128x128xf32, #tpu.memory_space<vmem>> -> memref<1x128x128xf32, #tpu.memory_space<vmem>>
    %dma_start3A_53 = tpu.memref_squeeze %dma_start3A_52 : memref<1x128x128xf32, #tpu.memory_space<vmem>> -> memref<128x128xf32, #tpu.memory_space<vmem>>
    %dma_start3A_54 = arith.constant 0 : i32
    %dma_start3A_55 = tpu.memref_slice %arg3[%add3A_40, %dma_start3A_54] : memref<327680x128xf32, #tpu.memory_space<hbm>> -> memref<128x128xf32, #tpu.memory_space<hbm>>
    tpu.enqueue_dma source(%dma_start3A_55 : memref<128x128xf32, #tpu.memory_space<hbm>>) target(%dma_start3A_53 : memref<128x128xf32, #tpu.memory_space<vmem>>) target_semaphore(%arg13 : memref<!tpu.dma_semaphore, #tpu.memory_space<semaphore_mem>>)
    %dma_start3A_56 = arith.constant 0 : i32
    %dma_start3A_57 = arith.constant 0 : i32
    %dma_start3A_58 = arith.constant 0 : i32
    %dma_start3A_59 = tpu.memref_slice %arg8[%dma_start3A_56, %dma_start3A_57, %dma_start3A_58] : memref<2x128x128xf32, #tpu.memory_space<vmem>> -> memref<1x128x128xf32, #tpu.memory_space<vmem>>
    %dma_start3A_60 = tpu.memref_squeeze %dma_start3A_59 : memref<1x128x128xf32, #tpu.memory_space<vmem>> -> memref<128x128xf32, #tpu.memory_space<vmem>>
    %dma_start3A_61 = arith.constant 0 : i32
    %dma_start3A_62 = arith.constant 0 : i32
    %dma_start3A_63 = tpu.memref_slice %arg9[%dma_start3A_61, %dma_start3A_62] : memref<10240x128xf32, #tpu.memory_space<vmem_shared>> -> memref<10240x128xf32, #tpu.memory_space<vmem_shared>>
    tpu.enqueue_indirect_dma source(%dma_start3A_60 : memref<128x128xf32, #tpu.memory_space<vmem>>) target(%dma_start3A_63 : memref<10240x128xf32, #tpu.memory_space<vmem_shared>>) offsets(%arg6 : memref<128xi32, #tpu.memory_space<vmem>>) semaphore(%arg14 : memref<!tpu.dma_semaphore, #tpu.memory_space<semaphore_mem>>) {add = true}
    %scan3A = arith.constant 0 : i32
    %scan3A_64 = arith.constant 39 : i32
    %scan3A_65 = arith.addi %scan3A, %scan3A_64 : i32
    %scan3A_66 = arith.constant 1 : i32
    scf.for %scan3A_114 = %scan3A to %scan3A_65 step %scan3A_66  : i32 {
      %mul3A_115 = arith.constant 2 : i32
      %mul3A_116 = arith.muli %mul3A_115, %scan3A_114 : i32
      %add3A_117 = arith.constant 1 : i32
      %add3A_118 = arith.addi %mul3A_116, %add3A_117 : i32
      %mul3A_119 = arith.constant 128 : i32
      %mul3A_120 = arith.muli %add3A_118, %mul3A_119 : i32
      %add3A_121 = arith.addi %add3A, %mul3A_120 : i32
      %dma_wait3A_122 = tpu.memref_slice %arg2[%add3A_121] : memref<327680xi32, #tpu.memory_space<hbm>> -> memref<128xi32, #tpu.memory_space<hbm>>
      %dma_wait3A_123 = tpu.memref_slice %arg2[%add3A_121] : memref<327680xi32, #tpu.memory_space<hbm>> -> memref<128xi32, #tpu.memory_space<hbm>>
      tpu.wait_dma2 semaphore(%arg11 : memref<!tpu.dma_semaphore, #tpu.memory_space<semaphore_mem>>) src(%dma_wait3A_123 : memref<128xi32, #tpu.memory_space<hbm>>) dst(%arg7 : memref<128xi32, #tpu.memory_space<vmem>>)
      %dma_wait3A_124 = arith.constant 1 : i32
      %dma_wait3A_125 = arith.constant 0 : i32
      %dma_wait3A_126 = arith.constant 0 : i32
      %dma_wait3A_127 = tpu.memref_slice %arg8[%dma_wait3A_124, %dma_wait3A_125, %dma_wait3A_126] : memref<2x128x128xf32, #tpu.memory_space<vmem>> -> memref<1x128x128xf32, #tpu.memory_space<vmem>>
      %dma_wait3A_128 = tpu.memref_squeeze %dma_wait3A_127 : memref<1x128x128xf32, #tpu.memory_space<vmem>> -> memref<128x128xf32, #tpu.memory_space<vmem>>
      %dma_wait3A_129 = arith.constant 0 : i32
      %dma_wait3A_130 = tpu.memref_slice %arg3[%add3A_121, %dma_wait3A_129] : memref<327680x128xf32, #tpu.memory_space<hbm>> -> memref<128x128xf32, #tpu.memory_space<hbm>>
      %dma_wait3A_131 = arith.constant 0 : i32
      %dma_wait3A_132 = arith.constant 0 : i32
      %dma_wait3A_133 = tpu.memref_slice %arg8[%dma_wait3A_124, %dma_wait3A_131, %dma_wait3A_132] : memref<2x128x128xf32, #tpu.memory_space<vmem>> -> memref<1x128x128xf32, #tpu.memory_space<vmem>>
      %dma_wait3A_134 = tpu.memref_squeeze %dma_wait3A_133 : memref<1x128x128xf32, #tpu.memory_space<vmem>> -> memref<128x128xf32, #tpu.memory_space<vmem>>
      %dma_wait3A_135 = arith.constant 0 : i32
      %dma_wait3A_136 = tpu.memref_slice %arg3[%add3A_121, %dma_wait3A_135] : memref<327680x128xf32, #tpu.memory_space<hbm>> -> memref<128x128xf32, #tpu.memory_space<hbm>>
      tpu.wait_dma2 semaphore(%arg13 : memref<!tpu.dma_semaphore, #tpu.memory_space<semaphore_mem>>) src(%dma_wait3A_136 : memref<128x128xf32, #tpu.memory_space<hbm>>) dst(%dma_wait3A_134 : memref<128x128xf32, #tpu.memory_space<vmem>>)
      %sub3A = arith.constant 1 : i32
      %sub3A_137 = arith.subi %add3A_118, %sub3A : i32
      %dma_wait3A_138 = arith.constant 0 : i32
      %dma_wait3A_139 = arith.constant 0 : i32
      %dma_wait3A_140 = arith.constant 0 : i32
      %dma_wait3A_141 = tpu.memref_slice %arg8[%dma_wait3A_138, %dma_wait3A_139, %dma_wait3A_140] : memref<2x128x128xf32, #tpu.memory_space<vmem>> -> memref<1x128x128xf32, #tpu.memory_space<vmem>>
      %dma_wait3A_142 = tpu.memref_squeeze %dma_wait3A_141 : memref<1x128x128xf32, #tpu.memory_space<vmem>> -> memref<128x128xf32, #tpu.memory_space<vmem>>
      %dma_wait3A_143 = arith.constant 0 : i32
      %dma_wait3A_144 = arith.constant 0 : i32
      %dma_wait3A_145 = tpu.memref_slice %arg9[%dma_wait3A_143, %dma_wait3A_144] : memref<10240x128xf32, #tpu.memory_space<vmem_shared>> -> memref<10240x128xf32, #tpu.memory_space<vmem_shared>>
      tpu.wait_indirect_dma semaphore(%arg14 : memref<!tpu.dma_semaphore, #tpu.memory_space<semaphore_mem>>) src(%dma_wait3A_142 : memref<128x128xf32, #tpu.memory_space<vmem>>) dst(%dma_wait3A_145 : memref<10240x128xf32, #tpu.memory_space<vmem_shared>>)
      %add3A_146 = arith.constant 1 : i32
      %add3A_147 = arith.addi %add3A_118, %add3A_146 : i32
      %mul3A_148 = arith.constant 128 : i32
      %mul3A_149 = arith.muli %add3A_147, %mul3A_148 : i32
      %add3A_150 = arith.addi %add3A, %mul3A_149 : i32
      %dma_start3A_151 = tpu.memref_slice %arg2[%add3A_150] : memref<327680xi32, #tpu.memory_space<hbm>> -> memref<128xi32, #tpu.memory_space<hbm>>
      %dma_start3A_152 = tpu.memref_slice %arg2[%add3A_150] : memref<327680xi32, #tpu.memory_space<hbm>> -> memref<128xi32, #tpu.memory_space<hbm>>
      tpu.enqueue_dma source(%dma_start3A_152 : memref<128xi32, #tpu.memory_space<hbm>>) target(%arg6 : memref<128xi32, #tpu.memory_space<vmem>>) target_semaphore(%arg10 : memref<!tpu.dma_semaphore, #tpu.memory_space<semaphore_mem>>)
      %dma_start3A_153 = arith.constant 0 : i32
      %dma_start3A_154 = arith.constant 0 : i32
      %dma_start3A_155 = arith.constant 0 : i32
      %dma_start3A_156 = tpu.memref_slice %arg8[%dma_start3A_153, %dma_start3A_154, %dma_start3A_155] : memref<2x128x128xf32, #tpu.memory_space<vmem>> -> memref<1x128x128xf32, #tpu.memory_space<vmem>>
      %dma_start3A_157 = tpu.memref_squeeze %dma_start3A_156 : memref<1x128x128xf32, #tpu.memory_space<vmem>> -> memref<128x128xf32, #tpu.memory_space<vmem>>
      %dma_start3A_158 = arith.constant 0 : i32
      %dma_start3A_159 = tpu.memref_slice %arg3[%add3A_150, %dma_start3A_158] : memref<327680x128xf32, #tpu.memory_space<hbm>> -> memref<128x128xf32, #tpu.memory_space<hbm>>
      %dma_start3A_160 = arith.constant 0 : i32
      %dma_start3A_161 = arith.constant 0 : i32
      %dma_start3A_162 = tpu.memref_slice %arg8[%dma_start3A_153, %dma_start3A_160, %dma_start3A_161] : memref<2x128x128xf32, #tpu.memory_space<vmem>> -> memref<1x128x128xf32, #tpu.memory_space<vmem>>
      %dma_start3A_163 = tpu.memref_squeeze %dma_start3A_162 : memref<1x128x128xf32, #tpu.memory_space<vmem>> -> memref<128x128xf32, #tpu.memory_space<vmem>>
      %dma_start3A_164 = arith.constant 0 : i32
      %dma_start3A_165 = tpu.memref_slice %arg3[%add3A_150, %dma_start3A_164] : memref<327680x128xf32, #tpu.memory_space<hbm>> -> memref<128x128xf32, #tpu.memory_space<hbm>>
      tpu.enqueue_dma source(%dma_start3A_165 : memref<128x128xf32, #tpu.memory_space<hbm>>) target(%dma_start3A_163 : memref<128x128xf32, #tpu.memory_space<vmem>>) target_semaphore(%arg12 : memref<!tpu.dma_semaphore, #tpu.memory_space<semaphore_mem>>)
      %dma_start3A_166 = arith.constant 1 : i32
      %dma_start3A_167 = arith.constant 0 : i32
      %dma_start3A_168 = arith.constant 0 : i32
      %dma_start3A_169 = tpu.memref_slice %arg8[%dma_start3A_166, %dma_start3A_167, %dma_start3A_168] : memref<2x128x128xf32, #tpu.memory_space<vmem>> -> memref<1x128x128xf32, #tpu.memory_space<vmem>>
      %dma_start3A_170 = tpu.memref_squeeze %dma_start3A_169 : memref<1x128x128xf32, #tpu.memory_space<vmem>> -> memref<128x128xf32, #tpu.memory_space<vmem>>
      %dma_start3A_171 = arith.constant 0 : i32
      %dma_start3A_172 = arith.constant 0 : i32
      %dma_start3A_173 = tpu.memref_slice %arg9[%dma_start3A_171, %dma_start3A_172] : memref<10240x128xf32, #tpu.memory_space<vmem_shared>> -> memref<10240x128xf32, #tpu.memory_space<vmem_shared>>
      tpu.enqueue_indirect_dma source(%dma_start3A_170 : memref<128x128xf32, #tpu.memory_space<vmem>>) target(%dma_start3A_173 : memref<10240x128xf32, #tpu.memory_space<vmem_shared>>) offsets(%arg7 : memref<128xi32, #tpu.memory_space<vmem>>) semaphore(%arg15 : memref<!tpu.dma_semaphore, #tpu.memory_space<semaphore_mem>>) {add = true}
      %mul3A_174 = arith.constant 2 : i32
      %mul3A_175 = arith.muli %mul3A_174, %scan3A_114 : i32
      %add3A_176 = arith.constant 2 : i32
      %add3A_177 = arith.addi %mul3A_175, %add3A_176 : i32
      %mul3A_178 = arith.constant 128 : i32
      %mul3A_179 = arith.muli %add3A_177, %mul3A_178 : i32
      %add3A_180 = arith.addi %add3A, %mul3A_179 : i32
      %dma_wait3A_181 = tpu.memref_slice %arg2[%add3A_180] : memref<327680xi32, #tpu.memory_space<hbm>> -> memref<128xi32, #tpu.memory_space<hbm>>
      %dma_wait3A_182 = tpu.memref_slice %arg2[%add3A_180] : memref<327680xi32, #tpu.memory_space<hbm>> -> memref<128xi32, #tpu.memory_space<hbm>>
      tpu.wait_dma2 semaphore(%arg10 : memref<!tpu.dma_semaphore, #tpu.memory_space<semaphore_mem>>) src(%dma_wait3A_182 : memref<128xi32, #tpu.memory_space<hbm>>) dst(%arg6 : memref<128xi32, #tpu.memory_space<vmem>>)
      %dma_wait3A_183 = arith.constant 0 : i32
      %dma_wait3A_184 = arith.constant 0 : i32
      %dma_wait3A_185 = arith.constant 0 : i32
      %dma_wait3A_186 = tpu.memref_slice %arg8[%dma_wait3A_183, %dma_wait3A_184, %dma_wait3A_185] : memref<2x128x128xf32, #tpu.memory_space<vmem>> -> memref<1x128x128xf32, #tpu.memory_space<vmem>>
      %dma_wait3A_187 = tpu.memref_squeeze %dma_wait3A_186 : memref<1x128x128xf32, #tpu.memory_space<vmem>> -> memref<128x128xf32, #tpu.memory_space<vmem>>
      %dma_wait3A_188 = arith.constant 0 : i32
      %dma_wait3A_189 = tpu.memref_slice %arg3[%add3A_180, %dma_wait3A_188] : memref<327680x128xf32, #tpu.memory_space<hbm>> -> memref<128x128xf32, #tpu.memory_space<hbm>>
      %dma_wait3A_190 = arith.constant 0 : i32
      %dma_wait3A_191 = arith.constant 0 : i32
      %dma_wait3A_192 = tpu.memref_slice %arg8[%dma_wait3A_183, %dma_wait3A_190, %dma_wait3A_191] : memref<2x128x128xf32, #tpu.memory_space<vmem>> -> memref<1x128x128xf32, #tpu.memory_space<vmem>>
      %dma_wait3A_193 = tpu.memref_squeeze %dma_wait3A_192 : memref<1x128x128xf32, #tpu.memory_space<vmem>> -> memref<128x128xf32, #tpu.memory_space<vmem>>
      %dma_wait3A_194 = arith.constant 0 : i32
      %dma_wait3A_195 = tpu.memref_slice %arg3[%add3A_180, %dma_wait3A_194] : memref<327680x128xf32, #tpu.memory_space<hbm>> -> memref<128x128xf32, #tpu.memory_space<hbm>>
      tpu.wait_dma2 semaphore(%arg12 : memref<!tpu.dma_semaphore, #tpu.memory_space<semaphore_mem>>) src(%dma_wait3A_195 : memref<128x128xf32, #tpu.memory_space<hbm>>) dst(%dma_wait3A_193 : memref<128x128xf32, #tpu.memory_space<vmem>>)
      %sub3A_196 = arith.constant 1 : i32
      %sub3A_197 = arith.subi %add3A_177, %sub3A_196 : i32
      %dma_wait3A_198 = arith.constant 1 : i32
      %dma_wait3A_199 = arith.constant 0 : i32
      %dma_wait3A_200 = arith.constant 0 : i32
      %dma_wait3A_201 = tpu.memref_slice %arg8[%dma_wait3A_198, %dma_wait3A_199, %dma_wait3A_200] : memref<2x128x128xf32, #tpu.memory_space<vmem>> -> memref<1x128x128xf32, #tpu.memory_space<vmem>>
      %dma_wait3A_202 = tpu.memref_squeeze %dma_wait3A_201 : memref<1x128x128xf32, #tpu.memory_space<vmem>> -> memref<128x128xf32, #tpu.memory_space<vmem>>
      %dma_wait3A_203 = arith.constant 0 : i32
      %dma_wait3A_204 = arith.constant 0 : i32
      %dma_wait3A_205 = tpu.memref_slice %arg9[%dma_wait3A_203, %dma_wait3A_204] : memref<10240x128xf32, #tpu.memory_space<vmem_shared>> -> memref<10240x128xf32, #tpu.memory_space<vmem_shared>>
      tpu.wait_indirect_dma semaphore(%arg15 : memref<!tpu.dma_semaphore, #tpu.memory_space<semaphore_mem>>) src(%dma_wait3A_202 : memref<128x128xf32, #tpu.memory_space<vmem>>) dst(%dma_wait3A_205 : memref<10240x128xf32, #tpu.memory_space<vmem_shared>>)
      %add3A_206 = arith.constant 1 : i32
      %add3A_207 = arith.addi %add3A_177, %add3A_206 : i32
      %mul3A_208 = arith.constant 128 : i32
      %mul3A_209 = arith.muli %add3A_207, %mul3A_208 : i32
      %add3A_210 = arith.addi %add3A, %mul3A_209 : i32
      %dma_start3A_211 = tpu.memref_slice %arg2[%add3A_210] : memref<327680xi32, #tpu.memory_space<hbm>> -> memref<128xi32, #tpu.memory_space<hbm>>
      %dma_start3A_212 = tpu.memref_slice %arg2[%add3A_210] : memref<327680xi32, #tpu.memory_space<hbm>> -> memref<128xi32, #tpu.memory_space<hbm>>
      tpu.enqueue_dma source(%dma_start3A_212 : memref<128xi32, #tpu.memory_space<hbm>>) target(%arg7 : memref<128xi32, #tpu.memory_space<vmem>>) target_semaphore(%arg11 : memref<!tpu.dma_semaphore, #tpu.memory_space<semaphore_mem>>)
      %dma_start3A_213 = arith.constant 1 : i32
      %dma_start3A_214 = arith.constant 0 : i32
      %dma_start3A_215 = arith.constant 0 : i32
      %dma_start3A_216 = tpu.memref_slice %arg8[%dma_start3A_213, %dma_start3A_214, %dma_start3A_215] : memref<2x128x128xf32, #tpu.memory_space<vmem>> -> memref<1x128x128xf32, #tpu.memory_space<vmem>>
      %dma_start3A_217 = tpu.memref_squeeze %dma_start3A_216 : memref<1x128x128xf32, #tpu.memory_space<vmem>> -> memref<128x128xf32, #tpu.memory_space<vmem>>
      %dma_start3A_218 = arith.constant 0 : i32
      %dma_start3A_219 = tpu.memref_slice %arg3[%add3A_210, %dma_start3A_218] : memref<327680x128xf32, #tpu.memory_space<hbm>> -> memref<128x128xf32, #tpu.memory_space<hbm>>
      %dma_start3A_220 = arith.constant 0 : i32
      %dma_start3A_221 = arith.constant 0 : i32
      %dma_start3A_222 = tpu.memref_slice %arg8[%dma_start3A_213, %dma_start3A_220, %dma_start3A_221] : memref<2x128x128xf32, #tpu.memory_space<vmem>> -> memref<1x128x128xf32, #tpu.memory_space<vmem>>
      %dma_start3A_223 = tpu.memref_squeeze %dma_start3A_222 : memref<1x128x128xf32, #tpu.memory_space<vmem>> -> memref<128x128xf32, #tpu.memory_space<vmem>>
      %dma_start3A_224 = arith.constant 0 : i32
      %dma_start3A_225 = tpu.memref_slice %arg3[%add3A_210, %dma_start3A_224] : memref<327680x128xf32, #tpu.memory_space<hbm>> -> memref<128x128xf32, #tpu.memory_space<hbm>>
      tpu.enqueue_dma source(%dma_start3A_225 : memref<128x128xf32, #tpu.memory_space<hbm>>) target(%dma_start3A_223 : memref<128x128xf32, #tpu.memory_space<vmem>>) target_semaphore(%arg13 : memref<!tpu.dma_semaphore, #tpu.memory_space<semaphore_mem>>)
      %dma_start3A_226 = arith.constant 0 : i32
      %dma_start3A_227 = arith.constant 0 : i32
      %dma_start3A_228 = arith.constant 0 : i32
      %dma_start3A_229 = tpu.memref_slice %arg8[%dma_start3A_226, %dma_start3A_227, %dma_start3A_228] : memref<2x128x128xf32, #tpu.memory_space<vmem>> -> memref<1x128x128xf32, #tpu.memory_space<vmem>>
      %dma_start3A_230 = tpu.memref_squeeze %dma_start3A_229 : memref<1x128x128xf32, #tpu.memory_space<vmem>> -> memref<128x128xf32, #tpu.memory_space<vmem>>
      %dma_start3A_231 = arith.constant 0 : i32
      %dma_start3A_232 = arith.constant 0 : i32
      %dma_start3A_233 = tpu.memref_slice %arg9[%dma_start3A_231, %dma_start3A_232] : memref<10240x128xf32, #tpu.memory_space<vmem_shared>> -> memref<10240x128xf32, #tpu.memory_space<vmem_shared>>
      tpu.enqueue_indirect_dma source(%dma_start3A_230 : memref<128x128xf32, #tpu.memory_space<vmem>>) target(%dma_start3A_233 : memref<10240x128xf32, #tpu.memory_space<vmem_shared>>) offsets(%arg6 : memref<128xi32, #tpu.memory_space<vmem>>) semaphore(%arg14 : memref<!tpu.dma_semaphore, #tpu.memory_space<semaphore_mem>>) {add = true}
    }
    %scan3A_67 = arith.constant 39 : i32
    %add3A_68 = arith.constant 10112 : i32
    %add3A_69 = arith.addi %add3A, %add3A_68 : i32
    %dma_wait3A_70 = tpu.memref_slice %arg2[%add3A_69] : memref<327680xi32, #tpu.memory_space<hbm>> -> memref<128xi32, #tpu.memory_space<hbm>>
    %dma_wait3A_71 = tpu.memref_slice %arg2[%add3A_69] : memref<327680xi32, #tpu.memory_space<hbm>> -> memref<128xi32, #tpu.memory_space<hbm>>
    tpu.wait_dma2 semaphore(%arg11 : memref<!tpu.dma_semaphore, #tpu.memory_space<semaphore_mem>>) src(%dma_wait3A_71 : memref<128xi32, #tpu.memory_space<hbm>>) dst(%arg7 : memref<128xi32, #tpu.memory_space<vmem>>)
    %dma_wait3A_72 = arith.constant 1 : i32
    %dma_wait3A_73 = arith.constant 0 : i32
    %dma_wait3A_74 = arith.constant 0 : i32
    %dma_wait3A_75 = tpu.memref_slice %arg8[%dma_wait3A_72, %dma_wait3A_73, %dma_wait3A_74] : memref<2x128x128xf32, #tpu.memory_space<vmem>> -> memref<1x128x128xf32, #tpu.memory_space<vmem>>
    %dma_wait3A_76 = tpu.memref_squeeze %dma_wait3A_75 : memref<1x128x128xf32, #tpu.memory_space<vmem>> -> memref<128x128xf32, #tpu.memory_space<vmem>>
    %dma_wait3A_77 = arith.constant 0 : i32
    %dma_wait3A_78 = tpu.memref_slice %arg3[%add3A_69, %dma_wait3A_77] : memref<327680x128xf32, #tpu.memory_space<hbm>> -> memref<128x128xf32, #tpu.memory_space<hbm>>
    %dma_wait3A_79 = arith.constant 0 : i32
    %dma_wait3A_80 = arith.constant 0 : i32
    %dma_wait3A_81 = tpu.memref_slice %arg8[%dma_wait3A_72, %dma_wait3A_79, %dma_wait3A_80] : memref<2x128x128xf32, #tpu.memory_space<vmem>> -> memref<1x128x128xf32, #tpu.memory_space<vmem>>
    %dma_wait3A_82 = tpu.memref_squeeze %dma_wait3A_81 : memref<1x128x128xf32, #tpu.memory_space<vmem>> -> memref<128x128xf32, #tpu.memory_space<vmem>>
    %dma_wait3A_83 = arith.constant 0 : i32
    %dma_wait3A_84 = tpu.memref_slice %arg3[%add3A_69, %dma_wait3A_83] : memref<327680x128xf32, #tpu.memory_space<hbm>> -> memref<128x128xf32, #tpu.memory_space<hbm>>
    tpu.wait_dma2 semaphore(%arg13 : memref<!tpu.dma_semaphore, #tpu.memory_space<semaphore_mem>>) src(%dma_wait3A_84 : memref<128x128xf32, #tpu.memory_space<hbm>>) dst(%dma_wait3A_82 : memref<128x128xf32, #tpu.memory_space<vmem>>)
    %dma_wait3A_85 = arith.constant 0 : i32
    %dma_wait3A_86 = arith.constant 0 : i32
    %dma_wait3A_87 = arith.constant 0 : i32
    %dma_wait3A_88 = tpu.memref_slice %arg8[%dma_wait3A_85, %dma_wait3A_86, %dma_wait3A_87] : memref<2x128x128xf32, #tpu.memory_space<vmem>> -> memref<1x128x128xf32, #tpu.memory_space<vmem>>
    %dma_wait3A_89 = tpu.memref_squeeze %dma_wait3A_88 : memref<1x128x128xf32, #tpu.memory_space<vmem>> -> memref<128x128xf32, #tpu.memory_space<vmem>>
    %dma_wait3A_90 = arith.constant 0 : i32
    %dma_wait3A_91 = arith.constant 0 : i32
    %dma_wait3A_92 = tpu.memref_slice %arg9[%dma_wait3A_90, %dma_wait3A_91] : memref<10240x128xf32, #tpu.memory_space<vmem_shared>> -> memref<10240x128xf32, #tpu.memory_space<vmem_shared>>
    tpu.wait_indirect_dma semaphore(%arg14 : memref<!tpu.dma_semaphore, #tpu.memory_space<semaphore_mem>>) src(%dma_wait3A_89 : memref<128x128xf32, #tpu.memory_space<vmem>>) dst(%dma_wait3A_92 : memref<10240x128xf32, #tpu.memory_space<vmem_shared>>)
    %dma_start3A_93 = arith.constant 1 : i32
    %dma_start3A_94 = arith.constant 0 : i32
    %dma_start3A_95 = arith.constant 0 : i32
    %dma_start3A_96 = tpu.memref_slice %arg8[%dma_start3A_93, %dma_start3A_94, %dma_start3A_95] : memref<2x128x128xf32, #tpu.memory_space<vmem>> -> memref<1x128x128xf32, #tpu.memory_space<vmem>>
    %dma_start3A_97 = tpu.memref_squeeze %dma_start3A_96 : memref<1x128x128xf32, #tpu.memory_space<vmem>> -> memref<128x128xf32, #tpu.memory_space<vmem>>
    %dma_start3A_98 = arith.constant 0 : i32
    %dma_start3A_99 = arith.constant 0 : i32
    %dma_start3A_100 = tpu.memref_slice %arg9[%dma_start3A_98, %dma_start3A_99] : memref<10240x128xf32, #tpu.memory_space<vmem_shared>> -> memref<10240x128xf32, #tpu.memory_space<vmem_shared>>
    tpu.enqueue_indirect_dma source(%dma_start3A_97 : memref<128x128xf32, #tpu.memory_space<vmem>>) target(%dma_start3A_100 : memref<10240x128xf32, #tpu.memory_space<vmem_shared>>) offsets(%arg7 : memref<128xi32, #tpu.memory_space<vmem>>) semaphore(%arg15 : memref<!tpu.dma_semaphore, #tpu.memory_space<semaphore_mem>>) {add = true}
    %dma_wait3A_101 = arith.constant 1 : i32
    %dma_wait3A_102 = arith.constant 0 : i32
    %dma_wait3A_103 = arith.constant 0 : i32
    %dma_wait3A_104 = tpu.memref_slice %arg8[%dma_wait3A_101, %dma_wait3A_102, %dma_wait3A_103] : memref<2x128x128xf32, #tpu.memory_space<vmem>> -> memref<1x128x128xf32, #tpu.memory_space<vmem>>
    %dma_wait3A_105 = tpu.memref_squeeze %dma_wait3A_104 : memref<1x128x128xf32, #tpu.memory_space<vmem>> -> memref<128x128xf32, #tpu.memory_space<vmem>>
    %dma_wait3A_106 = arith.constant 0 : i32
    %dma_wait3A_107 = arith.constant 0 : i32
    %dma_wait3A_108 = tpu.memref_slice %arg9[%dma_wait3A_106, %dma_wait3A_107] : memref<10240x128xf32, #tpu.memory_space<vmem_shared>> -> memref<10240x128xf32, #tpu.memory_space<vmem_shared>>
    tpu.wait_indirect_dma semaphore(%arg15 : memref<!tpu.dma_semaphore, #tpu.memory_space<semaphore_mem>>) src(%dma_wait3A_105 : memref<128x128xf32, #tpu.memory_space<vmem>>) dst(%dma_wait3A_108 : memref<10240x128xf32, #tpu.memory_space<vmem_shared>>)
    %barrier3A_109 = arith.constant 0 : index
    tpu.barrier barrier_id(%barrier3A_109)
    %mul3A_110 = arith.constant 640 : i32
    %mul3A_111 = arith.muli %arg1, %mul3A_110 : i32
    %mul3A_112 = arith.constant 640 : i32
    %mul3A_113 = arith.muli %arg1, %mul3A_112 : i32
    "tpu.region"() ({
      %run_scoped3A = tpu.sem_alloc : memref<!tpu.dma_semaphore, #tpu.memory_space<semaphore_mem>>
      %dma_start3A_114 = arith.constant 0 : i32
      %dma_start3A_115 = tpu.memref_slice %arg5[%arg0, %mul3A_113, %dma_start3A_114] : memref<2x10240x128xf32, #tpu.memory_space<hbm>> -> memref<1x640x128xf32, #tpu.memory_space<hbm>>
      %dma_start3A_116 = tpu.memref_squeeze %dma_start3A_115 : memref<1x640x128xf32, #tpu.memory_space<hbm>> -> memref<640x128xf32, #tpu.memory_space<hbm>>
      %dma_start3A_117 = arith.constant 0 : i32
      %dma_start3A_118 = tpu.memref_slice %arg9[%mul3A_111, %dma_start3A_117] : memref<10240x128xf32, #tpu.memory_space<vmem_shared>> -> memref<640x128xf32, #tpu.memory_space<vmem_shared>>
      tpu.enqueue_dma source(%dma_start3A_118 : memref<640x128xf32, #tpu.memory_space<vmem_shared>>) target(%dma_start3A_116 : memref<640x128xf32, #tpu.memory_space<hbm>>) target_semaphore(%run_scoped3A : memref<!tpu.dma_semaphore, #tpu.memory_space<semaphore_mem>>)
      %dma_wait3A_119 = arith.constant 0 : i32
      %dma_wait3A_120 = tpu.memref_slice %arg5[%arg0, %mul3A_113, %dma_wait3A_119] : memref<2x10240x128xf32, #tpu.memory_space<hbm>> -> memref<1x640x128xf32, #tpu.memory_space<hbm>>
      %dma_wait3A_121 = tpu.memref_squeeze %dma_wait3A_120 : memref<1x640x128xf32, #tpu.memory_space<hbm>> -> memref<640x128xf32, #tpu.memory_space<hbm>>
      %dma_wait3A_122 = arith.constant 0 : i32
      %dma_wait3A_123 = tpu.memref_slice %arg9[%mul3A_111, %dma_wait3A_122] : memref<10240x128xf32, #tpu.memory_space<vmem_shared>> -> memref<640x128xf32, #tpu.memory_space<vmem_shared>>
      tpu.wait_dma2 semaphore(%run_scoped3A : memref<!tpu.dma_semaphore, #tpu.memory_space<semaphore_mem>>) src(%dma_wait3A_123 : memref<640x128xf32, #tpu.memory_space<vmem_shared>>) dst(%dma_wait3A_121 : memref<640x128xf32, #tpu.memory_space<hbm>>)
      tpu.yield
    }) : () -> ()
    return
  }
}

#map = affine_map<(d0, d1) -> (0, 0)>
#map1 = affine_map<(d0, d1) -> (0)>
module attributes {stable_mosaic.version = 14 : i64} {
  func.func @_gather_body(%arg0: i32, %arg1: i32, %arg2: memref<10240x128xf32, #tpu.memory_space<hbm>>, %arg3: memref<327680xi32, #tpu.memory_space<hbm>>, %arg4: memref<327680xi32, #tpu.memory_space<hbm>>, %arg5: memref<327680x128xf32, #tpu.memory_space<hbm>>, %arg6: memref<327680x128xf32, #tpu.memory_space<hbm>>, %arg7: memref<10240xi32, #tpu.memory_space<vmem>>, %arg8: memref<10240xi32, #tpu.memory_space<vmem>>, %arg9: memref<2x128x128xf32, #tpu.memory_space<vmem>>, %arg10: memref<2x128x128xf32, #tpu.memory_space<vmem>>, %arg11: memref<!tpu.dma_semaphore, #tpu.memory_space<semaphore_mem>>, %arg12: memref<!tpu.dma_semaphore, #tpu.memory_space<semaphore_mem>>, %arg13: memref<!tpu.dma_semaphore, #tpu.memory_space<semaphore_mem>>, %arg14: memref<!tpu.dma_semaphore, #tpu.memory_space<semaphore_mem>>, %arg15: memref<!tpu.dma_semaphore, #tpu.memory_space<semaphore_mem>>, %arg16: memref<!tpu.dma_semaphore, #tpu.memory_space<semaphore_mem>>, %arg17: memref<!tpu.dma_semaphore, #tpu.memory_space<semaphore_mem>>, %arg18: memref<!tpu.dma_semaphore, #tpu.memory_space<semaphore_mem>>) attributes {dimension_semantics = [#tpu.dimension_semantics<core_parallel>, #tpu.dimension_semantics<subcore_parallel>], iteration_bounds = array<i64: 2, 16>, scalar_prefetch = 0 : i64, scratch_operands = 12 : i64, tpu.core_type = #tpu.core_type<sc_vector_subcore>, window_params = [{transform_indices = #map}, {transform_indices = #map1}, {transform_indices = #map1}, {transform_indices = #map}, {transform_indices = #map}]} {
    %mul3A = arith.constant 2 : i32
    %mul3A_0 = arith.muli %arg1, %mul3A : i32
    %add3A = arith.addi %mul3A_0, %arg0 : i32
    %mul3A_1 = arith.constant 10240 : i32
    %mul3A_2 = arith.muli %add3A, %mul3A_1 : i32
    "tpu.region"() ({
      %run_scoped3A = tpu.sem_alloc : memref<!tpu.dma_semaphore, #tpu.memory_space<semaphore_mem>>
      %dma_start3A_197 = tpu.memref_slice %arg3[%mul3A_2] : memref<327680xi32, #tpu.memory_space<hbm>> -> memref<10240xi32, #tpu.memory_space<hbm>>
      %dma_start3A_198 = tpu.memref_slice %arg3[%mul3A_2] : memref<327680xi32, #tpu.memory_space<hbm>> -> memref<10240xi32, #tpu.memory_space<hbm>>
      tpu.enqueue_dma source(%dma_start3A_198 : memref<10240xi32, #tpu.memory_space<hbm>>) target(%arg7 : memref<10240xi32, #tpu.memory_space<vmem>>) target_semaphore(%run_scoped3A : memref<!tpu.dma_semaphore, #tpu.memory_space<semaphore_mem>>)
      %dma_wait3A_199 = tpu.memref_slice %arg3[%mul3A_2] : memref<327680xi32, #tpu.memory_space<hbm>> -> memref<10240xi32, #tpu.memory_space<hbm>>
      %dma_wait3A_200 = tpu.memref_slice %arg3[%mul3A_2] : memref<327680xi32, #tpu.memory_space<hbm>> -> memref<10240xi32, #tpu.memory_space<hbm>>
      tpu.wait_dma2 semaphore(%run_scoped3A : memref<!tpu.dma_semaphore, #tpu.memory_space<semaphore_mem>>) src(%dma_wait3A_200 : memref<10240xi32, #tpu.memory_space<hbm>>) dst(%arg7 : memref<10240xi32, #tpu.memory_space<vmem>>)
      tpu.yield
    }) : () -> ()
    "tpu.region"() ({
      %run_scoped3A = tpu.sem_alloc : memref<!tpu.dma_semaphore, #tpu.memory_space<semaphore_mem>>
      %dma_start3A_197 = tpu.memref_slice %arg4[%mul3A_2] : memref<327680xi32, #tpu.memory_space<hbm>> -> memref<10240xi32, #tpu.memory_space<hbm>>
      %dma_start3A_198 = tpu.memref_slice %arg4[%mul3A_2] : memref<327680xi32, #tpu.memory_space<hbm>> -> memref<10240xi32, #tpu.memory_space<hbm>>
      tpu.enqueue_dma source(%dma_start3A_198 : memref<10240xi32, #tpu.memory_space<hbm>>) target(%arg8 : memref<10240xi32, #tpu.memory_space<vmem>>) target_semaphore(%run_scoped3A : memref<!tpu.dma_semaphore, #tpu.memory_space<semaphore_mem>>)
      %dma_wait3A_199 = tpu.memref_slice %arg4[%mul3A_2] : memref<327680xi32, #tpu.memory_space<hbm>> -> memref<10240xi32, #tpu.memory_space<hbm>>
      %dma_wait3A_200 = tpu.memref_slice %arg4[%mul3A_2] : memref<327680xi32, #tpu.memory_space<hbm>> -> memref<10240xi32, #tpu.memory_space<hbm>>
      tpu.wait_dma2 semaphore(%run_scoped3A : memref<!tpu.dma_semaphore, #tpu.memory_space<semaphore_mem>>) src(%dma_wait3A_200 : memref<10240xi32, #tpu.memory_space<hbm>>) dst(%arg8 : memref<10240xi32, #tpu.memory_space<vmem>>)
      tpu.yield
    }) : () -> ()
    %dma_start3A = arith.constant 0 : i32
    %dma_start3A_3 = arith.constant 0 : i32
    %dma_start3A_4 = arith.constant 0 : i32
    %dma_start3A_5 = tpu.memref_slice %arg9[%dma_start3A, %dma_start3A_3, %dma_start3A_4] : memref<2x128x128xf32, #tpu.memory_space<vmem>> -> memref<1x128x128xf32, #tpu.memory_space<vmem>>
    %dma_start3A_6 = tpu.memref_squeeze %dma_start3A_5 : memref<1x128x128xf32, #tpu.memory_space<vmem>> -> memref<128x128xf32, #tpu.memory_space<vmem>>
    %dma_start3A_7 = arith.constant 0 : i32
    %dma_start3A_8 = tpu.memref_slice %arg7[%dma_start3A_7] : memref<10240xi32, #tpu.memory_space<vmem>> -> memref<128xi32, #tpu.memory_space<vmem>>
    %dma_start3A_9 = arith.constant 0 : i32
    %dma_start3A_10 = arith.constant 0 : i32
    %dma_start3A_11 = tpu.memref_slice %arg2[%dma_start3A_9, %dma_start3A_10] : memref<10240x128xf32, #tpu.memory_space<hbm>> -> memref<10240x128xf32, #tpu.memory_space<hbm>>
    tpu.enqueue_indirect_dma source(%dma_start3A_11 : memref<10240x128xf32, #tpu.memory_space<hbm>>) target(%dma_start3A_6 : memref<128x128xf32, #tpu.memory_space<vmem>>) offsets(%dma_start3A_8 : memref<128xi32, #tpu.memory_space<vmem>>) semaphore(%arg11 : memref<!tpu.dma_semaphore, #tpu.memory_space<semaphore_mem>>)
    %dma_start3A_12 = arith.constant 0 : i32
    %dma_start3A_13 = arith.constant 0 : i32
    %dma_start3A_14 = arith.constant 0 : i32
    %dma_start3A_15 = tpu.memref_slice %arg10[%dma_start3A_12, %dma_start3A_13, %dma_start3A_14] : memref<2x128x128xf32, #tpu.memory_space<vmem>> -> memref<1x128x128xf32, #tpu.memory_space<vmem>>
    %dma_start3A_16 = tpu.memref_squeeze %dma_start3A_15 : memref<1x128x128xf32, #tpu.memory_space<vmem>> -> memref<128x128xf32, #tpu.memory_space<vmem>>
    %dma_start3A_17 = arith.constant 0 : i32
    %dma_start3A_18 = tpu.memref_slice %arg8[%dma_start3A_17] : memref<10240xi32, #tpu.memory_space<vmem>> -> memref<128xi32, #tpu.memory_space<vmem>>
    %dma_start3A_19 = arith.constant 0 : i32
    %dma_start3A_20 = arith.constant 0 : i32
    %dma_start3A_21 = tpu.memref_slice %arg2[%dma_start3A_19, %dma_start3A_20] : memref<10240x128xf32, #tpu.memory_space<hbm>> -> memref<10240x128xf32, #tpu.memory_space<hbm>>
    tpu.enqueue_indirect_dma source(%dma_start3A_21 : memref<10240x128xf32, #tpu.memory_space<hbm>>) target(%dma_start3A_16 : memref<128x128xf32, #tpu.memory_space<vmem>>) offsets(%dma_start3A_18 : memref<128xi32, #tpu.memory_space<vmem>>) semaphore(%arg13 : memref<!tpu.dma_semaphore, #tpu.memory_space<semaphore_mem>>)
    %dma_wait3A = arith.constant 0 : i32
    %dma_wait3A_22 = arith.constant 0 : i32
    %dma_wait3A_23 = arith.constant 0 : i32
    %dma_wait3A_24 = tpu.memref_slice %arg9[%dma_wait3A, %dma_wait3A_22, %dma_wait3A_23] : memref<2x128x128xf32, #tpu.memory_space<vmem>> -> memref<1x128x128xf32, #tpu.memory_space<vmem>>
    %dma_wait3A_25 = tpu.memref_squeeze %dma_wait3A_24 : memref<1x128x128xf32, #tpu.memory_space<vmem>> -> memref<128x128xf32, #tpu.memory_space<vmem>>
    %dma_wait3A_26 = arith.constant 0 : i32
    %dma_wait3A_27 = tpu.memref_slice %arg7[%dma_wait3A_26] : memref<10240xi32, #tpu.memory_space<vmem>> -> memref<128xi32, #tpu.memory_space<vmem>>
    %dma_wait3A_28 = arith.constant 0 : i32
    %dma_wait3A_29 = arith.constant 0 : i32
    %dma_wait3A_30 = tpu.memref_slice %arg2[%dma_wait3A_28, %dma_wait3A_29] : memref<10240x128xf32, #tpu.memory_space<hbm>> -> memref<10240x128xf32, #tpu.memory_space<hbm>>
    tpu.wait_indirect_dma semaphore(%arg11 : memref<!tpu.dma_semaphore, #tpu.memory_space<semaphore_mem>>) src(%dma_wait3A_30 : memref<10240x128xf32, #tpu.memory_space<hbm>>) dst(%dma_wait3A_25 : memref<128x128xf32, #tpu.memory_space<vmem>>)
    %dma_wait3A_31 = arith.constant 0 : i32
    %dma_wait3A_32 = arith.constant 0 : i32
    %dma_wait3A_33 = arith.constant 0 : i32
    %dma_wait3A_34 = tpu.memref_slice %arg10[%dma_wait3A_31, %dma_wait3A_32, %dma_wait3A_33] : memref<2x128x128xf32, #tpu.memory_space<vmem>> -> memref<1x128x128xf32, #tpu.memory_space<vmem>>
    %dma_wait3A_35 = tpu.memref_squeeze %dma_wait3A_34 : memref<1x128x128xf32, #tpu.memory_space<vmem>> -> memref<128x128xf32, #tpu.memory_space<vmem>>
    %dma_wait3A_36 = arith.constant 0 : i32
    %dma_wait3A_37 = tpu.memref_slice %arg8[%dma_wait3A_36] : memref<10240xi32, #tpu.memory_space<vmem>> -> memref<128xi32, #tpu.memory_space<vmem>>
    %dma_wait3A_38 = arith.constant 0 : i32
    %dma_wait3A_39 = arith.constant 0 : i32
    %dma_wait3A_40 = tpu.memref_slice %arg2[%dma_wait3A_38, %dma_wait3A_39] : memref<10240x128xf32, #tpu.memory_space<hbm>> -> memref<10240x128xf32, #tpu.memory_space<hbm>>
    tpu.wait_indirect_dma semaphore(%arg13 : memref<!tpu.dma_semaphore, #tpu.memory_space<semaphore_mem>>) src(%dma_wait3A_40 : memref<10240x128xf32, #tpu.memory_space<hbm>>) dst(%dma_wait3A_35 : memref<128x128xf32, #tpu.memory_space<vmem>>)
    %dma_start3A_41 = arith.constant 1 : i32
    %dma_start3A_42 = arith.constant 0 : i32
    %dma_start3A_43 = arith.constant 0 : i32
    %dma_start3A_44 = tpu.memref_slice %arg9[%dma_start3A_41, %dma_start3A_42, %dma_start3A_43] : memref<2x128x128xf32, #tpu.memory_space<vmem>> -> memref<1x128x128xf32, #tpu.memory_space<vmem>>
    %dma_start3A_45 = tpu.memref_squeeze %dma_start3A_44 : memref<1x128x128xf32, #tpu.memory_space<vmem>> -> memref<128x128xf32, #tpu.memory_space<vmem>>
    %dma_start3A_46 = arith.constant 128 : i32
    %dma_start3A_47 = tpu.memref_slice %arg7[%dma_start3A_46] : memref<10240xi32, #tpu.memory_space<vmem>> -> memref<128xi32, #tpu.memory_space<vmem>>
    %dma_start3A_48 = arith.constant 0 : i32
    %dma_start3A_49 = arith.constant 0 : i32
    %dma_start3A_50 = tpu.memref_slice %arg2[%dma_start3A_48, %dma_start3A_49] : memref<10240x128xf32, #tpu.memory_space<hbm>> -> memref<10240x128xf32, #tpu.memory_space<hbm>>
    tpu.enqueue_indirect_dma source(%dma_start3A_50 : memref<10240x128xf32, #tpu.memory_space<hbm>>) target(%dma_start3A_45 : memref<128x128xf32, #tpu.memory_space<vmem>>) offsets(%dma_start3A_47 : memref<128xi32, #tpu.memory_space<vmem>>) semaphore(%arg12 : memref<!tpu.dma_semaphore, #tpu.memory_space<semaphore_mem>>)
    %dma_start3A_51 = arith.constant 1 : i32
    %dma_start3A_52 = arith.constant 0 : i32
    %dma_start3A_53 = arith.constant 0 : i32
    %dma_start3A_54 = tpu.memref_slice %arg10[%dma_start3A_51, %dma_start3A_52, %dma_start3A_53] : memref<2x128x128xf32, #tpu.memory_space<vmem>> -> memref<1x128x128xf32, #tpu.memory_space<vmem>>
    %dma_start3A_55 = tpu.memref_squeeze %dma_start3A_54 : memref<1x128x128xf32, #tpu.memory_space<vmem>> -> memref<128x128xf32, #tpu.memory_space<vmem>>
    %dma_start3A_56 = arith.constant 128 : i32
    %dma_start3A_57 = tpu.memref_slice %arg8[%dma_start3A_56] : memref<10240xi32, #tpu.memory_space<vmem>> -> memref<128xi32, #tpu.memory_space<vmem>>
    %dma_start3A_58 = arith.constant 0 : i32
    %dma_start3A_59 = arith.constant 0 : i32
    %dma_start3A_60 = tpu.memref_slice %arg2[%dma_start3A_58, %dma_start3A_59] : memref<10240x128xf32, #tpu.memory_space<hbm>> -> memref<10240x128xf32, #tpu.memory_space<hbm>>
    tpu.enqueue_indirect_dma source(%dma_start3A_60 : memref<10240x128xf32, #tpu.memory_space<hbm>>) target(%dma_start3A_55 : memref<128x128xf32, #tpu.memory_space<vmem>>) offsets(%dma_start3A_57 : memref<128xi32, #tpu.memory_space<vmem>>) semaphore(%arg14 : memref<!tpu.dma_semaphore, #tpu.memory_space<semaphore_mem>>)
    %add3A_61 = arith.constant 0 : i32
    %add3A_62 = arith.addi %mul3A_2, %add3A_61 : i32
    %dma_start3A_63 = arith.constant 0 : i32
    %dma_start3A_64 = arith.constant 0 : i32
    %dma_start3A_65 = arith.constant 0 : i32
    %dma_start3A_66 = tpu.memref_slice %arg9[%dma_start3A_63, %dma_start3A_64, %dma_start3A_65] : memref<2x128x128xf32, #tpu.memory_space<vmem>> -> memref<1x128x128xf32, #tpu.memory_space<vmem>>
    %dma_start3A_67 = tpu.memref_squeeze %dma_start3A_66 : memref<1x128x128xf32, #tpu.memory_space<vmem>> -> memref<128x128xf32, #tpu.memory_space<vmem>>
    %dma_start3A_68 = arith.constant 0 : i32
    %dma_start3A_69 = tpu.memref_slice %arg5[%add3A_62, %dma_start3A_68] : memref<327680x128xf32, #tpu.memory_space<hbm>> -> memref<128x128xf32, #tpu.memory_space<hbm>>
    %dma_start3A_70 = arith.constant 0 : i32
    %dma_start3A_71 = tpu.memref_slice %arg5[%add3A_62, %dma_start3A_70] : memref<327680x128xf32, #tpu.memory_space<hbm>> -> memref<128x128xf32, #tpu.memory_space<hbm>>
    %dma_start3A_72 = arith.constant 0 : i32
    %dma_start3A_73 = arith.constant 0 : i32
    %dma_start3A_74 = tpu.memref_slice %arg9[%dma_start3A_63, %dma_start3A_72, %dma_start3A_73] : memref<2x128x128xf32, #tpu.memory_space<vmem>> -> memref<1x128x128xf32, #tpu.memory_space<vmem>>
    %dma_start3A_75 = tpu.memref_squeeze %dma_start3A_74 : memref<1x128x128xf32, #tpu.memory_space<vmem>> -> memref<128x128xf32, #tpu.memory_space<vmem>>
    tpu.enqueue_dma source(%dma_start3A_75 : memref<128x128xf32, #tpu.memory_space<vmem>>) target(%dma_start3A_71 : memref<128x128xf32, #tpu.memory_space<hbm>>) target_semaphore(%arg15 : memref<!tpu.dma_semaphore, #tpu.memory_space<semaphore_mem>>)
    %dma_start3A_76 = arith.constant 0 : i32
    %dma_start3A_77 = arith.constant 0 : i32
    %dma_start3A_78 = arith.constant 0 : i32
    %dma_start3A_79 = tpu.memref_slice %arg10[%dma_start3A_76, %dma_start3A_77, %dma_start3A_78] : memref<2x128x128xf32, #tpu.memory_space<vmem>> -> memref<1x128x128xf32, #tpu.memory_space<vmem>>
    %dma_start3A_80 = tpu.memref_squeeze %dma_start3A_79 : memref<1x128x128xf32, #tpu.memory_space<vmem>> -> memref<128x128xf32, #tpu.memory_space<vmem>>
    %dma_start3A_81 = arith.constant 0 : i32
    %dma_start3A_82 = tpu.memref_slice %arg6[%add3A_62, %dma_start3A_81] : memref<327680x128xf32, #tpu.memory_space<hbm>> -> memref<128x128xf32, #tpu.memory_space<hbm>>
    %dma_start3A_83 = arith.constant 0 : i32
    %dma_start3A_84 = tpu.memref_slice %arg6[%add3A_62, %dma_start3A_83] : memref<327680x128xf32, #tpu.memory_space<hbm>> -> memref<128x128xf32, #tpu.memory_space<hbm>>
    %dma_start3A_85 = arith.constant 0 : i32
    %dma_start3A_86 = arith.constant 0 : i32
    %dma_start3A_87 = tpu.memref_slice %arg10[%dma_start3A_76, %dma_start3A_85, %dma_start3A_86] : memref<2x128x128xf32, #tpu.memory_space<vmem>> -> memref<1x128x128xf32, #tpu.memory_space<vmem>>
    %dma_start3A_88 = tpu.memref_squeeze %dma_start3A_87 : memref<1x128x128xf32, #tpu.memory_space<vmem>> -> memref<128x128xf32, #tpu.memory_space<vmem>>
    tpu.enqueue_dma source(%dma_start3A_88 : memref<128x128xf32, #tpu.memory_space<vmem>>) target(%dma_start3A_84 : memref<128x128xf32, #tpu.memory_space<hbm>>) target_semaphore(%arg17 : memref<!tpu.dma_semaphore, #tpu.memory_space<semaphore_mem>>)
    %scan3A = arith.constant 0 : i32
    %scan3A_89 = arith.constant 39 : i32
    %scan3A_90 = arith.addi %scan3A, %scan3A_89 : i32
    %scan3A_91 = arith.constant 1 : i32
    scf.for %scan3A_197 = %scan3A to %scan3A_90 step %scan3A_91  : i32 {
      %mul3A_198 = arith.constant 2 : i32
      %mul3A_199 = arith.muli %mul3A_198, %scan3A_197 : i32
      %add3A_200 = arith.constant 1 : i32
      %add3A_201 = arith.addi %mul3A_199, %add3A_200 : i32
      %mul3A_202 = arith.constant 128 : i32
      %mul3A_203 = arith.muli %add3A_201, %mul3A_202 : i32
      %dma_wait3A_204 = arith.constant 1 : i32
      %dma_wait3A_205 = arith.constant 0 : i32
      %dma_wait3A_206 = arith.constant 0 : i32
      %dma_wait3A_207 = tpu.memref_slice %arg9[%dma_wait3A_204, %dma_wait3A_205, %dma_wait3A_206] : memref<2x128x128xf32, #tpu.memory_space<vmem>> -> memref<1x128x128xf32, #tpu.memory_space<vmem>>
      %dma_wait3A_208 = tpu.memref_squeeze %dma_wait3A_207 : memref<1x128x128xf32, #tpu.memory_space<vmem>> -> memref<128x128xf32, #tpu.memory_space<vmem>>
      %dma_wait3A_209 = tpu.memref_slice %arg7[%mul3A_203] : memref<10240xi32, #tpu.memory_space<vmem>> -> memref<128xi32, #tpu.memory_space<vmem>>
      %dma_wait3A_210 = arith.constant 0 : i32
      %dma_wait3A_211 = arith.constant 0 : i32
      %dma_wait3A_212 = tpu.memref_slice %arg2[%dma_wait3A_210, %dma_wait3A_211] : memref<10240x128xf32, #tpu.memory_space<hbm>> -> memref<10240x128xf32, #tpu.memory_space<hbm>>
      tpu.wait_indirect_dma semaphore(%arg12 : memref<!tpu.dma_semaphore, #tpu.memory_space<semaphore_mem>>) src(%dma_wait3A_212 : memref<10240x128xf32, #tpu.memory_space<hbm>>) dst(%dma_wait3A_208 : memref<128x128xf32, #tpu.memory_space<vmem>>)
      %mul3A_213 = arith.constant 128 : i32
      %mul3A_214 = arith.muli %add3A_201, %mul3A_213 : i32
      %dma_wait3A_215 = arith.constant 1 : i32
      %dma_wait3A_216 = arith.constant 0 : i32
      %dma_wait3A_217 = arith.constant 0 : i32
      %dma_wait3A_218 = tpu.memref_slice %arg10[%dma_wait3A_215, %dma_wait3A_216, %dma_wait3A_217] : memref<2x128x128xf32, #tpu.memory_space<vmem>> -> memref<1x128x128xf32, #tpu.memory_space<vmem>>
      %dma_wait3A_219 = tpu.memref_squeeze %dma_wait3A_218 : memref<1x128x128xf32, #tpu.memory_space<vmem>> -> memref<128x128xf32, #tpu.memory_space<vmem>>
      %dma_wait3A_220 = tpu.memref_slice %arg8[%mul3A_214] : memref<10240xi32, #tpu.memory_space<vmem>> -> memref<128xi32, #tpu.memory_space<vmem>>
      %dma_wait3A_221 = arith.constant 0 : i32
      %dma_wait3A_222 = arith.constant 0 : i32
      %dma_wait3A_223 = tpu.memref_slice %arg2[%dma_wait3A_221, %dma_wait3A_222] : memref<10240x128xf32, #tpu.memory_space<hbm>> -> memref<10240x128xf32, #tpu.memory_space<hbm>>
      tpu.wait_indirect_dma semaphore(%arg14 : memref<!tpu.dma_semaphore, #tpu.memory_space<semaphore_mem>>) src(%dma_wait3A_223 : memref<10240x128xf32, #tpu.memory_space<hbm>>) dst(%dma_wait3A_219 : memref<128x128xf32, #tpu.memory_space<vmem>>)
      %sub3A = arith.constant 1 : i32
      %sub3A_224 = arith.subi %add3A_201, %sub3A : i32
      %mul3A_225 = arith.constant 128 : i32
      %mul3A_226 = arith.muli %sub3A_224, %mul3A_225 : i32
      %add3A_227 = arith.addi %mul3A_2, %mul3A_226 : i32
      %dma_wait3A_228 = arith.constant 0 : i32
      %dma_wait3A_229 = arith.constant 0 : i32
      %dma_wait3A_230 = arith.constant 0 : i32
      %dma_wait3A_231 = tpu.memref_slice %arg9[%dma_wait3A_228, %dma_wait3A_229, %dma_wait3A_230] : memref<2x128x128xf32, #tpu.memory_space<vmem>> -> memref<1x128x128xf32, #tpu.memory_space<vmem>>
      %dma_wait3A_232 = tpu.memref_squeeze %dma_wait3A_231 : memref<1x128x128xf32, #tpu.memory_space<vmem>> -> memref<128x128xf32, #tpu.memory_space<vmem>>
      %dma_wait3A_233 = arith.constant 0 : i32
      %dma_wait3A_234 = tpu.memref_slice %arg5[%add3A_227, %dma_wait3A_233] : memref<327680x128xf32, #tpu.memory_space<hbm>> -> memref<128x128xf32, #tpu.memory_space<hbm>>
      %dma_wait3A_235 = arith.constant 0 : i32
      %dma_wait3A_236 = tpu.memref_slice %arg5[%add3A_227, %dma_wait3A_235] : memref<327680x128xf32, #tpu.memory_space<hbm>> -> memref<128x128xf32, #tpu.memory_space<hbm>>
      %dma_wait3A_237 = arith.constant 0 : i32
      %dma_wait3A_238 = arith.constant 0 : i32
      %dma_wait3A_239 = tpu.memref_slice %arg9[%dma_wait3A_228, %dma_wait3A_237, %dma_wait3A_238] : memref<2x128x128xf32, #tpu.memory_space<vmem>> -> memref<1x128x128xf32, #tpu.memory_space<vmem>>
      %dma_wait3A_240 = tpu.memref_squeeze %dma_wait3A_239 : memref<1x128x128xf32, #tpu.memory_space<vmem>> -> memref<128x128xf32, #tpu.memory_space<vmem>>
      tpu.wait_dma2 semaphore(%arg15 : memref<!tpu.dma_semaphore, #tpu.memory_space<semaphore_mem>>) src(%dma_wait3A_240 : memref<128x128xf32, #tpu.memory_space<vmem>>) dst(%dma_wait3A_236 : memref<128x128xf32, #tpu.memory_space<hbm>>)
      %dma_wait3A_241 = arith.constant 0 : i32
      %dma_wait3A_242 = arith.constant 0 : i32
      %dma_wait3A_243 = arith.constant 0 : i32
      %dma_wait3A_244 = tpu.memref_slice %arg10[%dma_wait3A_241, %dma_wait3A_242, %dma_wait3A_243] : memref<2x128x128xf32, #tpu.memory_space<vmem>> -> memref<1x128x128xf32, #tpu.memory_space<vmem>>
      %dma_wait3A_245 = tpu.memref_squeeze %dma_wait3A_244 : memref<1x128x128xf32, #tpu.memory_space<vmem>> -> memref<128x128xf32, #tpu.memory_space<vmem>>
      %dma_wait3A_246 = arith.constant 0 : i32
      %dma_wait3A_247 = tpu.memref_slice %arg6[%add3A_227, %dma_wait3A_246] : memref<327680x128xf32, #tpu.memory_space<hbm>> -> memref<128x128xf32, #tpu.memory_space<hbm>>
      %dma_wait3A_248 = arith.constant 0 : i32
      %dma_wait3A_249 = tpu.memref_slice %arg6[%add3A_227, %dma_wait3A_248] : memref<327680x128xf32, #tpu.memory_space<hbm>> -> memref<128x128xf32, #tpu.memory_space<hbm>>
      %dma_wait3A_250 = arith.constant 0 : i32
      %dma_wait3A_251 = arith.constant 0 : i32
      %dma_wait3A_252 = tpu.memref_slice %arg10[%dma_wait3A_241, %dma_wait3A_250, %dma_wait3A_251] : memref<2x128x128xf32, #tpu.memory_space<vmem>> -> memref<1x128x128xf32, #tpu.memory_space<vmem>>
      %dma_wait3A_253 = tpu.memref_squeeze %dma_wait3A_252 : memref<1x128x128xf32, #tpu.memory_space<vmem>> -> memref<128x128xf32, #tpu.memory_space<vmem>>
      tpu.wait_dma2 semaphore(%arg17 : memref<!tpu.dma_semaphore, #tpu.memory_space<semaphore_mem>>) src(%dma_wait3A_253 : memref<128x128xf32, #tpu.memory_space<vmem>>) dst(%dma_wait3A_249 : memref<128x128xf32, #tpu.memory_space<hbm>>)
      %add3A_254 = arith.constant 1 : i32
      %add3A_255 = arith.addi %add3A_201, %add3A_254 : i32
      %mul3A_256 = arith.constant 128 : i32
      %mul3A_257 = arith.muli %add3A_255, %mul3A_256 : i32
      %dma_start3A_258 = arith.constant 0 : i32
      %dma_start3A_259 = arith.constant 0 : i32
      %dma_start3A_260 = arith.constant 0 : i32
      %dma_start3A_261 = tpu.memref_slice %arg9[%dma_start3A_258, %dma_start3A_259, %dma_start3A_260] : memref<2x128x128xf32, #tpu.memory_space<vmem>> -> memref<1x128x128xf32, #tpu.memory_space<vmem>>
      %dma_start3A_262 = tpu.memref_squeeze %dma_start3A_261 : memref<1x128x128xf32, #tpu.memory_space<vmem>> -> memref<128x128xf32, #tpu.memory_space<vmem>>
      %dma_start3A_263 = tpu.memref_slice %arg7[%mul3A_257] : memref<10240xi32, #tpu.memory_space<vmem>> -> memref<128xi32, #tpu.memory_space<vmem>>
      %dma_start3A_264 = arith.constant 0 : i32
      %dma_start3A_265 = arith.constant 0 : i32
      %dma_start3A_266 = tpu.memref_slice %arg2[%dma_start3A_264, %dma_start3A_265] : memref<10240x128xf32, #tpu.memory_space<hbm>> -> memref<10240x128xf32, #tpu.memory_space<hbm>>
      tpu.enqueue_indirect_dma source(%dma_start3A_266 : memref<10240x128xf32, #tpu.memory_space<hbm>>) target(%dma_start3A_262 : memref<128x128xf32, #tpu.memory_space<vmem>>) offsets(%dma_start3A_263 : memref<128xi32, #tpu.memory_space<vmem>>) semaphore(%arg11 : memref<!tpu.dma_semaphore, #tpu.memory_space<semaphore_mem>>)
      %mul3A_267 = arith.constant 128 : i32
      %mul3A_268 = arith.muli %add3A_255, %mul3A_267 : i32
      %dma_start3A_269 = arith.constant 0 : i32
      %dma_start3A_270 = arith.constant 0 : i32
      %dma_start3A_271 = arith.constant 0 : i32
      %dma_start3A_272 = tpu.memref_slice %arg10[%dma_start3A_269, %dma_start3A_270, %dma_start3A_271] : memref<2x128x128xf32, #tpu.memory_space<vmem>> -> memref<1x128x128xf32, #tpu.memory_space<vmem>>
      %dma_start3A_273 = tpu.memref_squeeze %dma_start3A_272 : memref<1x128x128xf32, #tpu.memory_space<vmem>> -> memref<128x128xf32, #tpu.memory_space<vmem>>
      %dma_start3A_274 = tpu.memref_slice %arg8[%mul3A_268] : memref<10240xi32, #tpu.memory_space<vmem>> -> memref<128xi32, #tpu.memory_space<vmem>>
      %dma_start3A_275 = arith.constant 0 : i32
      %dma_start3A_276 = arith.constant 0 : i32
      %dma_start3A_277 = tpu.memref_slice %arg2[%dma_start3A_275, %dma_start3A_276] : memref<10240x128xf32, #tpu.memory_space<hbm>> -> memref<10240x128xf32, #tpu.memory_space<hbm>>
      tpu.enqueue_indirect_dma source(%dma_start3A_277 : memref<10240x128xf32, #tpu.memory_space<hbm>>) target(%dma_start3A_273 : memref<128x128xf32, #tpu.memory_space<vmem>>) offsets(%dma_start3A_274 : memref<128xi32, #tpu.memory_space<vmem>>) semaphore(%arg13 : memref<!tpu.dma_semaphore, #tpu.memory_space<semaphore_mem>>)
      %mul3A_278 = arith.constant 128 : i32
      %mul3A_279 = arith.muli %add3A_201, %mul3A_278 : i32
      %add3A_280 = arith.addi %mul3A_2, %mul3A_279 : i32
      %dma_start3A_281 = arith.constant 1 : i32
      %dma_start3A_282 = arith.constant 0 : i32
      %dma_start3A_283 = arith.constant 0 : i32
      %dma_start3A_284 = tpu.memref_slice %arg9[%dma_start3A_281, %dma_start3A_282, %dma_start3A_283] : memref<2x128x128xf32, #tpu.memory_space<vmem>> -> memref<1x128x128xf32, #tpu.memory_space<vmem>>
      %dma_start3A_285 = tpu.memref_squeeze %dma_start3A_284 : memref<1x128x128xf32, #tpu.memory_space<vmem>> -> memref<128x128xf32, #tpu.memory_space<vmem>>
      %dma_start3A_286 = arith.constant 0 : i32
      %dma_start3A_287 = tpu.memref_slice %arg5[%add3A_280, %dma_start3A_286] : memref<327680x128xf32, #tpu.memory_space<hbm>> -> memref<128x128xf32, #tpu.memory_space<hbm>>
      %dma_start3A_288 = arith.constant 0 : i32
      %dma_start3A_289 = tpu.memref_slice %arg5[%add3A_280, %dma_start3A_288] : memref<327680x128xf32, #tpu.memory_space<hbm>> -> memref<128x128xf32, #tpu.memory_space<hbm>>
      %dma_start3A_290 = arith.constant 0 : i32
      %dma_start3A_291 = arith.constant 0 : i32
      %dma_start3A_292 = tpu.memref_slice %arg9[%dma_start3A_281, %dma_start3A_290, %dma_start3A_291] : memref<2x128x128xf32, #tpu.memory_space<vmem>> -> memref<1x128x128xf32, #tpu.memory_space<vmem>>
      %dma_start3A_293 = tpu.memref_squeeze %dma_start3A_292 : memref<1x128x128xf32, #tpu.memory_space<vmem>> -> memref<128x128xf32, #tpu.memory_space<vmem>>
      tpu.enqueue_dma source(%dma_start3A_293 : memref<128x128xf32, #tpu.memory_space<vmem>>) target(%dma_start3A_289 : memref<128x128xf32, #tpu.memory_space<hbm>>) target_semaphore(%arg16 : memref<!tpu.dma_semaphore, #tpu.memory_space<semaphore_mem>>)
      %dma_start3A_294 = arith.constant 1 : i32
      %dma_start3A_295 = arith.constant 0 : i32
      %dma_start3A_296 = arith.constant 0 : i32
      %dma_start3A_297 = tpu.memref_slice %arg10[%dma_start3A_294, %dma_start3A_295, %dma_start3A_296] : memref<2x128x128xf32, #tpu.memory_space<vmem>> -> memref<1x128x128xf32, #tpu.memory_space<vmem>>
      %dma_start3A_298 = tpu.memref_squeeze %dma_start3A_297 : memref<1x128x128xf32, #tpu.memory_space<vmem>> -> memref<128x128xf32, #tpu.memory_space<vmem>>
      %dma_start3A_299 = arith.constant 0 : i32
      %dma_start3A_300 = tpu.memref_slice %arg6[%add3A_280, %dma_start3A_299] : memref<327680x128xf32, #tpu.memory_space<hbm>> -> memref<128x128xf32, #tpu.memory_space<hbm>>
      %dma_start3A_301 = arith.constant 0 : i32
      %dma_start3A_302 = tpu.memref_slice %arg6[%add3A_280, %dma_start3A_301] : memref<327680x128xf32, #tpu.memory_space<hbm>> -> memref<128x128xf32, #tpu.memory_space<hbm>>
      %dma_start3A_303 = arith.constant 0 : i32
      %dma_start3A_304 = arith.constant 0 : i32
      %dma_start3A_305 = tpu.memref_slice %arg10[%dma_start3A_294, %dma_start3A_303, %dma_start3A_304] : memref<2x128x128xf32, #tpu.memory_space<vmem>> -> memref<1x128x128xf32, #tpu.memory_space<vmem>>
      %dma_start3A_306 = tpu.memref_squeeze %dma_start3A_305 : memref<1x128x128xf32, #tpu.memory_space<vmem>> -> memref<128x128xf32, #tpu.memory_space<vmem>>
      tpu.enqueue_dma source(%dma_start3A_306 : memref<128x128xf32, #tpu.memory_space<vmem>>) target(%dma_start3A_302 : memref<128x128xf32, #tpu.memory_space<hbm>>) target_semaphore(%arg18 : memref<!tpu.dma_semaphore, #tpu.memory_space<semaphore_mem>>)
      %mul3A_307 = arith.constant 2 : i32
      %mul3A_308 = arith.muli %mul3A_307, %scan3A_197 : i32
      %add3A_309 = arith.constant 2 : i32
      %add3A_310 = arith.addi %mul3A_308, %add3A_309 : i32
      %mul3A_311 = arith.constant 128 : i32
      %mul3A_312 = arith.muli %add3A_310, %mul3A_311 : i32
      %dma_wait3A_313 = arith.constant 0 : i32
      %dma_wait3A_314 = arith.constant 0 : i32
      %dma_wait3A_315 = arith.constant 0 : i32
      %dma_wait3A_316 = tpu.memref_slice %arg9[%dma_wait3A_313, %dma_wait3A_314, %dma_wait3A_315] : memref<2x128x128xf32, #tpu.memory_space<vmem>> -> memref<1x128x128xf32, #tpu.memory_space<vmem>>
      %dma_wait3A_317 = tpu.memref_squeeze %dma_wait3A_316 : memref<1x128x128xf32, #tpu.memory_space<vmem>> -> memref<128x128xf32, #tpu.memory_space<vmem>>
      %dma_wait3A_318 = tpu.memref_slice %arg7[%mul3A_312] : memref<10240xi32, #tpu.memory_space<vmem>> -> memref<128xi32, #tpu.memory_space<vmem>>
      %dma_wait3A_319 = arith.constant 0 : i32
      %dma_wait3A_320 = arith.constant 0 : i32
      %dma_wait3A_321 = tpu.memref_slice %arg2[%dma_wait3A_319, %dma_wait3A_320] : memref<10240x128xf32, #tpu.memory_space<hbm>> -> memref<10240x128xf32, #tpu.memory_space<hbm>>
      tpu.wait_indirect_dma semaphore(%arg11 : memref<!tpu.dma_semaphore, #tpu.memory_space<semaphore_mem>>) src(%dma_wait3A_321 : memref<10240x128xf32, #tpu.memory_space<hbm>>) dst(%dma_wait3A_317 : memref<128x128xf32, #tpu.memory_space<vmem>>)
      %mul3A_322 = arith.constant 128 : i32
      %mul3A_323 = arith.muli %add3A_310, %mul3A_322 : i32
      %dma_wait3A_324 = arith.constant 0 : i32
      %dma_wait3A_325 = arith.constant 0 : i32
      %dma_wait3A_326 = arith.constant 0 : i32
      %dma_wait3A_327 = tpu.memref_slice %arg10[%dma_wait3A_324, %dma_wait3A_325, %dma_wait3A_326] : memref<2x128x128xf32, #tpu.memory_space<vmem>> -> memref<1x128x128xf32, #tpu.memory_space<vmem>>
      %dma_wait3A_328 = tpu.memref_squeeze %dma_wait3A_327 : memref<1x128x128xf32, #tpu.memory_space<vmem>> -> memref<128x128xf32, #tpu.memory_space<vmem>>
      %dma_wait3A_329 = tpu.memref_slice %arg8[%mul3A_323] : memref<10240xi32, #tpu.memory_space<vmem>> -> memref<128xi32, #tpu.memory_space<vmem>>
      %dma_wait3A_330 = arith.constant 0 : i32
      %dma_wait3A_331 = arith.constant 0 : i32
      %dma_wait3A_332 = tpu.memref_slice %arg2[%dma_wait3A_330, %dma_wait3A_331] : memref<10240x128xf32, #tpu.memory_space<hbm>> -> memref<10240x128xf32, #tpu.memory_space<hbm>>
      tpu.wait_indirect_dma semaphore(%arg13 : memref<!tpu.dma_semaphore, #tpu.memory_space<semaphore_mem>>) src(%dma_wait3A_332 : memref<10240x128xf32, #tpu.memory_space<hbm>>) dst(%dma_wait3A_328 : memref<128x128xf32, #tpu.memory_space<vmem>>)
      %sub3A_333 = arith.constant 1 : i32
      %sub3A_334 = arith.subi %add3A_310, %sub3A_333 : i32
      %mul3A_335 = arith.constant 128 : i32
      %mul3A_336 = arith.muli %sub3A_334, %mul3A_335 : i32
      %add3A_337 = arith.addi %mul3A_2, %mul3A_336 : i32
      %dma_wait3A_338 = arith.constant 1 : i32
      %dma_wait3A_339 = arith.constant 0 : i32
      %dma_wait3A_340 = arith.constant 0 : i32
      %dma_wait3A_341 = tpu.memref_slice %arg9[%dma_wait3A_338, %dma_wait3A_339, %dma_wait3A_340] : memref<2x128x128xf32, #tpu.memory_space<vmem>> -> memref<1x128x128xf32, #tpu.memory_space<vmem>>
      %dma_wait3A_342 = tpu.memref_squeeze %dma_wait3A_341 : memref<1x128x128xf32, #tpu.memory_space<vmem>> -> memref<128x128xf32, #tpu.memory_space<vmem>>
      %dma_wait3A_343 = arith.constant 0 : i32
      %dma_wait3A_344 = tpu.memref_slice %arg5[%add3A_337, %dma_wait3A_343] : memref<327680x128xf32, #tpu.memory_space<hbm>> -> memref<128x128xf32, #tpu.memory_space<hbm>>
      %dma_wait3A_345 = arith.constant 0 : i32
      %dma_wait3A_346 = tpu.memref_slice %arg5[%add3A_337, %dma_wait3A_345] : memref<327680x128xf32, #tpu.memory_space<hbm>> -> memref<128x128xf32, #tpu.memory_space<hbm>>
      %dma_wait3A_347 = arith.constant 0 : i32
      %dma_wait3A_348 = arith.constant 0 : i32
      %dma_wait3A_349 = tpu.memref_slice %arg9[%dma_wait3A_338, %dma_wait3A_347, %dma_wait3A_348] : memref<2x128x128xf32, #tpu.memory_space<vmem>> -> memref<1x128x128xf32, #tpu.memory_space<vmem>>
      %dma_wait3A_350 = tpu.memref_squeeze %dma_wait3A_349 : memref<1x128x128xf32, #tpu.memory_space<vmem>> -> memref<128x128xf32, #tpu.memory_space<vmem>>
      tpu.wait_dma2 semaphore(%arg16 : memref<!tpu.dma_semaphore, #tpu.memory_space<semaphore_mem>>) src(%dma_wait3A_350 : memref<128x128xf32, #tpu.memory_space<vmem>>) dst(%dma_wait3A_346 : memref<128x128xf32, #tpu.memory_space<hbm>>)
      %dma_wait3A_351 = arith.constant 1 : i32
      %dma_wait3A_352 = arith.constant 0 : i32
      %dma_wait3A_353 = arith.constant 0 : i32
      %dma_wait3A_354 = tpu.memref_slice %arg10[%dma_wait3A_351, %dma_wait3A_352, %dma_wait3A_353] : memref<2x128x128xf32, #tpu.memory_space<vmem>> -> memref<1x128x128xf32, #tpu.memory_space<vmem>>
      %dma_wait3A_355 = tpu.memref_squeeze %dma_wait3A_354 : memref<1x128x128xf32, #tpu.memory_space<vmem>> -> memref<128x128xf32, #tpu.memory_space<vmem>>
      %dma_wait3A_356 = arith.constant 0 : i32
      %dma_wait3A_357 = tpu.memref_slice %arg6[%add3A_337, %dma_wait3A_356] : memref<327680x128xf32, #tpu.memory_space<hbm>> -> memref<128x128xf32, #tpu.memory_space<hbm>>
      %dma_wait3A_358 = arith.constant 0 : i32
      %dma_wait3A_359 = tpu.memref_slice %arg6[%add3A_337, %dma_wait3A_358] : memref<327680x128xf32, #tpu.memory_space<hbm>> -> memref<128x128xf32, #tpu.memory_space<hbm>>
      %dma_wait3A_360 = arith.constant 0 : i32
      %dma_wait3A_361 = arith.constant 0 : i32
      %dma_wait3A_362 = tpu.memref_slice %arg10[%dma_wait3A_351, %dma_wait3A_360, %dma_wait3A_361] : memref<2x128x128xf32, #tpu.memory_space<vmem>> -> memref<1x128x128xf32, #tpu.memory_space<vmem>>
      %dma_wait3A_363 = tpu.memref_squeeze %dma_wait3A_362 : memref<1x128x128xf32, #tpu.memory_space<vmem>> -> memref<128x128xf32, #tpu.memory_space<vmem>>
      tpu.wait_dma2 semaphore(%arg18 : memref<!tpu.dma_semaphore, #tpu.memory_space<semaphore_mem>>) src(%dma_wait3A_363 : memref<128x128xf32, #tpu.memory_space<vmem>>) dst(%dma_wait3A_359 : memref<128x128xf32, #tpu.memory_space<hbm>>)
      %add3A_364 = arith.constant 1 : i32
      %add3A_365 = arith.addi %add3A_310, %add3A_364 : i32
      %mul3A_366 = arith.constant 128 : i32
      %mul3A_367 = arith.muli %add3A_365, %mul3A_366 : i32
      %dma_start3A_368 = arith.constant 1 : i32
      %dma_start3A_369 = arith.constant 0 : i32
      %dma_start3A_370 = arith.constant 0 : i32
      %dma_start3A_371 = tpu.memref_slice %arg9[%dma_start3A_368, %dma_start3A_369, %dma_start3A_370] : memref<2x128x128xf32, #tpu.memory_space<vmem>> -> memref<1x128x128xf32, #tpu.memory_space<vmem>>
      %dma_start3A_372 = tpu.memref_squeeze %dma_start3A_371 : memref<1x128x128xf32, #tpu.memory_space<vmem>> -> memref<128x128xf32, #tpu.memory_space<vmem>>
      %dma_start3A_373 = tpu.memref_slice %arg7[%mul3A_367] : memref<10240xi32, #tpu.memory_space<vmem>> -> memref<128xi32, #tpu.memory_space<vmem>>
      %dma_start3A_374 = arith.constant 0 : i32
      %dma_start3A_375 = arith.constant 0 : i32
      %dma_start3A_376 = tpu.memref_slice %arg2[%dma_start3A_374, %dma_start3A_375] : memref<10240x128xf32, #tpu.memory_space<hbm>> -> memref<10240x128xf32, #tpu.memory_space<hbm>>
      tpu.enqueue_indirect_dma source(%dma_start3A_376 : memref<10240x128xf32, #tpu.memory_space<hbm>>) target(%dma_start3A_372 : memref<128x128xf32, #tpu.memory_space<vmem>>) offsets(%dma_start3A_373 : memref<128xi32, #tpu.memory_space<vmem>>) semaphore(%arg12 : memref<!tpu.dma_semaphore, #tpu.memory_space<semaphore_mem>>)
      %mul3A_377 = arith.constant 128 : i32
      %mul3A_378 = arith.muli %add3A_365, %mul3A_377 : i32
      %dma_start3A_379 = arith.constant 1 : i32
      %dma_start3A_380 = arith.constant 0 : i32
      %dma_start3A_381 = arith.constant 0 : i32
      %dma_start3A_382 = tpu.memref_slice %arg10[%dma_start3A_379, %dma_start3A_380, %dma_start3A_381] : memref<2x128x128xf32, #tpu.memory_space<vmem>> -> memref<1x128x128xf32, #tpu.memory_space<vmem>>
      %dma_start3A_383 = tpu.memref_squeeze %dma_start3A_382 : memref<1x128x128xf32, #tpu.memory_space<vmem>> -> memref<128x128xf32, #tpu.memory_space<vmem>>
      %dma_start3A_384 = tpu.memref_slice %arg8[%mul3A_378] : memref<10240xi32, #tpu.memory_space<vmem>> -> memref<128xi32, #tpu.memory_space<vmem>>
      %dma_start3A_385 = arith.constant 0 : i32
      %dma_start3A_386 = arith.constant 0 : i32
      %dma_start3A_387 = tpu.memref_slice %arg2[%dma_start3A_385, %dma_start3A_386] : memref<10240x128xf32, #tpu.memory_space<hbm>> -> memref<10240x128xf32, #tpu.memory_space<hbm>>
      tpu.enqueue_indirect_dma source(%dma_start3A_387 : memref<10240x128xf32, #tpu.memory_space<hbm>>) target(%dma_start3A_383 : memref<128x128xf32, #tpu.memory_space<vmem>>) offsets(%dma_start3A_384 : memref<128xi32, #tpu.memory_space<vmem>>) semaphore(%arg14 : memref<!tpu.dma_semaphore, #tpu.memory_space<semaphore_mem>>)
      %mul3A_388 = arith.constant 128 : i32
      %mul3A_389 = arith.muli %add3A_310, %mul3A_388 : i32
      %add3A_390 = arith.addi %mul3A_2, %mul3A_389 : i32
      %dma_start3A_391 = arith.constant 0 : i32
      %dma_start3A_392 = arith.constant 0 : i32
      %dma_start3A_393 = arith.constant 0 : i32
      %dma_start3A_394 = tpu.memref_slice %arg9[%dma_start3A_391, %dma_start3A_392, %dma_start3A_393] : memref<2x128x128xf32, #tpu.memory_space<vmem>> -> memref<1x128x128xf32, #tpu.memory_space<vmem>>
      %dma_start3A_395 = tpu.memref_squeeze %dma_start3A_394 : memref<1x128x128xf32, #tpu.memory_space<vmem>> -> memref<128x128xf32, #tpu.memory_space<vmem>>
      %dma_start3A_396 = arith.constant 0 : i32
      %dma_start3A_397 = tpu.memref_slice %arg5[%add3A_390, %dma_start3A_396] : memref<327680x128xf32, #tpu.memory_space<hbm>> -> memref<128x128xf32, #tpu.memory_space<hbm>>
      %dma_start3A_398 = arith.constant 0 : i32
      %dma_start3A_399 = tpu.memref_slice %arg5[%add3A_390, %dma_start3A_398] : memref<327680x128xf32, #tpu.memory_space<hbm>> -> memref<128x128xf32, #tpu.memory_space<hbm>>
      %dma_start3A_400 = arith.constant 0 : i32
      %dma_start3A_401 = arith.constant 0 : i32
      %dma_start3A_402 = tpu.memref_slice %arg9[%dma_start3A_391, %dma_start3A_400, %dma_start3A_401] : memref<2x128x128xf32, #tpu.memory_space<vmem>> -> memref<1x128x128xf32, #tpu.memory_space<vmem>>
      %dma_start3A_403 = tpu.memref_squeeze %dma_start3A_402 : memref<1x128x128xf32, #tpu.memory_space<vmem>> -> memref<128x128xf32, #tpu.memory_space<vmem>>
      tpu.enqueue_dma source(%dma_start3A_403 : memref<128x128xf32, #tpu.memory_space<vmem>>) target(%dma_start3A_399 : memref<128x128xf32, #tpu.memory_space<hbm>>) target_semaphore(%arg15 : memref<!tpu.dma_semaphore, #tpu.memory_space<semaphore_mem>>)
      %dma_start3A_404 = arith.constant 0 : i32
      %dma_start3A_405 = arith.constant 0 : i32
      %dma_start3A_406 = arith.constant 0 : i32
      %dma_start3A_407 = tpu.memref_slice %arg10[%dma_start3A_404, %dma_start3A_405, %dma_start3A_406] : memref<2x128x128xf32, #tpu.memory_space<vmem>> -> memref<1x128x128xf32, #tpu.memory_space<vmem>>
      %dma_start3A_408 = tpu.memref_squeeze %dma_start3A_407 : memref<1x128x128xf32, #tpu.memory_space<vmem>> -> memref<128x128xf32, #tpu.memory_space<vmem>>
      %dma_start3A_409 = arith.constant 0 : i32
      %dma_start3A_410 = tpu.memref_slice %arg6[%add3A_390, %dma_start3A_409] : memref<327680x128xf32, #tpu.memory_space<hbm>> -> memref<128x128xf32, #tpu.memory_space<hbm>>
      %dma_start3A_411 = arith.constant 0 : i32
      %dma_start3A_412 = tpu.memref_slice %arg6[%add3A_390, %dma_start3A_411] : memref<327680x128xf32, #tpu.memory_space<hbm>> -> memref<128x128xf32, #tpu.memory_space<hbm>>
      %dma_start3A_413 = arith.constant 0 : i32
      %dma_start3A_414 = arith.constant 0 : i32
      %dma_start3A_415 = tpu.memref_slice %arg10[%dma_start3A_404, %dma_start3A_413, %dma_start3A_414] : memref<2x128x128xf32, #tpu.memory_space<vmem>> -> memref<1x128x128xf32, #tpu.memory_space<vmem>>
      %dma_start3A_416 = tpu.memref_squeeze %dma_start3A_415 : memref<1x128x128xf32, #tpu.memory_space<vmem>> -> memref<128x128xf32, #tpu.memory_space<vmem>>
      tpu.enqueue_dma source(%dma_start3A_416 : memref<128x128xf32, #tpu.memory_space<vmem>>) target(%dma_start3A_412 : memref<128x128xf32, #tpu.memory_space<hbm>>) target_semaphore(%arg17 : memref<!tpu.dma_semaphore, #tpu.memory_space<semaphore_mem>>)
    }
    %scan3A_92 = arith.constant 39 : i32
    %dma_wait3A_93 = arith.constant 1 : i32
    %dma_wait3A_94 = arith.constant 0 : i32
    %dma_wait3A_95 = arith.constant 0 : i32
    %dma_wait3A_96 = tpu.memref_slice %arg9[%dma_wait3A_93, %dma_wait3A_94, %dma_wait3A_95] : memref<2x128x128xf32, #tpu.memory_space<vmem>> -> memref<1x128x128xf32, #tpu.memory_space<vmem>>
    %dma_wait3A_97 = tpu.memref_squeeze %dma_wait3A_96 : memref<1x128x128xf32, #tpu.memory_space<vmem>> -> memref<128x128xf32, #tpu.memory_space<vmem>>
    %dma_wait3A_98 = arith.constant 10112 : i32
    %dma_wait3A_99 = tpu.memref_slice %arg7[%dma_wait3A_98] : memref<10240xi32, #tpu.memory_space<vmem>> -> memref<128xi32, #tpu.memory_space<vmem>>
    %dma_wait3A_100 = arith.constant 0 : i32
    %dma_wait3A_101 = arith.constant 0 : i32
    %dma_wait3A_102 = tpu.memref_slice %arg2[%dma_wait3A_100, %dma_wait3A_101] : memref<10240x128xf32, #tpu.memory_space<hbm>> -> memref<10240x128xf32, #tpu.memory_space<hbm>>
    tpu.wait_indirect_dma semaphore(%arg12 : memref<!tpu.dma_semaphore, #tpu.memory_space<semaphore_mem>>) src(%dma_wait3A_102 : memref<10240x128xf32, #tpu.memory_space<hbm>>) dst(%dma_wait3A_97 : memref<128x128xf32, #tpu.memory_space<vmem>>)
    %dma_wait3A_103 = arith.constant 1 : i32
    %dma_wait3A_104 = arith.constant 0 : i32
    %dma_wait3A_105 = arith.constant 0 : i32
    %dma_wait3A_106 = tpu.memref_slice %arg10[%dma_wait3A_103, %dma_wait3A_104, %dma_wait3A_105] : memref<2x128x128xf32, #tpu.memory_space<vmem>> -> memref<1x128x128xf32, #tpu.memory_space<vmem>>
    %dma_wait3A_107 = tpu.memref_squeeze %dma_wait3A_106 : memref<1x128x128xf32, #tpu.memory_space<vmem>> -> memref<128x128xf32, #tpu.memory_space<vmem>>
    %dma_wait3A_108 = arith.constant 10112 : i32
    %dma_wait3A_109 = tpu.memref_slice %arg8[%dma_wait3A_108] : memref<10240xi32, #tpu.memory_space<vmem>> -> memref<128xi32, #tpu.memory_space<vmem>>
    %dma_wait3A_110 = arith.constant 0 : i32
    %dma_wait3A_111 = arith.constant 0 : i32
    %dma_wait3A_112 = tpu.memref_slice %arg2[%dma_wait3A_110, %dma_wait3A_111] : memref<10240x128xf32, #tpu.memory_space<hbm>> -> memref<10240x128xf32, #tpu.memory_space<hbm>>
    tpu.wait_indirect_dma semaphore(%arg14 : memref<!tpu.dma_semaphore, #tpu.memory_space<semaphore_mem>>) src(%dma_wait3A_112 : memref<10240x128xf32, #tpu.memory_space<hbm>>) dst(%dma_wait3A_107 : memref<128x128xf32, #tpu.memory_space<vmem>>)
    %add3A_113 = arith.constant 9984 : i32
    %add3A_114 = arith.addi %mul3A_2, %add3A_113 : i32
    %dma_wait3A_115 = arith.constant 0 : i32
    %dma_wait3A_116 = arith.constant 0 : i32
    %dma_wait3A_117 = arith.constant 0 : i32
    %dma_wait3A_118 = tpu.memref_slice %arg9[%dma_wait3A_115, %dma_wait3A_116, %dma_wait3A_117] : memref<2x128x128xf32, #tpu.memory_space<vmem>> -> memref<1x128x128xf32, #tpu.memory_space<vmem>>
    %dma_wait3A_119 = tpu.memref_squeeze %dma_wait3A_118 : memref<1x128x128xf32, #tpu.memory_space<vmem>> -> memref<128x128xf32, #tpu.memory_space<vmem>>
    %dma_wait3A_120 = arith.constant 0 : i32
    %dma_wait3A_121 = tpu.memref_slice %arg5[%add3A_114, %dma_wait3A_120] : memref<327680x128xf32, #tpu.memory_space<hbm>> -> memref<128x128xf32, #tpu.memory_space<hbm>>
    %dma_wait3A_122 = arith.constant 0 : i32
    %dma_wait3A_123 = tpu.memref_slice %arg5[%add3A_114, %dma_wait3A_122] : memref<327680x128xf32, #tpu.memory_space<hbm>> -> memref<128x128xf32, #tpu.memory_space<hbm>>
    %dma_wait3A_124 = arith.constant 0 : i32
    %dma_wait3A_125 = arith.constant 0 : i32
    %dma_wait3A_126 = tpu.memref_slice %arg9[%dma_wait3A_115, %dma_wait3A_124, %dma_wait3A_125] : memref<2x128x128xf32, #tpu.memory_space<vmem>> -> memref<1x128x128xf32, #tpu.memory_space<vmem>>
    %dma_wait3A_127 = tpu.memref_squeeze %dma_wait3A_126 : memref<1x128x128xf32, #tpu.memory_space<vmem>> -> memref<128x128xf32, #tpu.memory_space<vmem>>
    tpu.wait_dma2 semaphore(%arg15 : memref<!tpu.dma_semaphore, #tpu.memory_space<semaphore_mem>>) src(%dma_wait3A_127 : memref<128x128xf32, #tpu.memory_space<vmem>>) dst(%dma_wait3A_123 : memref<128x128xf32, #tpu.memory_space<hbm>>)
    %dma_wait3A_128 = arith.constant 0 : i32
    %dma_wait3A_129 = arith.constant 0 : i32
    %dma_wait3A_130 = arith.constant 0 : i32
    %dma_wait3A_131 = tpu.memref_slice %arg10[%dma_wait3A_128, %dma_wait3A_129, %dma_wait3A_130] : memref<2x128x128xf32, #tpu.memory_space<vmem>> -> memref<1x128x128xf32, #tpu.memory_space<vmem>>
    %dma_wait3A_132 = tpu.memref_squeeze %dma_wait3A_131 : memref<1x128x128xf32, #tpu.memory_space<vmem>> -> memref<128x128xf32, #tpu.memory_space<vmem>>
    %dma_wait3A_133 = arith.constant 0 : i32
    %dma_wait3A_134 = tpu.memref_slice %arg6[%add3A_114, %dma_wait3A_133] : memref<327680x128xf32, #tpu.memory_space<hbm>> -> memref<128x128xf32, #tpu.memory_space<hbm>>
    %dma_wait3A_135 = arith.constant 0 : i32
    %dma_wait3A_136 = tpu.memref_slice %arg6[%add3A_114, %dma_wait3A_135] : memref<327680x128xf32, #tpu.memory_space<hbm>> -> memref<128x128xf32, #tpu.memory_space<hbm>>
    %dma_wait3A_137 = arith.constant 0 : i32
    %dma_wait3A_138 = arith.constant 0 : i32
    %dma_wait3A_139 = tpu.memref_slice %arg10[%dma_wait3A_128, %dma_wait3A_137, %dma_wait3A_138] : memref<2x128x128xf32, #tpu.memory_space<vmem>> -> memref<1x128x128xf32, #tpu.memory_space<vmem>>
    %dma_wait3A_140 = tpu.memref_squeeze %dma_wait3A_139 : memref<1x128x128xf32, #tpu.memory_space<vmem>> -> memref<128x128xf32, #tpu.memory_space<vmem>>
    tpu.wait_dma2 semaphore(%arg17 : memref<!tpu.dma_semaphore, #tpu.memory_space<semaphore_mem>>) src(%dma_wait3A_140 : memref<128x128xf32, #tpu.memory_space<vmem>>) dst(%dma_wait3A_136 : memref<128x128xf32, #tpu.memory_space<hbm>>)
    %add3A_141 = arith.constant 10112 : i32
    %add3A_142 = arith.addi %mul3A_2, %add3A_141 : i32
    %dma_start3A_143 = arith.constant 1 : i32
    %dma_start3A_144 = arith.constant 0 : i32
    %dma_start3A_145 = arith.constant 0 : i32
    %dma_start3A_146 = tpu.memref_slice %arg9[%dma_start3A_143, %dma_start3A_144, %dma_start3A_145] : memref<2x128x128xf32, #tpu.memory_space<vmem>> -> memref<1x128x128xf32, #tpu.memory_space<vmem>>
    %dma_start3A_147 = tpu.memref_squeeze %dma_start3A_146 : memref<1x128x128xf32, #tpu.memory_space<vmem>> -> memref<128x128xf32, #tpu.memory_space<vmem>>
    %dma_start3A_148 = arith.constant 0 : i32
    %dma_start3A_149 = tpu.memref_slice %arg5[%add3A_142, %dma_start3A_148] : memref<327680x128xf32, #tpu.memory_space<hbm>> -> memref<128x128xf32, #tpu.memory_space<hbm>>
    %dma_start3A_150 = arith.constant 0 : i32
    %dma_start3A_151 = tpu.memref_slice %arg5[%add3A_142, %dma_start3A_150] : memref<327680x128xf32, #tpu.memory_space<hbm>> -> memref<128x128xf32, #tpu.memory_space<hbm>>
    %dma_start3A_152 = arith.constant 0 : i32
    %dma_start3A_153 = arith.constant 0 : i32
    %dma_start3A_154 = tpu.memref_slice %arg9[%dma_start3A_143, %dma_start3A_152, %dma_start3A_153] : memref<2x128x128xf32, #tpu.memory_space<vmem>> -> memref<1x128x128xf32, #tpu.memory_space<vmem>>
    %dma_start3A_155 = tpu.memref_squeeze %dma_start3A_154 : memref<1x128x128xf32, #tpu.memory_space<vmem>> -> memref<128x128xf32, #tpu.memory_space<vmem>>
    tpu.enqueue_dma source(%dma_start3A_155 : memref<128x128xf32, #tpu.memory_space<vmem>>) target(%dma_start3A_151 : memref<128x128xf32, #tpu.memory_space<hbm>>) target_semaphore(%arg16 : memref<!tpu.dma_semaphore, #tpu.memory_space<semaphore_mem>>)
    %dma_start3A_156 = arith.constant 1 : i32
    %dma_start3A_157 = arith.constant 0 : i32
    %dma_start3A_158 = arith.constant 0 : i32
    %dma_start3A_159 = tpu.memref_slice %arg10[%dma_start3A_156, %dma_start3A_157, %dma_start3A_158] : memref<2x128x128xf32, #tpu.memory_space<vmem>> -> memref<1x128x128xf32, #tpu.memory_space<vmem>>
    %dma_start3A_160 = tpu.memref_squeeze %dma_start3A_159 : memref<1x128x128xf32, #tpu.memory_space<vmem>> -> memref<128x128xf32, #tpu.memory_space<vmem>>
    %dma_start3A_161 = arith.constant 0 : i32
    %dma_start3A_162 = tpu.memref_slice %arg6[%add3A_142, %dma_start3A_161] : memref<327680x128xf32, #tpu.memory_space<hbm>> -> memref<128x128xf32, #tpu.memory_space<hbm>>
    %dma_start3A_163 = arith.constant 0 : i32
    %dma_start3A_164 = tpu.memref_slice %arg6[%add3A_142, %dma_start3A_163] : memref<327680x128xf32, #tpu.memory_space<hbm>> -> memref<128x128xf32, #tpu.memory_space<hbm>>
    %dma_start3A_165 = arith.constant 0 : i32
    %dma_start3A_166 = arith.constant 0 : i32
    %dma_start3A_167 = tpu.memref_slice %arg10[%dma_start3A_156, %dma_start3A_165, %dma_start3A_166] : memref<2x128x128xf32, #tpu.memory_space<vmem>> -> memref<1x128x128xf32, #tpu.memory_space<vmem>>
    %dma_start3A_168 = tpu.memref_squeeze %dma_start3A_167 : memref<1x128x128xf32, #tpu.memory_space<vmem>> -> memref<128x128xf32, #tpu.memory_space<vmem>>
    tpu.enqueue_dma source(%dma_start3A_168 : memref<128x128xf32, #tpu.memory_space<vmem>>) target(%dma_start3A_164 : memref<128x128xf32, #tpu.memory_space<hbm>>) target_semaphore(%arg18 : memref<!tpu.dma_semaphore, #tpu.memory_space<semaphore_mem>>)
    %add3A_169 = arith.constant 10112 : i32
    %add3A_170 = arith.addi %mul3A_2, %add3A_169 : i32
    %dma_wait3A_171 = arith.constant 1 : i32
    %dma_wait3A_172 = arith.constant 0 : i32
    %dma_wait3A_173 = arith.constant 0 : i32
    %dma_wait3A_174 = tpu.memref_slice %arg9[%dma_wait3A_171, %dma_wait3A_172, %dma_wait3A_173] : memref<2x128x128xf32, #tpu.memory_space<vmem>> -> memref<1x128x128xf32, #tpu.memory_space<vmem>>
    %dma_wait3A_175 = tpu.memref_squeeze %dma_wait3A_174 : memref<1x128x128xf32, #tpu.memory_space<vmem>> -> memref<128x128xf32, #tpu.memory_space<vmem>>
    %dma_wait3A_176 = arith.constant 0 : i32
    %dma_wait3A_177 = tpu.memref_slice %arg5[%add3A_170, %dma_wait3A_176] : memref<327680x128xf32, #tpu.memory_space<hbm>> -> memref<128x128xf32, #tpu.memory_space<hbm>>
    %dma_wait3A_178 = arith.constant 0 : i32
    %dma_wait3A_179 = tpu.memref_slice %arg5[%add3A_170, %dma_wait3A_178] : memref<327680x128xf32, #tpu.memory_space<hbm>> -> memref<128x128xf32, #tpu.memory_space<hbm>>
    %dma_wait3A_180 = arith.constant 0 : i32
    %dma_wait3A_181 = arith.constant 0 : i32
    %dma_wait3A_182 = tpu.memref_slice %arg9[%dma_wait3A_171, %dma_wait3A_180, %dma_wait3A_181] : memref<2x128x128xf32, #tpu.memory_space<vmem>> -> memref<1x128x128xf32, #tpu.memory_space<vmem>>
    %dma_wait3A_183 = tpu.memref_squeeze %dma_wait3A_182 : memref<1x128x128xf32, #tpu.memory_space<vmem>> -> memref<128x128xf32, #tpu.memory_space<vmem>>
    tpu.wait_dma2 semaphore(%arg16 : memref<!tpu.dma_semaphore, #tpu.memory_space<semaphore_mem>>) src(%dma_wait3A_183 : memref<128x128xf32, #tpu.memory_space<vmem>>) dst(%dma_wait3A_179 : memref<128x128xf32, #tpu.memory_space<hbm>>)
    %dma_wait3A_184 = arith.constant 1 : i32
    %dma_wait3A_185 = arith.constant 0 : i32
    %dma_wait3A_186 = arith.constant 0 : i32
    %dma_wait3A_187 = tpu.memref_slice %arg10[%dma_wait3A_184, %dma_wait3A_185, %dma_wait3A_186] : memref<2x128x128xf32, #tpu.memory_space<vmem>> -> memref<1x128x128xf32, #tpu.memory_space<vmem>>
    %dma_wait3A_188 = tpu.memref_squeeze %dma_wait3A_187 : memref<1x128x128xf32, #tpu.memory_space<vmem>> -> memref<128x128xf32, #tpu.memory_space<vmem>>
    %dma_wait3A_189 = arith.constant 0 : i32
    %dma_wait3A_190 = tpu.memref_slice %arg6[%add3A_170, %dma_wait3A_189] : memref<327680x128xf32, #tpu.memory_space<hbm>> -> memref<128x128xf32, #tpu.memory_space<hbm>>
    %dma_wait3A_191 = arith.constant 0 : i32
    %dma_wait3A_192 = tpu.memref_slice %arg6[%add3A_170, %dma_wait3A_191] : memref<327680x128xf32, #tpu.memory_space<hbm>> -> memref<128x128xf32, #tpu.memory_space<hbm>>
    %dma_wait3A_193 = arith.constant 0 : i32
    %dma_wait3A_194 = arith.constant 0 : i32
    %dma_wait3A_195 = tpu.memref_slice %arg10[%dma_wait3A_184, %dma_wait3A_193, %dma_wait3A_194] : memref<2x128x128xf32, #tpu.memory_space<vmem>> -> memref<1x128x128xf32, #tpu.memory_space<vmem>>
    %dma_wait3A_196 = tpu.memref_squeeze %dma_wait3A_195 : memref<1x128x128xf32, #tpu.memory_space<vmem>> -> memref<128x128xf32, #tpu.memory_space<vmem>>
    tpu.wait_dma2 semaphore(%arg18 : memref<!tpu.dma_semaphore, #tpu.memory_space<semaphore_mem>>) src(%dma_wait3A_196 : memref<128x128xf32, #tpu.memory_space<vmem>>) dst(%dma_wait3A_192 : memref<128x128xf32, #tpu.memory_space<hbm>>)
    return
  }
}

#map = affine_map<(d0, d1) -> (0)>
#map1 = affine_map<(d0, d1) -> (0, 0)>
#map2 = affine_map<(d0, d1) -> (0, 0, 0)>
module attributes {stable_mosaic.version = 14 : i64} {
  func.func @_scatter_msg_body(%arg0: i32, %arg1: i32, %arg2: memref<327680xi32, #tpu.memory_space<hbm>>, %arg3: memref<327680x128xf32, #tpu.memory_space<hbm>>, %arg4: memref<10240x128xf32, #tpu.memory_space<hbm>>, %arg5: memref<2x10240x128xf32, #tpu.memory_space<hbm>>, %arg6: memref<128xi32, #tpu.memory_space<vmem>>, %arg7: memref<128xi32, #tpu.memory_space<vmem>>, %arg8: memref<2x128x128xf32, #tpu.memory_space<vmem>>, %arg9: memref<10240x128xf32, #tpu.memory_space<vmem_shared>>, %arg10: memref<!tpu.dma_semaphore, #tpu.memory_space<semaphore_mem>>, %arg11: memref<!tpu.dma_semaphore, #tpu.memory_space<semaphore_mem>>, %arg12: memref<!tpu.dma_semaphore, #tpu.memory_space<semaphore_mem>>, %arg13: memref<!tpu.dma_semaphore, #tpu.memory_space<semaphore_mem>>, %arg14: memref<!tpu.dma_semaphore, #tpu.memory_space<semaphore_mem>>, %arg15: memref<!tpu.dma_semaphore, #tpu.memory_space<semaphore_mem>>) attributes {dimension_semantics = [#tpu.dimension_semantics<core_parallel>, #tpu.dimension_semantics<subcore_parallel>], iteration_bounds = array<i64: 2, 16>, scalar_prefetch = 0 : i64, scratch_operands = 10 : i64, tpu.core_type = #tpu.core_type<sc_vector_subcore>, window_params = [{transform_indices = #map}, {transform_indices = #map1}, {transform_indices = #map1}, {transform_indices = #map2}]} {
    %mul3A = arith.constant 163840 : i32
    %mul3A_0 = arith.muli %arg0, %mul3A : i32
    %mul3A_1 = arith.constant 10240 : i32
    %mul3A_2 = arith.muli %arg1, %mul3A_1 : i32
    %add3A = arith.addi %mul3A_0, %mul3A_2 : i32
    %mul3A_3 = arith.constant 640 : i32
    %mul3A_4 = arith.muli %arg1, %mul3A_3 : i32
    %mul3A_5 = arith.constant 640 : i32
    %mul3A_6 = arith.muli %arg1, %mul3A_5 : i32
    "tpu.region"() ({
      %run_scoped3A = tpu.sem_alloc : memref<!tpu.dma_semaphore, #tpu.memory_space<semaphore_mem>>
      %dma_start3A_114 = arith.constant 0 : i32
      %dma_start3A_115 = tpu.memref_slice %arg9[%mul3A_6, %dma_start3A_114] : memref<10240x128xf32, #tpu.memory_space<vmem_shared>> -> memref<640x128xf32, #tpu.memory_space<vmem_shared>>
      %dma_start3A_116 = arith.constant 0 : i32
      %dma_start3A_117 = tpu.memref_slice %arg4[%mul3A_4, %dma_start3A_116] : memref<10240x128xf32, #tpu.memory_space<hbm>> -> memref<640x128xf32, #tpu.memory_space<hbm>>
      tpu.enqueue_dma source(%dma_start3A_117 : memref<640x128xf32, #tpu.memory_space<hbm>>) target(%dma_start3A_115 : memref<640x128xf32, #tpu.memory_space<vmem_shared>>) target_semaphore(%run_scoped3A : memref<!tpu.dma_semaphore, #tpu.memory_space<semaphore_mem>>)
      %dma_wait3A_118 = arith.constant 0 : i32
      %dma_wait3A_119 = tpu.memref_slice %arg9[%mul3A_6, %dma_wait3A_118] : memref<10240x128xf32, #tpu.memory_space<vmem_shared>> -> memref<640x128xf32, #tpu.memory_space<vmem_shared>>
      %dma_wait3A_120 = arith.constant 0 : i32
      %dma_wait3A_121 = tpu.memref_slice %arg4[%mul3A_4, %dma_wait3A_120] : memref<10240x128xf32, #tpu.memory_space<hbm>> -> memref<640x128xf32, #tpu.memory_space<hbm>>
      tpu.wait_dma2 semaphore(%run_scoped3A : memref<!tpu.dma_semaphore, #tpu.memory_space<semaphore_mem>>) src(%dma_wait3A_121 : memref<640x128xf32, #tpu.memory_space<hbm>>) dst(%dma_wait3A_119 : memref<640x128xf32, #tpu.memory_space<vmem_shared>>)
      tpu.yield
    }) : () -> ()
    %barrier3A = arith.constant 0 : index
    tpu.barrier barrier_id(%barrier3A)
    %add3A_7 = arith.constant 0 : i32
    %add3A_8 = arith.addi %add3A, %add3A_7 : i32
    %dma_start3A = tpu.memref_slice %arg2[%add3A_8] : memref<327680xi32, #tpu.memory_space<hbm>> -> memref<128xi32, #tpu.memory_space<hbm>>
    %dma_start3A_9 = tpu.memref_slice %arg2[%add3A_8] : memref<327680xi32, #tpu.memory_space<hbm>> -> memref<128xi32, #tpu.memory_space<hbm>>
    tpu.enqueue_dma source(%dma_start3A_9 : memref<128xi32, #tpu.memory_space<hbm>>) target(%arg6 : memref<128xi32, #tpu.memory_space<vmem>>) target_semaphore(%arg10 : memref<!tpu.dma_semaphore, #tpu.memory_space<semaphore_mem>>)
    %dma_start3A_10 = arith.constant 0 : i32
    %dma_start3A_11 = arith.constant 0 : i32
    %dma_start3A_12 = arith.constant 0 : i32
    %dma_start3A_13 = tpu.memref_slice %arg8[%dma_start3A_10, %dma_start3A_11, %dma_start3A_12] : memref<2x128x128xf32, #tpu.memory_space<vmem>> -> memref<1x128x128xf32, #tpu.memory_space<vmem>>
    %dma_start3A_14 = tpu.memref_squeeze %dma_start3A_13 : memref<1x128x128xf32, #tpu.memory_space<vmem>> -> memref<128x128xf32, #tpu.memory_space<vmem>>
    %dma_start3A_15 = arith.constant 0 : i32
    %dma_start3A_16 = tpu.memref_slice %arg3[%add3A_8, %dma_start3A_15] : memref<327680x128xf32, #tpu.memory_space<hbm>> -> memref<128x128xf32, #tpu.memory_space<hbm>>
    %dma_start3A_17 = arith.constant 0 : i32
    %dma_start3A_18 = arith.constant 0 : i32
    %dma_start3A_19 = tpu.memref_slice %arg8[%dma_start3A_10, %dma_start3A_17, %dma_start3A_18] : memref<2x128x128xf32, #tpu.memory_space<vmem>> -> memref<1x128x128xf32, #tpu.memory_space<vmem>>
    %dma_start3A_20 = tpu.memref_squeeze %dma_start3A_19 : memref<1x128x128xf32, #tpu.memory_space<vmem>> -> memref<128x128xf32, #tpu.memory_space<vmem>>
    %dma_start3A_21 = arith.constant 0 : i32
    %dma_start3A_22 = tpu.memref_slice %arg3[%add3A_8, %dma_start3A_21] : memref<327680x128xf32, #tpu.memory_space<hbm>> -> memref<128x128xf32, #tpu.memory_space<hbm>>
    tpu.enqueue_dma source(%dma_start3A_22 : memref<128x128xf32, #tpu.memory_space<hbm>>) target(%dma_start3A_20 : memref<128x128xf32, #tpu.memory_space<vmem>>) target_semaphore(%arg12 : memref<!tpu.dma_semaphore, #tpu.memory_space<semaphore_mem>>)
    %add3A_23 = arith.constant 0 : i32
    %add3A_24 = arith.addi %add3A, %add3A_23 : i32
    %dma_wait3A = tpu.memref_slice %arg2[%add3A_24] : memref<327680xi32, #tpu.memory_space<hbm>> -> memref<128xi32, #tpu.memory_space<hbm>>
    %dma_wait3A_25 = tpu.memref_slice %arg2[%add3A_24] : memref<327680xi32, #tpu.memory_space<hbm>> -> memref<128xi32, #tpu.memory_space<hbm>>
    tpu.wait_dma2 semaphore(%arg10 : memref<!tpu.dma_semaphore, #tpu.memory_space<semaphore_mem>>) src(%dma_wait3A_25 : memref<128xi32, #tpu.memory_space<hbm>>) dst(%arg6 : memref<128xi32, #tpu.memory_space<vmem>>)
    %dma_wait3A_26 = arith.constant 0 : i32
    %dma_wait3A_27 = arith.constant 0 : i32
    %dma_wait3A_28 = arith.constant 0 : i32
    %dma_wait3A_29 = tpu.memref_slice %arg8[%dma_wait3A_26, %dma_wait3A_27, %dma_wait3A_28] : memref<2x128x128xf32, #tpu.memory_space<vmem>> -> memref<1x128x128xf32, #tpu.memory_space<vmem>>
    %dma_wait3A_30 = tpu.memref_squeeze %dma_wait3A_29 : memref<1x128x128xf32, #tpu.memory_space<vmem>> -> memref<128x128xf32, #tpu.memory_space<vmem>>
    %dma_wait3A_31 = arith.constant 0 : i32
    %dma_wait3A_32 = tpu.memref_slice %arg3[%add3A_24, %dma_wait3A_31] : memref<327680x128xf32, #tpu.memory_space<hbm>> -> memref<128x128xf32, #tpu.memory_space<hbm>>
    %dma_wait3A_33 = arith.constant 0 : i32
    %dma_wait3A_34 = arith.constant 0 : i32
    %dma_wait3A_35 = tpu.memref_slice %arg8[%dma_wait3A_26, %dma_wait3A_33, %dma_wait3A_34] : memref<2x128x128xf32, #tpu.memory_space<vmem>> -> memref<1x128x128xf32, #tpu.memory_space<vmem>>
    %dma_wait3A_36 = tpu.memref_squeeze %dma_wait3A_35 : memref<1x128x128xf32, #tpu.memory_space<vmem>> -> memref<128x128xf32, #tpu.memory_space<vmem>>
    %dma_wait3A_37 = arith.constant 0 : i32
    %dma_wait3A_38 = tpu.memref_slice %arg3[%add3A_24, %dma_wait3A_37] : memref<327680x128xf32, #tpu.memory_space<hbm>> -> memref<128x128xf32, #tpu.memory_space<hbm>>
    tpu.wait_dma2 semaphore(%arg12 : memref<!tpu.dma_semaphore, #tpu.memory_space<semaphore_mem>>) src(%dma_wait3A_38 : memref<128x128xf32, #tpu.memory_space<hbm>>) dst(%dma_wait3A_36 : memref<128x128xf32, #tpu.memory_space<vmem>>)
    %add3A_39 = arith.constant 128 : i32
    %add3A_40 = arith.addi %add3A, %add3A_39 : i32
    %dma_start3A_41 = tpu.memref_slice %arg2[%add3A_40] : memref<327680xi32, #tpu.memory_space<hbm>> -> memref<128xi32, #tpu.memory_space<hbm>>
    %dma_start3A_42 = tpu.memref_slice %arg2[%add3A_40] : memref<327680xi32, #tpu.memory_space<hbm>> -> memref<128xi32, #tpu.memory_space<hbm>>
    tpu.enqueue_dma source(%dma_start3A_42 : memref<128xi32, #tpu.memory_space<hbm>>) target(%arg7 : memref<128xi32, #tpu.memory_space<vmem>>) target_semaphore(%arg11 : memref<!tpu.dma_semaphore, #tpu.memory_space<semaphore_mem>>)
    %dma_start3A_43 = arith.constant 1 : i32
    %dma_start3A_44 = arith.constant 0 : i32
    %dma_start3A_45 = arith.constant 0 : i32
    %dma_start3A_46 = tpu.memref_slice %arg8[%dma_start3A_43, %dma_start3A_44, %dma_start3A_45] : memref<2x128x128xf32, #tpu.memory_space<vmem>> -> memref<1x128x128xf32, #tpu.memory_space<vmem>>
    %dma_start3A_47 = tpu.memref_squeeze %dma_start3A_46 : memref<1x128x128xf32, #tpu.memory_space<vmem>> -> memref<128x128xf32, #tpu.memory_space<vmem>>
    %dma_start3A_48 = arith.constant 0 : i32
    %dma_start3A_49 = tpu.memref_slice %arg3[%add3A_40, %dma_start3A_48] : memref<327680x128xf32, #tpu.memory_space<hbm>> -> memref<128x128xf32, #tpu.memory_space<hbm>>
    %dma_start3A_50 = arith.constant 0 : i32
    %dma_start3A_51 = arith.constant 0 : i32
    %dma_start3A_52 = tpu.memref_slice %arg8[%dma_start3A_43, %dma_start3A_50, %dma_start3A_51] : memref<2x128x128xf32, #tpu.memory_space<vmem>> -> memref<1x128x128xf32, #tpu.memory_space<vmem>>
    %dma_start3A_53 = tpu.memref_squeeze %dma_start3A_52 : memref<1x128x128xf32, #tpu.memory_space<vmem>> -> memref<128x128xf32, #tpu.memory_space<vmem>>
    %dma_start3A_54 = arith.constant 0 : i32
    %dma_start3A_55 = tpu.memref_slice %arg3[%add3A_40, %dma_start3A_54] : memref<327680x128xf32, #tpu.memory_space<hbm>> -> memref<128x128xf32, #tpu.memory_space<hbm>>
    tpu.enqueue_dma source(%dma_start3A_55 : memref<128x128xf32, #tpu.memory_space<hbm>>) target(%dma_start3A_53 : memref<128x128xf32, #tpu.memory_space<vmem>>) target_semaphore(%arg13 : memref<!tpu.dma_semaphore, #tpu.memory_space<semaphore_mem>>)
    %dma_start3A_56 = arith.constant 0 : i32
    %dma_start3A_57 = arith.constant 0 : i32
    %dma_start3A_58 = arith.constant 0 : i32
    %dma_start3A_59 = tpu.memref_slice %arg8[%dma_start3A_56, %dma_start3A_57, %dma_start3A_58] : memref<2x128x128xf32, #tpu.memory_space<vmem>> -> memref<1x128x128xf32, #tpu.memory_space<vmem>>
    %dma_start3A_60 = tpu.memref_squeeze %dma_start3A_59 : memref<1x128x128xf32, #tpu.memory_space<vmem>> -> memref<128x128xf32, #tpu.memory_space<vmem>>
    %dma_start3A_61 = arith.constant 0 : i32
    %dma_start3A_62 = arith.constant 0 : i32
    %dma_start3A_63 = tpu.memref_slice %arg9[%dma_start3A_61, %dma_start3A_62] : memref<10240x128xf32, #tpu.memory_space<vmem_shared>> -> memref<10240x128xf32, #tpu.memory_space<vmem_shared>>
    tpu.enqueue_indirect_dma source(%dma_start3A_60 : memref<128x128xf32, #tpu.memory_space<vmem>>) target(%dma_start3A_63 : memref<10240x128xf32, #tpu.memory_space<vmem_shared>>) offsets(%arg6 : memref<128xi32, #tpu.memory_space<vmem>>) semaphore(%arg14 : memref<!tpu.dma_semaphore, #tpu.memory_space<semaphore_mem>>) {add = true}
    %scan3A = arith.constant 0 : i32
    %scan3A_64 = arith.constant 39 : i32
    %scan3A_65 = arith.addi %scan3A, %scan3A_64 : i32
    %scan3A_66 = arith.constant 1 : i32
    scf.for %scan3A_114 = %scan3A to %scan3A_65 step %scan3A_66  : i32 {
      %mul3A_115 = arith.constant 2 : i32
      %mul3A_116 = arith.muli %mul3A_115, %scan3A_114 : i32
      %add3A_117 = arith.constant 1 : i32
      %add3A_118 = arith.addi %mul3A_116, %add3A_117 : i32
      %mul3A_119 = arith.constant 128 : i32
      %mul3A_120 = arith.muli %add3A_118, %mul3A_119 : i32
      %add3A_121 = arith.addi %add3A, %mul3A_120 : i32
      %dma_wait3A_122 = tpu.memref_slice %arg2[%add3A_121] : memref<327680xi32, #tpu.memory_space<hbm>> -> memref<128xi32, #tpu.memory_space<hbm>>
      %dma_wait3A_123 = tpu.memref_slice %arg2[%add3A_121] : memref<327680xi32, #tpu.memory_space<hbm>> -> memref<128xi32, #tpu.memory_space<hbm>>
      tpu.wait_dma2 semaphore(%arg11 : memref<!tpu.dma_semaphore, #tpu.memory_space<semaphore_mem>>) src(%dma_wait3A_123 : memref<128xi32, #tpu.memory_space<hbm>>) dst(%arg7 : memref<128xi32, #tpu.memory_space<vmem>>)
      %dma_wait3A_124 = arith.constant 1 : i32
      %dma_wait3A_125 = arith.constant 0 : i32
      %dma_wait3A_126 = arith.constant 0 : i32
      %dma_wait3A_127 = tpu.memref_slice %arg8[%dma_wait3A_124, %dma_wait3A_125, %dma_wait3A_126] : memref<2x128x128xf32, #tpu.memory_space<vmem>> -> memref<1x128x128xf32, #tpu.memory_space<vmem>>
      %dma_wait3A_128 = tpu.memref_squeeze %dma_wait3A_127 : memref<1x128x128xf32, #tpu.memory_space<vmem>> -> memref<128x128xf32, #tpu.memory_space<vmem>>
      %dma_wait3A_129 = arith.constant 0 : i32
      %dma_wait3A_130 = tpu.memref_slice %arg3[%add3A_121, %dma_wait3A_129] : memref<327680x128xf32, #tpu.memory_space<hbm>> -> memref<128x128xf32, #tpu.memory_space<hbm>>
      %dma_wait3A_131 = arith.constant 0 : i32
      %dma_wait3A_132 = arith.constant 0 : i32
      %dma_wait3A_133 = tpu.memref_slice %arg8[%dma_wait3A_124, %dma_wait3A_131, %dma_wait3A_132] : memref<2x128x128xf32, #tpu.memory_space<vmem>> -> memref<1x128x128xf32, #tpu.memory_space<vmem>>
      %dma_wait3A_134 = tpu.memref_squeeze %dma_wait3A_133 : memref<1x128x128xf32, #tpu.memory_space<vmem>> -> memref<128x128xf32, #tpu.memory_space<vmem>>
      %dma_wait3A_135 = arith.constant 0 : i32
      %dma_wait3A_136 = tpu.memref_slice %arg3[%add3A_121, %dma_wait3A_135] : memref<327680x128xf32, #tpu.memory_space<hbm>> -> memref<128x128xf32, #tpu.memory_space<hbm>>
      tpu.wait_dma2 semaphore(%arg13 : memref<!tpu.dma_semaphore, #tpu.memory_space<semaphore_mem>>) src(%dma_wait3A_136 : memref<128x128xf32, #tpu.memory_space<hbm>>) dst(%dma_wait3A_134 : memref<128x128xf32, #tpu.memory_space<vmem>>)
      %sub3A = arith.constant 1 : i32
      %sub3A_137 = arith.subi %add3A_118, %sub3A : i32
      %dma_wait3A_138 = arith.constant 0 : i32
      %dma_wait3A_139 = arith.constant 0 : i32
      %dma_wait3A_140 = arith.constant 0 : i32
      %dma_wait3A_141 = tpu.memref_slice %arg8[%dma_wait3A_138, %dma_wait3A_139, %dma_wait3A_140] : memref<2x128x128xf32, #tpu.memory_space<vmem>> -> memref<1x128x128xf32, #tpu.memory_space<vmem>>
      %dma_wait3A_142 = tpu.memref_squeeze %dma_wait3A_141 : memref<1x128x128xf32, #tpu.memory_space<vmem>> -> memref<128x128xf32, #tpu.memory_space<vmem>>
      %dma_wait3A_143 = arith.constant 0 : i32
      %dma_wait3A_144 = arith.constant 0 : i32
      %dma_wait3A_145 = tpu.memref_slice %arg9[%dma_wait3A_143, %dma_wait3A_144] : memref<10240x128xf32, #tpu.memory_space<vmem_shared>> -> memref<10240x128xf32, #tpu.memory_space<vmem_shared>>
      tpu.wait_indirect_dma semaphore(%arg14 : memref<!tpu.dma_semaphore, #tpu.memory_space<semaphore_mem>>) src(%dma_wait3A_142 : memref<128x128xf32, #tpu.memory_space<vmem>>) dst(%dma_wait3A_145 : memref<10240x128xf32, #tpu.memory_space<vmem_shared>>)
      %add3A_146 = arith.constant 1 : i32
      %add3A_147 = arith.addi %add3A_118, %add3A_146 : i32
      %mul3A_148 = arith.constant 128 : i32
      %mul3A_149 = arith.muli %add3A_147, %mul3A_148 : i32
      %add3A_150 = arith.addi %add3A, %mul3A_149 : i32
      %dma_start3A_151 = tpu.memref_slice %arg2[%add3A_150] : memref<327680xi32, #tpu.memory_space<hbm>> -> memref<128xi32, #tpu.memory_space<hbm>>
      %dma_start3A_152 = tpu.memref_slice %arg2[%add3A_150] : memref<327680xi32, #tpu.memory_space<hbm>> -> memref<128xi32, #tpu.memory_space<hbm>>
      tpu.enqueue_dma source(%dma_start3A_152 : memref<128xi32, #tpu.memory_space<hbm>>) target(%arg6 : memref<128xi32, #tpu.memory_space<vmem>>) target_semaphore(%arg10 : memref<!tpu.dma_semaphore, #tpu.memory_space<semaphore_mem>>)
      %dma_start3A_153 = arith.constant 0 : i32
      %dma_start3A_154 = arith.constant 0 : i32
      %dma_start3A_155 = arith.constant 0 : i32
      %dma_start3A_156 = tpu.memref_slice %arg8[%dma_start3A_153, %dma_start3A_154, %dma_start3A_155] : memref<2x128x128xf32, #tpu.memory_space<vmem>> -> memref<1x128x128xf32, #tpu.memory_space<vmem>>
      %dma_start3A_157 = tpu.memref_squeeze %dma_start3A_156 : memref<1x128x128xf32, #tpu.memory_space<vmem>> -> memref<128x128xf32, #tpu.memory_space<vmem>>
      %dma_start3A_158 = arith.constant 0 : i32
      %dma_start3A_159 = tpu.memref_slice %arg3[%add3A_150, %dma_start3A_158] : memref<327680x128xf32, #tpu.memory_space<hbm>> -> memref<128x128xf32, #tpu.memory_space<hbm>>
      %dma_start3A_160 = arith.constant 0 : i32
      %dma_start3A_161 = arith.constant 0 : i32
      %dma_start3A_162 = tpu.memref_slice %arg8[%dma_start3A_153, %dma_start3A_160, %dma_start3A_161] : memref<2x128x128xf32, #tpu.memory_space<vmem>> -> memref<1x128x128xf32, #tpu.memory_space<vmem>>
      %dma_start3A_163 = tpu.memref_squeeze %dma_start3A_162 : memref<1x128x128xf32, #tpu.memory_space<vmem>> -> memref<128x128xf32, #tpu.memory_space<vmem>>
      %dma_start3A_164 = arith.constant 0 : i32
      %dma_start3A_165 = tpu.memref_slice %arg3[%add3A_150, %dma_start3A_164] : memref<327680x128xf32, #tpu.memory_space<hbm>> -> memref<128x128xf32, #tpu.memory_space<hbm>>
      tpu.enqueue_dma source(%dma_start3A_165 : memref<128x128xf32, #tpu.memory_space<hbm>>) target(%dma_start3A_163 : memref<128x128xf32, #tpu.memory_space<vmem>>) target_semaphore(%arg12 : memref<!tpu.dma_semaphore, #tpu.memory_space<semaphore_mem>>)
      %dma_start3A_166 = arith.constant 1 : i32
      %dma_start3A_167 = arith.constant 0 : i32
      %dma_start3A_168 = arith.constant 0 : i32
      %dma_start3A_169 = tpu.memref_slice %arg8[%dma_start3A_166, %dma_start3A_167, %dma_start3A_168] : memref<2x128x128xf32, #tpu.memory_space<vmem>> -> memref<1x128x128xf32, #tpu.memory_space<vmem>>
      %dma_start3A_170 = tpu.memref_squeeze %dma_start3A_169 : memref<1x128x128xf32, #tpu.memory_space<vmem>> -> memref<128x128xf32, #tpu.memory_space<vmem>>
      %dma_start3A_171 = arith.constant 0 : i32
      %dma_start3A_172 = arith.constant 0 : i32
      %dma_start3A_173 = tpu.memref_slice %arg9[%dma_start3A_171, %dma_start3A_172] : memref<10240x128xf32, #tpu.memory_space<vmem_shared>> -> memref<10240x128xf32, #tpu.memory_space<vmem_shared>>
      tpu.enqueue_indirect_dma source(%dma_start3A_170 : memref<128x128xf32, #tpu.memory_space<vmem>>) target(%dma_start3A_173 : memref<10240x128xf32, #tpu.memory_space<vmem_shared>>) offsets(%arg7 : memref<128xi32, #tpu.memory_space<vmem>>) semaphore(%arg15 : memref<!tpu.dma_semaphore, #tpu.memory_space<semaphore_mem>>) {add = true}
      %mul3A_174 = arith.constant 2 : i32
      %mul3A_175 = arith.muli %mul3A_174, %scan3A_114 : i32
      %add3A_176 = arith.constant 2 : i32
      %add3A_177 = arith.addi %mul3A_175, %add3A_176 : i32
      %mul3A_178 = arith.constant 128 : i32
      %mul3A_179 = arith.muli %add3A_177, %mul3A_178 : i32
      %add3A_180 = arith.addi %add3A, %mul3A_179 : i32
      %dma_wait3A_181 = tpu.memref_slice %arg2[%add3A_180] : memref<327680xi32, #tpu.memory_space<hbm>> -> memref<128xi32, #tpu.memory_space<hbm>>
      %dma_wait3A_182 = tpu.memref_slice %arg2[%add3A_180] : memref<327680xi32, #tpu.memory_space<hbm>> -> memref<128xi32, #tpu.memory_space<hbm>>
      tpu.wait_dma2 semaphore(%arg10 : memref<!tpu.dma_semaphore, #tpu.memory_space<semaphore_mem>>) src(%dma_wait3A_182 : memref<128xi32, #tpu.memory_space<hbm>>) dst(%arg6 : memref<128xi32, #tpu.memory_space<vmem>>)
      %dma_wait3A_183 = arith.constant 0 : i32
      %dma_wait3A_184 = arith.constant 0 : i32
      %dma_wait3A_185 = arith.constant 0 : i32
      %dma_wait3A_186 = tpu.memref_slice %arg8[%dma_wait3A_183, %dma_wait3A_184, %dma_wait3A_185] : memref<2x128x128xf32, #tpu.memory_space<vmem>> -> memref<1x128x128xf32, #tpu.memory_space<vmem>>
      %dma_wait3A_187 = tpu.memref_squeeze %dma_wait3A_186 : memref<1x128x128xf32, #tpu.memory_space<vmem>> -> memref<128x128xf32, #tpu.memory_space<vmem>>
      %dma_wait3A_188 = arith.constant 0 : i32
      %dma_wait3A_189 = tpu.memref_slice %arg3[%add3A_180, %dma_wait3A_188] : memref<327680x128xf32, #tpu.memory_space<hbm>> -> memref<128x128xf32, #tpu.memory_space<hbm>>
      %dma_wait3A_190 = arith.constant 0 : i32
      %dma_wait3A_191 = arith.constant 0 : i32
      %dma_wait3A_192 = tpu.memref_slice %arg8[%dma_wait3A_183, %dma_wait3A_190, %dma_wait3A_191] : memref<2x128x128xf32, #tpu.memory_space<vmem>> -> memref<1x128x128xf32, #tpu.memory_space<vmem>>
      %dma_wait3A_193 = tpu.memref_squeeze %dma_wait3A_192 : memref<1x128x128xf32, #tpu.memory_space<vmem>> -> memref<128x128xf32, #tpu.memory_space<vmem>>
      %dma_wait3A_194 = arith.constant 0 : i32
      %dma_wait3A_195 = tpu.memref_slice %arg3[%add3A_180, %dma_wait3A_194] : memref<327680x128xf32, #tpu.memory_space<hbm>> -> memref<128x128xf32, #tpu.memory_space<hbm>>
      tpu.wait_dma2 semaphore(%arg12 : memref<!tpu.dma_semaphore, #tpu.memory_space<semaphore_mem>>) src(%dma_wait3A_195 : memref<128x128xf32, #tpu.memory_space<hbm>>) dst(%dma_wait3A_193 : memref<128x128xf32, #tpu.memory_space<vmem>>)
      %sub3A_196 = arith.constant 1 : i32
      %sub3A_197 = arith.subi %add3A_177, %sub3A_196 : i32
      %dma_wait3A_198 = arith.constant 1 : i32
      %dma_wait3A_199 = arith.constant 0 : i32
      %dma_wait3A_200 = arith.constant 0 : i32
      %dma_wait3A_201 = tpu.memref_slice %arg8[%dma_wait3A_198, %dma_wait3A_199, %dma_wait3A_200] : memref<2x128x128xf32, #tpu.memory_space<vmem>> -> memref<1x128x128xf32, #tpu.memory_space<vmem>>
      %dma_wait3A_202 = tpu.memref_squeeze %dma_wait3A_201 : memref<1x128x128xf32, #tpu.memory_space<vmem>> -> memref<128x128xf32, #tpu.memory_space<vmem>>
      %dma_wait3A_203 = arith.constant 0 : i32
      %dma_wait3A_204 = arith.constant 0 : i32
      %dma_wait3A_205 = tpu.memref_slice %arg9[%dma_wait3A_203, %dma_wait3A_204] : memref<10240x128xf32, #tpu.memory_space<vmem_shared>> -> memref<10240x128xf32, #tpu.memory_space<vmem_shared>>
      tpu.wait_indirect_dma semaphore(%arg15 : memref<!tpu.dma_semaphore, #tpu.memory_space<semaphore_mem>>) src(%dma_wait3A_202 : memref<128x128xf32, #tpu.memory_space<vmem>>) dst(%dma_wait3A_205 : memref<10240x128xf32, #tpu.memory_space<vmem_shared>>)
      %add3A_206 = arith.constant 1 : i32
      %add3A_207 = arith.addi %add3A_177, %add3A_206 : i32
      %mul3A_208 = arith.constant 128 : i32
      %mul3A_209 = arith.muli %add3A_207, %mul3A_208 : i32
      %add3A_210 = arith.addi %add3A, %mul3A_209 : i32
      %dma_start3A_211 = tpu.memref_slice %arg2[%add3A_210] : memref<327680xi32, #tpu.memory_space<hbm>> -> memref<128xi32, #tpu.memory_space<hbm>>
      %dma_start3A_212 = tpu.memref_slice %arg2[%add3A_210] : memref<327680xi32, #tpu.memory_space<hbm>> -> memref<128xi32, #tpu.memory_space<hbm>>
      tpu.enqueue_dma source(%dma_start3A_212 : memref<128xi32, #tpu.memory_space<hbm>>) target(%arg7 : memref<128xi32, #tpu.memory_space<vmem>>) target_semaphore(%arg11 : memref<!tpu.dma_semaphore, #tpu.memory_space<semaphore_mem>>)
      %dma_start3A_213 = arith.constant 1 : i32
      %dma_start3A_214 = arith.constant 0 : i32
      %dma_start3A_215 = arith.constant 0 : i32
      %dma_start3A_216 = tpu.memref_slice %arg8[%dma_start3A_213, %dma_start3A_214, %dma_start3A_215] : memref<2x128x128xf32, #tpu.memory_space<vmem>> -> memref<1x128x128xf32, #tpu.memory_space<vmem>>
      %dma_start3A_217 = tpu.memref_squeeze %dma_start3A_216 : memref<1x128x128xf32, #tpu.memory_space<vmem>> -> memref<128x128xf32, #tpu.memory_space<vmem>>
      %dma_start3A_218 = arith.constant 0 : i32
      %dma_start3A_219 = tpu.memref_slice %arg3[%add3A_210, %dma_start3A_218] : memref<327680x128xf32, #tpu.memory_space<hbm>> -> memref<128x128xf32, #tpu.memory_space<hbm>>
      %dma_start3A_220 = arith.constant 0 : i32
      %dma_start3A_221 = arith.constant 0 : i32
      %dma_start3A_222 = tpu.memref_slice %arg8[%dma_start3A_213, %dma_start3A_220, %dma_start3A_221] : memref<2x128x128xf32, #tpu.memory_space<vmem>> -> memref<1x128x128xf32, #tpu.memory_space<vmem>>
      %dma_start3A_223 = tpu.memref_squeeze %dma_start3A_222 : memref<1x128x128xf32, #tpu.memory_space<vmem>> -> memref<128x128xf32, #tpu.memory_space<vmem>>
      %dma_start3A_224 = arith.constant 0 : i32
      %dma_start3A_225 = tpu.memref_slice %arg3[%add3A_210, %dma_start3A_224] : memref<327680x128xf32, #tpu.memory_space<hbm>> -> memref<128x128xf32, #tpu.memory_space<hbm>>
      tpu.enqueue_dma source(%dma_start3A_225 : memref<128x128xf32, #tpu.memory_space<hbm>>) target(%dma_start3A_223 : memref<128x128xf32, #tpu.memory_space<vmem>>) target_semaphore(%arg13 : memref<!tpu.dma_semaphore, #tpu.memory_space<semaphore_mem>>)
      %dma_start3A_226 = arith.constant 0 : i32
      %dma_start3A_227 = arith.constant 0 : i32
      %dma_start3A_228 = arith.constant 0 : i32
      %dma_start3A_229 = tpu.memref_slice %arg8[%dma_start3A_226, %dma_start3A_227, %dma_start3A_228] : memref<2x128x128xf32, #tpu.memory_space<vmem>> -> memref<1x128x128xf32, #tpu.memory_space<vmem>>
      %dma_start3A_230 = tpu.memref_squeeze %dma_start3A_229 : memref<1x128x128xf32, #tpu.memory_space<vmem>> -> memref<128x128xf32, #tpu.memory_space<vmem>>
      %dma_start3A_231 = arith.constant 0 : i32
      %dma_start3A_232 = arith.constant 0 : i32
      %dma_start3A_233 = tpu.memref_slice %arg9[%dma_start3A_231, %dma_start3A_232] : memref<10240x128xf32, #tpu.memory_space<vmem_shared>> -> memref<10240x128xf32, #tpu.memory_space<vmem_shared>>
      tpu.enqueue_indirect_dma source(%dma_start3A_230 : memref<128x128xf32, #tpu.memory_space<vmem>>) target(%dma_start3A_233 : memref<10240x128xf32, #tpu.memory_space<vmem_shared>>) offsets(%arg6 : memref<128xi32, #tpu.memory_space<vmem>>) semaphore(%arg14 : memref<!tpu.dma_semaphore, #tpu.memory_space<semaphore_mem>>) {add = true}
    }
    %scan3A_67 = arith.constant 39 : i32
    %add3A_68 = arith.constant 10112 : i32
    %add3A_69 = arith.addi %add3A, %add3A_68 : i32
    %dma_wait3A_70 = tpu.memref_slice %arg2[%add3A_69] : memref<327680xi32, #tpu.memory_space<hbm>> -> memref<128xi32, #tpu.memory_space<hbm>>
    %dma_wait3A_71 = tpu.memref_slice %arg2[%add3A_69] : memref<327680xi32, #tpu.memory_space<hbm>> -> memref<128xi32, #tpu.memory_space<hbm>>
    tpu.wait_dma2 semaphore(%arg11 : memref<!tpu.dma_semaphore, #tpu.memory_space<semaphore_mem>>) src(%dma_wait3A_71 : memref<128xi32, #tpu.memory_space<hbm>>) dst(%arg7 : memref<128xi32, #tpu.memory_space<vmem>>)
    %dma_wait3A_72 = arith.constant 1 : i32
    %dma_wait3A_73 = arith.constant 0 : i32
    %dma_wait3A_74 = arith.constant 0 : i32
    %dma_wait3A_75 = tpu.memref_slice %arg8[%dma_wait3A_72, %dma_wait3A_73, %dma_wait3A_74] : memref<2x128x128xf32, #tpu.memory_space<vmem>> -> memref<1x128x128xf32, #tpu.memory_space<vmem>>
    %dma_wait3A_76 = tpu.memref_squeeze %dma_wait3A_75 : memref<1x128x128xf32, #tpu.memory_space<vmem>> -> memref<128x128xf32, #tpu.memory_space<vmem>>
    %dma_wait3A_77 = arith.constant 0 : i32
    %dma_wait3A_78 = tpu.memref_slice %arg3[%add3A_69, %dma_wait3A_77] : memref<327680x128xf32, #tpu.memory_space<hbm>> -> memref<128x128xf32, #tpu.memory_space<hbm>>
    %dma_wait3A_79 = arith.constant 0 : i32
    %dma_wait3A_80 = arith.constant 0 : i32
    %dma_wait3A_81 = tpu.memref_slice %arg8[%dma_wait3A_72, %dma_wait3A_79, %dma_wait3A_80] : memref<2x128x128xf32, #tpu.memory_space<vmem>> -> memref<1x128x128xf32, #tpu.memory_space<vmem>>
    %dma_wait3A_82 = tpu.memref_squeeze %dma_wait3A_81 : memref<1x128x128xf32, #tpu.memory_space<vmem>> -> memref<128x128xf32, #tpu.memory_space<vmem>>
    %dma_wait3A_83 = arith.constant 0 : i32
    %dma_wait3A_84 = tpu.memref_slice %arg3[%add3A_69, %dma_wait3A_83] : memref<327680x128xf32, #tpu.memory_space<hbm>> -> memref<128x128xf32, #tpu.memory_space<hbm>>
    tpu.wait_dma2 semaphore(%arg13 : memref<!tpu.dma_semaphore, #tpu.memory_space<semaphore_mem>>) src(%dma_wait3A_84 : memref<128x128xf32, #tpu.memory_space<hbm>>) dst(%dma_wait3A_82 : memref<128x128xf32, #tpu.memory_space<vmem>>)
    %dma_wait3A_85 = arith.constant 0 : i32
    %dma_wait3A_86 = arith.constant 0 : i32
    %dma_wait3A_87 = arith.constant 0 : i32
    %dma_wait3A_88 = tpu.memref_slice %arg8[%dma_wait3A_85, %dma_wait3A_86, %dma_wait3A_87] : memref<2x128x128xf32, #tpu.memory_space<vmem>> -> memref<1x128x128xf32, #tpu.memory_space<vmem>>
    %dma_wait3A_89 = tpu.memref_squeeze %dma_wait3A_88 : memref<1x128x128xf32, #tpu.memory_space<vmem>> -> memref<128x128xf32, #tpu.memory_space<vmem>>
    %dma_wait3A_90 = arith.constant 0 : i32
    %dma_wait3A_91 = arith.constant 0 : i32
    %dma_wait3A_92 = tpu.memref_slice %arg9[%dma_wait3A_90, %dma_wait3A_91] : memref<10240x128xf32, #tpu.memory_space<vmem_shared>> -> memref<10240x128xf32, #tpu.memory_space<vmem_shared>>
    tpu.wait_indirect_dma semaphore(%arg14 : memref<!tpu.dma_semaphore, #tpu.memory_space<semaphore_mem>>) src(%dma_wait3A_89 : memref<128x128xf32, #tpu.memory_space<vmem>>) dst(%dma_wait3A_92 : memref<10240x128xf32, #tpu.memory_space<vmem_shared>>)
    %dma_start3A_93 = arith.constant 1 : i32
    %dma_start3A_94 = arith.constant 0 : i32
    %dma_start3A_95 = arith.constant 0 : i32
    %dma_start3A_96 = tpu.memref_slice %arg8[%dma_start3A_93, %dma_start3A_94, %dma_start3A_95] : memref<2x128x128xf32, #tpu.memory_space<vmem>> -> memref<1x128x128xf32, #tpu.memory_space<vmem>>
    %dma_start3A_97 = tpu.memref_squeeze %dma_start3A_96 : memref<1x128x128xf32, #tpu.memory_space<vmem>> -> memref<128x128xf32, #tpu.memory_space<vmem>>
    %dma_start3A_98 = arith.constant 0 : i32
    %dma_start3A_99 = arith.constant 0 : i32
    %dma_start3A_100 = tpu.memref_slice %arg9[%dma_start3A_98, %dma_start3A_99] : memref<10240x128xf32, #tpu.memory_space<vmem_shared>> -> memref<10240x128xf32, #tpu.memory_space<vmem_shared>>
    tpu.enqueue_indirect_dma source(%dma_start3A_97 : memref<128x128xf32, #tpu.memory_space<vmem>>) target(%dma_start3A_100 : memref<10240x128xf32, #tpu.memory_space<vmem_shared>>) offsets(%arg7 : memref<128xi32, #tpu.memory_space<vmem>>) semaphore(%arg15 : memref<!tpu.dma_semaphore, #tpu.memory_space<semaphore_mem>>) {add = true}
    %dma_wait3A_101 = arith.constant 1 : i32
    %dma_wait3A_102 = arith.constant 0 : i32
    %dma_wait3A_103 = arith.constant 0 : i32
    %dma_wait3A_104 = tpu.memref_slice %arg8[%dma_wait3A_101, %dma_wait3A_102, %dma_wait3A_103] : memref<2x128x128xf32, #tpu.memory_space<vmem>> -> memref<1x128x128xf32, #tpu.memory_space<vmem>>
    %dma_wait3A_105 = tpu.memref_squeeze %dma_wait3A_104 : memref<1x128x128xf32, #tpu.memory_space<vmem>> -> memref<128x128xf32, #tpu.memory_space<vmem>>
    %dma_wait3A_106 = arith.constant 0 : i32
    %dma_wait3A_107 = arith.constant 0 : i32
    %dma_wait3A_108 = tpu.memref_slice %arg9[%dma_wait3A_106, %dma_wait3A_107] : memref<10240x128xf32, #tpu.memory_space<vmem_shared>> -> memref<10240x128xf32, #tpu.memory_space<vmem_shared>>
    tpu.wait_indirect_dma semaphore(%arg15 : memref<!tpu.dma_semaphore, #tpu.memory_space<semaphore_mem>>) src(%dma_wait3A_105 : memref<128x128xf32, #tpu.memory_space<vmem>>) dst(%dma_wait3A_108 : memref<10240x128xf32, #tpu.memory_space<vmem_shared>>)
    %barrier3A_109 = arith.constant 0 : index
    tpu.barrier barrier_id(%barrier3A_109)
    %mul3A_110 = arith.constant 640 : i32
    %mul3A_111 = arith.muli %arg1, %mul3A_110 : i32
    %mul3A_112 = arith.constant 640 : i32
    %mul3A_113 = arith.muli %arg1, %mul3A_112 : i32
    "tpu.region"() ({
      %run_scoped3A = tpu.sem_alloc : memref<!tpu.dma_semaphore, #tpu.memory_space<semaphore_mem>>
      %dma_start3A_114 = arith.constant 0 : i32
      %dma_start3A_115 = tpu.memref_slice %arg5[%arg0, %mul3A_113, %dma_start3A_114] : memref<2x10240x128xf32, #tpu.memory_space<hbm>> -> memref<1x640x128xf32, #tpu.memory_space<hbm>>
      %dma_start3A_116 = tpu.memref_squeeze %dma_start3A_115 : memref<1x640x128xf32, #tpu.memory_space<hbm>> -> memref<640x128xf32, #tpu.memory_space<hbm>>
      %dma_start3A_117 = arith.constant 0 : i32
      %dma_start3A_118 = tpu.memref_slice %arg9[%mul3A_111, %dma_start3A_117] : memref<10240x128xf32, #tpu.memory_space<vmem_shared>> -> memref<640x128xf32, #tpu.memory_space<vmem_shared>>
      tpu.enqueue_dma source(%dma_start3A_118 : memref<640x128xf32, #tpu.memory_space<vmem_shared>>) target(%dma_start3A_116 : memref<640x128xf32, #tpu.memory_space<hbm>>) target_semaphore(%run_scoped3A : memref<!tpu.dma_semaphore, #tpu.memory_space<semaphore_mem>>)
      %dma_wait3A_119 = arith.constant 0 : i32
      %dma_wait3A_120 = tpu.memref_slice %arg5[%arg0, %mul3A_113, %dma_wait3A_119] : memref<2x10240x128xf32, #tpu.memory_space<hbm>> -> memref<1x640x128xf32, #tpu.memory_space<hbm>>
      %dma_wait3A_121 = tpu.memref_squeeze %dma_wait3A_120 : memref<1x640x128xf32, #tpu.memory_space<hbm>> -> memref<640x128xf32, #tpu.memory_space<hbm>>
      %dma_wait3A_122 = arith.constant 0 : i32
      %dma_wait3A_123 = tpu.memref_slice %arg9[%mul3A_111, %dma_wait3A_122] : memref<10240x128xf32, #tpu.memory_space<vmem_shared>> -> memref<640x128xf32, #tpu.memory_space<vmem_shared>>
      tpu.wait_dma2 semaphore(%run_scoped3A : memref<!tpu.dma_semaphore, #tpu.memory_space<semaphore_mem>>) src(%dma_wait3A_123 : memref<640x128xf32, #tpu.memory_space<vmem_shared>>) dst(%dma_wait3A_121 : memref<640x128xf32, #tpu.memory_space<hbm>>)
      tpu.yield
    }) : () -> ()
    return
  }
}

module attributes {stable_mosaic.version = 14 : i64} {
  func.func @_mlp_body(%arg0: i32, %arg1: memref<1280x128xf32, #tpu.memory_space<vmem>>, %arg2: memref<128x128xf32, #tpu.memory_space<vmem>>, %arg3: memref<1x128xf32, #tpu.memory_space<vmem>>, %arg4: memref<128x128xf32, #tpu.memory_space<vmem>>, %arg5: memref<1x128xf32, #tpu.memory_space<vmem>>, %arg6: memref<1280x128xf32, #tpu.memory_space<vmem>>) attributes {dimension_semantics = [#tpu.dimension_semantics<arbitrary>], iteration_bounds = array<i64: 8>, scalar_prefetch = 0 : i64, scratch_operands = 0 : i64, tpu.core_type = #tpu.core_type<tc>, window_params = [{transform_indices = @transform_0, window_bounds = array<i64: 1280, 128>}, {pipeline_mode = #tpu.pipeline_mode<synchronous>, transform_indices = @transform_1, window_bounds = array<i64: 128, 128>}, {pipeline_mode = #tpu.pipeline_mode<synchronous>, transform_indices = @transform_2, window_bounds = array<i64: 1, 128>}, {pipeline_mode = #tpu.pipeline_mode<synchronous>, transform_indices = @transform_3, window_bounds = array<i64: 128, 128>}, {pipeline_mode = #tpu.pipeline_mode<synchronous>, transform_indices = @transform_4, window_bounds = array<i64: 1, 128>}, {transform_indices = @transform_5, window_bounds = array<i64: 1280, 128>}]} {
    %get3A = arith.constant 0 : index
    %get3A_0 = arith.constant 0 : index
    %get3A_1 = vector.load %arg1[%get3A, %get3A_0] : memref<1280x128xf32, #tpu.memory_space<vmem>>, vector<1280x128xf32>
    %get3A_2 = arith.constant 0 : index
    %get3A_3 = arith.constant 0 : index
    %get3A_4 = vector.load %arg2[%get3A_2, %get3A_3] : memref<128x128xf32, #tpu.memory_space<vmem>>, vector<128x128xf32>
    %dot_general3A = arith.constant dense<0.000000e+00> : vector<1280x128xf32>
    %dot_general3A_5 = tpu.matmul %get3A_1, %get3A_4, %dot_general3A {dimension_numbers = #tpu.dot_dimension_numbers<[1], [0], [0], [1], [0, 0, 1, 1], [], []>, transpose_lhs_hint = false} : vector<1280x128xf32>, vector<128x128xf32>, vector<1280x128xf32> -> vector<1280x128xf32>
    %get3A_6 = arith.constant 0 : index
    %get3A_7 = arith.constant 0 : index
    %get3A_8 = vector.load %arg3[%get3A_6, %get3A_7] : memref<1x128xf32, #tpu.memory_space<vmem>>, vector<1x128xf32>
    %add3A = vector.broadcast %get3A_8 : vector<1x128xf32> to vector<1280x128xf32>
    %add3A_9 = arith.addf %dot_general3A_5, %add3A : vector<1280x128xf32>
    %max3A = arith.constant 0.000000e+00 : f32
    %max3A_10 = vector.broadcast %max3A : f32 to vector<1280x128xf32>
    %max3A_11 = arith.maximumf %add3A_9, %max3A_10 : vector<1280x128xf32>
    %get3A_12 = arith.constant 0 : index
    %get3A_13 = arith.constant 0 : index
    %get3A_14 = vector.load %arg4[%get3A_12, %get3A_13] : memref<128x128xf32, #tpu.memory_space<vmem>>, vector<128x128xf32>
    %dot_general3A_15 = arith.constant dense<0.000000e+00> : vector<1280x128xf32>
    %dot_general3A_16 = tpu.matmul %max3A_11, %get3A_14, %dot_general3A_15 {dimension_numbers = #tpu.dot_dimension_numbers<[1], [0], [0], [1], [0, 0, 1, 1], [], []>, transpose_lhs_hint = false} : vector<1280x128xf32>, vector<128x128xf32>, vector<1280x128xf32> -> vector<1280x128xf32>
    %get3A_17 = arith.constant 0 : index
    %get3A_18 = arith.constant 0 : index
    %get3A_19 = vector.load %arg5[%get3A_17, %get3A_18] : memref<1x128xf32, #tpu.memory_space<vmem>>, vector<1x128xf32>
    %add3A_20 = vector.broadcast %get3A_19 : vector<1x128xf32> to vector<1280x128xf32>
    %add3A_21 = arith.addf %dot_general3A_16, %add3A_20 : vector<1280x128xf32>
    %max3A_22 = arith.constant 0.000000e+00 : f32
    %max3A_23 = vector.broadcast %max3A_22 : f32 to vector<1280x128xf32>
    %max3A_24 = arith.maximumf %add3A_21, %max3A_23 : vector<1280x128xf32>
    %swap3A = arith.constant 0 : index
    %swap3A_25 = arith.constant 0 : index
    %swap3A_26 = vector.load %arg6[%swap3A, %swap3A_25] : memref<1280x128xf32, #tpu.memory_space<vmem>>, vector<1280x128xf32>
    tpu.vector_store %arg6[%swap3A, %swap3A_25], %max3A_24 {strides = array<i32>} : memref<1280x128xf32, #tpu.memory_space<vmem>>, vector<1280x128xf32>,
    return
  }
  func.func @transform_0(%arg0: i32) -> (i32, i32) {
    %c0_i32 = arith.constant 0 : i32
    %c0_i32_0 = arith.constant 0 : i32
    return %arg0, %c0_i32 : i32, i32
  }
  func.func @transform_1(%arg0: i32) -> (i32, i32) {
    %c0_i32 = arith.constant 0 : i32
    %c0_i32_0 = arith.constant 0 : i32
    %c0_i32_1 = arith.constant 0 : i32
    return %c0_i32, %c0_i32_0 : i32, i32
  }
  func.func @transform_2(%arg0: i32) -> (i32, i32) {
    %c0_i32 = arith.constant 0 : i32
    %c0_i32_0 = arith.constant 0 : i32
    %c0_i32_1 = arith.constant 0 : i32
    return %c0_i32, %c0_i32_0 : i32, i32
  }
  func.func @transform_3(%arg0: i32) -> (i32, i32) {
    %c0_i32 = arith.constant 0 : i32
    %c0_i32_0 = arith.constant 0 : i32
    %c0_i32_1 = arith.constant 0 : i32
    return %c0_i32, %c0_i32_0 : i32, i32
  }
  func.func @transform_4(%arg0: i32) -> (i32, i32) {
    %c0_i32 = arith.constant 0 : i32
    %c0_i32_0 = arith.constant 0 : i32
    %c0_i32_1 = arith.constant 0 : i32
    return %c0_i32, %c0_i32_0 : i32, i32
  }
  func.func @transform_5(%arg0: i32) -> (i32, i32) {
    %c0_i32 = arith.constant 0 : i32
    %c0_i32_0 = arith.constant 0 : i32
    return %arg0, %c0_i32 : i32, i32
  }
}

module attributes {stable_mosaic.version = 14 : i64} {
  func.func @_logits_body(%arg0: i32, %arg1: memref<2048x128xf32, #tpu.memory_space<vmem>>, %arg2: memref<2048x128xf32, #tpu.memory_space<vmem>>, %arg3: memref<128x4xf32, #tpu.memory_space<vmem>>, %arg4: memref<2048x4xf32, #tpu.memory_space<vmem>>, %arg5: memref<1x1x4xf32, #tpu.memory_space<vmem>>) attributes {dimension_semantics = [#tpu.dimension_semantics<arbitrary>], iteration_bounds = array<i64: 160>, scalar_prefetch = 0 : i64, scratch_operands = 0 : i64, tpu.core_type = #tpu.core_type<tc>, window_params = [{transform_indices = @transform_0, window_bounds = array<i64: 2048, 128>}, {transform_indices = @transform_1, window_bounds = array<i64: 2048, 128>}, {pipeline_mode = #tpu.pipeline_mode<synchronous>, transform_indices = @transform_2, window_bounds = array<i64: 128, 4>}, {transform_indices = @transform_3, window_bounds = array<i64: 2048, 4>}, {transform_indices = @transform_4, window_bounds = array<i64: 1, 1, 4>}]} {
    %get3A = arith.constant 0 : index
    %get3A_0 = arith.constant 0 : index
    %get3A_1 = vector.load %arg1[%get3A, %get3A_0] : memref<2048x128xf32, #tpu.memory_space<vmem>>, vector<2048x128xf32>
    %get3A_2 = arith.constant 0 : index
    %get3A_3 = arith.constant 0 : index
    %get3A_4 = vector.load %arg2[%get3A_2, %get3A_3] : memref<2048x128xf32, #tpu.memory_space<vmem>>, vector<2048x128xf32>
    %mul3A = arith.mulf %get3A_1, %get3A_4 : vector<2048x128xf32>
    %get3A_5 = arith.constant 0 : index
    %get3A_6 = arith.constant 0 : index
    %get3A_7 = vector.load %arg3[%get3A_5, %get3A_6] : memref<128x4xf32, #tpu.memory_space<vmem>>, vector<128x4xf32>
    %dot_general3A = arith.constant dense<0.000000e+00> : vector<2048x4xf32>
    %dot_general3A_8 = tpu.matmul %mul3A, %get3A_7, %dot_general3A {dimension_numbers = #tpu.dot_dimension_numbers<[1], [0], [0], [1], [0, 0, 1, 1], [], []>, transpose_lhs_hint = false} : vector<2048x128xf32>, vector<128x4xf32>, vector<2048x4xf32> -> vector<2048x4xf32>
    %mul3A_9 = arith.constant 0.176776692 : f32
    %mul3A_10 = vector.broadcast %mul3A_9 : f32 to vector<2048x4xf32>
    %mul3A_11 = arith.mulf %dot_general3A_8, %mul3A_10 : vector<2048x4xf32>
    %swap3A = arith.constant 0 : index
    %swap3A_12 = arith.constant 0 : index
    %swap3A_13 = vector.load %arg4[%swap3A, %swap3A_12] : memref<2048x4xf32, #tpu.memory_space<vmem>>, vector<2048x4xf32>
    tpu.vector_store %arg4[%swap3A, %swap3A_12], %mul3A_11 {strides = array<i32>} : memref<2048x4xf32, #tpu.memory_space<vmem>>, vector<2048x4xf32>,
    %reduce_max3A = arith.constant dense<0xFF800000> : vector<4xf32>
    %reduce_max3A_14 = vector.multi_reduction <maximumf>, %mul3A_11, %reduce_max3A [0] : vector<2048x4xf32> to vector<4xf32>
    %broadcast_in_dim3A = vector.shape_cast %reduce_max3A_14 : vector<4xf32> to vector<1x4xf32>
    %broadcast_in_dim3A_15 = vector.shape_cast %broadcast_in_dim3A : vector<1x4xf32> to vector<1x1x4xf32>
    %swap3A_16 = arith.constant 0 : index
    %swap3A_17 = arith.constant 0 : index
    %swap3A_18 = arith.constant 0 : index
    %swap3A_19 = vector.load %arg5[%swap3A_16, %swap3A_17, %swap3A_18] : memref<1x1x4xf32, #tpu.memory_space<vmem>>, vector<1x1x4xf32>
    tpu.vector_store %arg5[%swap3A_16, %swap3A_17, %swap3A_18], %broadcast_in_dim3A_15 {strides = array<i32>} : memref<1x1x4xf32, #tpu.memory_space<vmem>>, vector<1x1x4xf32>,
    return
  }
  func.func @transform_0(%arg0: i32) -> (i32, i32) {
    %c0_i32 = arith.constant 0 : i32
    %c0_i32_0 = arith.constant 0 : i32
    return %arg0, %c0_i32 : i32, i32
  }
  func.func @transform_1(%arg0: i32) -> (i32, i32) {
    %c0_i32 = arith.constant 0 : i32
    %c0_i32_0 = arith.constant 0 : i32
    return %arg0, %c0_i32 : i32, i32
  }
  func.func @transform_2(%arg0: i32) -> (i32, i32) {
    %c0_i32 = arith.constant 0 : i32
    %c0_i32_0 = arith.constant 0 : i32
    %c0_i32_1 = arith.constant 0 : i32
    return %c0_i32, %c0_i32_0 : i32, i32
  }
  func.func @transform_3(%arg0: i32) -> (i32, i32) {
    %c0_i32 = arith.constant 0 : i32
    %c0_i32_0 = arith.constant 0 : i32
    return %arg0, %c0_i32 : i32, i32
  }
  func.func @transform_4(%arg0: i32) -> (i32, i32, i32) {
    %c0_i32 = arith.constant 0 : i32
    %c0_i32_0 = arith.constant 0 : i32
    %c0_i32_1 = arith.constant 0 : i32
    return %arg0, %c0_i32, %c0_i32_0 : i32, i32, i32
  }
}

module attributes {stable_mosaic.version = 14 : i64} {
  func.func @_exp_body(%arg0: i32, %arg1: memref<2048x4xf32, #tpu.memory_space<vmem>>, %arg2: memref<160x1x4xf32, #tpu.memory_space<vmem>>, %arg3: memref<2048x4xf32, #tpu.memory_space<vmem>>) attributes {dimension_semantics = [#tpu.dimension_semantics<arbitrary>], iteration_bounds = array<i64: 160>, scalar_prefetch = 0 : i64, scratch_operands = 0 : i64, tpu.core_type = #tpu.core_type<tc>, window_params = [{transform_indices = @transform_0, window_bounds = array<i64: 2048, 4>}, {pipeline_mode = #tpu.pipeline_mode<synchronous>, transform_indices = @transform_1, window_bounds = array<i64: 160, 1, 4>}, {transform_indices = @transform_2, window_bounds = array<i64: 2048, 4>}]} {
    %get3A = arith.constant 0 : index
    %get3A_0 = arith.constant 0 : index
    %get3A_1 = arith.constant 0 : index
    %get3A_2 = vector.load %arg2[%get3A, %get3A_0, %get3A_1] : memref<160x1x4xf32, #tpu.memory_space<vmem>>, vector<160x1x4xf32>
    %squeeze3A = vector.shape_cast %get3A_2 : vector<160x1x4xf32> to vector<160x4xf32>
    %reduce_max3A = arith.constant dense<0xFF800000> : vector<4xf32>
    %reduce_max3A_3 = vector.multi_reduction <maximumf>, %squeeze3A, %reduce_max3A [0] : vector<160x4xf32> to vector<4xf32>
    %broadcast_in_dim3A = vector.shape_cast %reduce_max3A_3 : vector<4xf32> to vector<1x4xf32>
    %get3A_4 = arith.constant 0 : index
    %get3A_5 = arith.constant 0 : index
    %get3A_6 = vector.load %arg1[%get3A_4, %get3A_5] : memref<2048x4xf32, #tpu.memory_space<vmem>>, vector<2048x4xf32>
    %sub3A = vector.broadcast %broadcast_in_dim3A : vector<1x4xf32> to vector<2048x4xf32>
    %sub3A_7 = arith.subf %get3A_6, %sub3A : vector<2048x4xf32>
    %exp3A = math.exp %sub3A_7 : vector<2048x4xf32>
    %swap3A = arith.constant 0 : index
    %swap3A_8 = arith.constant 0 : index
    %swap3A_9 = vector.load %arg3[%swap3A, %swap3A_8] : memref<2048x4xf32, #tpu.memory_space<vmem>>, vector<2048x4xf32>
    tpu.vector_store %arg3[%swap3A, %swap3A_8], %exp3A {strides = array<i32>} : memref<2048x4xf32, #tpu.memory_space<vmem>>, vector<2048x4xf32>,
    return
  }
  func.func @transform_0(%arg0: i32) -> (i32, i32) {
    %c0_i32 = arith.constant 0 : i32
    %c0_i32_0 = arith.constant 0 : i32
    return %arg0, %c0_i32 : i32, i32
  }
  func.func @transform_1(%arg0: i32) -> (i32, i32, i32) {
    %c0_i32 = arith.constant 0 : i32
    %c0_i32_0 = arith.constant 0 : i32
    %c0_i32_1 = arith.constant 0 : i32
    %c0_i32_2 = arith.constant 0 : i32
    return %c0_i32, %c0_i32_0, %c0_i32_1 : i32, i32, i32
  }
  func.func @transform_2(%arg0: i32) -> (i32, i32) {
    %c0_i32 = arith.constant 0 : i32
    %c0_i32_0 = arith.constant 0 : i32
    return %arg0, %c0_i32 : i32, i32
  }
}

module attributes {stable_mosaic.version = 14 : i64} {
  func.func @_msg_body(%arg0: i32, %arg1: memref<2048x128xf32, #tpu.memory_space<vmem>>, %arg2: memref<2048x4xf32, #tpu.memory_space<vmem>>, %arg3: memref<4x128xf32, #tpu.memory_space<vmem>>, %arg4: memref<2048x128xf32, #tpu.memory_space<vmem>>, %arg5: memref<2048x128xf32, #tpu.memory_space<vmem>>) attributes {dimension_semantics = [#tpu.dimension_semantics<arbitrary>], iteration_bounds = array<i64: 160>, scalar_prefetch = 0 : i64, scratch_operands = 0 : i64, tpu.core_type = #tpu.core_type<tc>, window_params = [{transform_indices = @transform_0, window_bounds = array<i64: 2048, 128>}, {transform_indices = @transform_1, window_bounds = array<i64: 2048, 4>}, {pipeline_mode = #tpu.pipeline_mode<synchronous>, transform_indices = @transform_2, window_bounds = array<i64: 4, 128>}, {transform_indices = @transform_3, window_bounds = array<i64: 2048, 128>}, {transform_indices = @transform_4, window_bounds = array<i64: 2048, 128>}]} {
    %get3A = arith.constant 0 : index
    %get3A_0 = arith.constant 0 : index
    %get3A_1 = vector.load %arg2[%get3A, %get3A_0] : memref<2048x4xf32, #tpu.memory_space<vmem>>, vector<2048x4xf32>
    %get3A_2 = arith.constant 0 : index
    %get3A_3 = arith.constant 0 : index
    %get3A_4 = vector.load %arg3[%get3A_2, %get3A_3] : memref<4x128xf32, #tpu.memory_space<vmem>>, vector<4x128xf32>
    %dot_general3A = arith.constant dense<0.000000e+00> : vector<2048x128xf32>
    %dot_general3A_5 = tpu.matmul %get3A_1, %get3A_4, %dot_general3A {dimension_numbers = #tpu.dot_dimension_numbers<[1], [0], [0], [1], [0, 0, 1, 1], [], []>, transpose_lhs_hint = false} : vector<2048x4xf32>, vector<4x128xf32>, vector<2048x128xf32> -> vector<2048x128xf32>
    %swap3A = arith.constant 0 : index
    %swap3A_6 = arith.constant 0 : index
    %swap3A_7 = vector.load %arg5[%swap3A, %swap3A_6] : memref<2048x128xf32, #tpu.memory_space<vmem>>, vector<2048x128xf32>
    tpu.vector_store %arg5[%swap3A, %swap3A_6], %dot_general3A_5 {strides = array<i32>} : memref<2048x128xf32, #tpu.memory_space<vmem>>, vector<2048x128xf32>,
    %get3A_8 = arith.constant 0 : index
    %get3A_9 = arith.constant 0 : index
    %get3A_10 = vector.load %arg1[%get3A_8, %get3A_9] : memref<2048x128xf32, #tpu.memory_space<vmem>>, vector<2048x128xf32>
    %mul3A = arith.mulf %get3A_10, %dot_general3A_5 : vector<2048x128xf32>
    %swap3A_11 = arith.constant 0 : index
    %swap3A_12 = arith.constant 0 : index
    %swap3A_13 = vector.load %arg4[%swap3A_11, %swap3A_12] : memref<2048x128xf32, #tpu.memory_space<vmem>>, vector<2048x128xf32>
    tpu.vector_store %arg4[%swap3A_11, %swap3A_12], %mul3A {strides = array<i32>} : memref<2048x128xf32, #tpu.memory_space<vmem>>, vector<2048x128xf32>,
    return
  }
  func.func @transform_0(%arg0: i32) -> (i32, i32) {
    %c0_i32 = arith.constant 0 : i32
    %c0_i32_0 = arith.constant 0 : i32
    return %arg0, %c0_i32 : i32, i32
  }
  func.func @transform_1(%arg0: i32) -> (i32, i32) {
    %c0_i32 = arith.constant 0 : i32
    %c0_i32_0 = arith.constant 0 : i32
    return %arg0, %c0_i32 : i32, i32
  }
  func.func @transform_2(%arg0: i32) -> (i32, i32) {
    %c0_i32 = arith.constant 0 : i32
    %c0_i32_0 = arith.constant 0 : i32
    %c0_i32_1 = arith.constant 0 : i32
    return %c0_i32, %c0_i32_0 : i32, i32
  }
  func.func @transform_3(%arg0: i32) -> (i32, i32) {
    %c0_i32 = arith.constant 0 : i32
    %c0_i32_0 = arith.constant 0 : i32
    return %arg0, %c0_i32 : i32, i32
  }
  func.func @transform_4(%arg0: i32) -> (i32, i32) {
    %c0_i32 = arith.constant 0 : i32
    %c0_i32_0 = arith.constant 0 : i32
    return %arg0, %c0_i32 : i32, i32
  }
}

module attributes {stable_mosaic.version = 14 : i64} {
  func.func @_final_body(%arg0: i32, %arg1: memref<1000x128xf32, #tpu.memory_space<vmem>>, %arg2: memref<1000x128xf32, #tpu.memory_space<vmem>>, %arg3: memref<1000x128xf32, #tpu.memory_space<vmem>>, %arg4: memref<1000x128xf32, #tpu.memory_space<vmem>>, %arg5: memref<1000x128xf32, #tpu.memory_space<vmem>>) attributes {dimension_semantics = [#tpu.dimension_semantics<arbitrary>], iteration_bounds = array<i64: 10>, scalar_prefetch = 0 : i64, scratch_operands = 0 : i64, tpu.core_type = #tpu.core_type<tc>, window_params = [{transform_indices = @transform_0, window_bounds = array<i64: 1000, 128>}, {transform_indices = @transform_1, window_bounds = array<i64: 1000, 128>}, {transform_indices = @transform_2, window_bounds = array<i64: 1000, 128>}, {transform_indices = @transform_3, window_bounds = array<i64: 1000, 128>}, {transform_indices = @transform_4, window_bounds = array<i64: 1000, 128>}]} {
    %get3A = arith.constant 0 : index
    %get3A_0 = arith.constant 0 : index
    %get3A_1 = vector.load %arg3[%get3A, %get3A_0] : memref<1000x128xf32, #tpu.memory_space<vmem>>, vector<1000x128xf32>
    %get3A_2 = arith.constant 0 : index
    %get3A_3 = arith.constant 0 : index
    %get3A_4 = vector.load %arg4[%get3A_2, %get3A_3] : memref<1000x128xf32, #tpu.memory_space<vmem>>, vector<1000x128xf32>
    %add3A = arith.addf %get3A_1, %get3A_4 : vector<1000x128xf32>
    %gt3A = arith.constant 0.000000e+00 : f32
    %gt3A_5 = vector.broadcast %gt3A : f32 to vector<1000x128xf32>
    %gt3A_6 = arith.cmpf ogt, %add3A, %gt3A_5 : vector<1000x128xf32>
    %jit3A = arith.constant 1.000000e+00 : f32
    %broadcast_in_dim3A = vector.broadcast %jit3A : f32 to vector<1000x128xf32>
    %select_n3A = arith.select %gt3A_6, %add3A, %broadcast_in_dim3A : vector<1000x128xi1>, vector<1000x128xf32>
    %get3A_7 = arith.constant 0 : index
    %get3A_8 = arith.constant 0 : index
    %get3A_9 = vector.load %arg1[%get3A_7, %get3A_8] : memref<1000x128xf32, #tpu.memory_space<vmem>>, vector<1000x128xf32>
    %get3A_10 = arith.constant 0 : index
    %get3A_11 = arith.constant 0 : index
    %get3A_12 = vector.load %arg2[%get3A_10, %get3A_11] : memref<1000x128xf32, #tpu.memory_space<vmem>>, vector<1000x128xf32>
    %add3A_13 = arith.addf %get3A_9, %get3A_12 : vector<1000x128xf32>
    %div3A = arith.divf %add3A_13, %select_n3A : vector<1000x128xf32>
    %max3A = arith.constant 0.000000e+00 : f32
    %max3A_14 = vector.broadcast %max3A : f32 to vector<1000x128xf32>
    %max3A_15 = arith.maximumf %div3A, %max3A_14 : vector<1000x128xf32>
    %swap3A = arith.constant 0 : index
    %swap3A_16 = arith.constant 0 : index
    %swap3A_17 = vector.load %arg5[%swap3A, %swap3A_16] : memref<1000x128xf32, #tpu.memory_space<vmem>>, vector<1000x128xf32>
    tpu.vector_store %arg5[%swap3A, %swap3A_16], %max3A_15 {strides = array<i32>} : memref<1000x128xf32, #tpu.memory_space<vmem>>, vector<1000x128xf32>,
    return
  }
  func.func @transform_0(%arg0: i32) -> (i32, i32) {
    %c0_i32 = arith.constant 0 : i32
    %c0_i32_0 = arith.constant 0 : i32
    return %arg0, %c0_i32 : i32, i32
  }
  func.func @transform_1(%arg0: i32) -> (i32, i32) {
    %c0_i32 = arith.constant 0 : i32
    %c0_i32_0 = arith.constant 0 : i32
    return %arg0, %c0_i32 : i32, i32
  }
  func.func @transform_2(%arg0: i32) -> (i32, i32) {
    %c0_i32 = arith.constant 0 : i32
    %c0_i32_0 = arith.constant 0 : i32
    return %arg0, %c0_i32 : i32, i32
  }
  func.func @transform_3(%arg0: i32) -> (i32, i32) {
    %c0_i32 = arith.constant 0 : i32
    %c0_i32_0 = arith.constant 0 : i32
    return %arg0, %c0_i32 : i32, i32
  }
  func.func @transform_4(%arg0: i32) -> (i32, i32) {
    %c0_i32 = arith.constant 0 : i32
    %c0_i32_0 = arith.constant 0 : i32
    return %arg0, %c0_i32 : i32, i32
  }
}

</mosaic_0001>

<sc_bundles>
// kernel: kernel.10.cloned.1.call-start
scs
__scs_entry_jumppad:
0x0: {  	(pc) =	sbr.rel $0x88, $3  }
0x1: {  	(tag) =	ssettag $0x0;
	lr =	simm.s32 $0x1  }
0x2: {  	[smem:$0x3F9A] =	sst lr;
	_ =	strace $0xD0000000  }
0x3: {  	_ = 	snop  }
0x4: {  	_ = 	snop  }
0x5: {  	_ = 	snop  }
0x6: {  	_ = 	snop  }
0x7: {  	_ = 	snop  }
__scs_overlays_trampoline_lowered:
0x8: {  	[smem:$0x3FA9] =	sst s0  }
0x9: {  	[smem:$0x3FAA] =	sst s1  }
0xa: {  	[smem:$0x3FAB] =	sst s2  }
0xb: {  	[smem:$0x3FAC] =	sst s3  }
0xc: {  	[smem:$0x3FAD] =	sst s4  }
0xd: {  	[smem:$0x3FAE] =	sst s5  }
0xe: {  	[smem:$0x3FAF] =	sst s6  }
0xf: {  	[smem:$0x3FB0] =	sst s7  }
0x10: {  	[smem:$0x3FB1] =	sst s8  }
0x11: {  	[smem:$0x3FB2] =	sst s9;
	s0 =	simm.s32 @!p0 $0x0  }
0x12: {  	s1 =	sld [smem:$0x3F98];
	s0 =	simm.s32 @p0 $0x1  }
0x13: {  	[smem:$0x3FB3] =	sst s0;
	s0 =	simm.s32 @!p1 $0x0  }
0x14: {  	s2 =	sld [smem:$0x3F97];
	s0 =	simm.s32 @p1 $0x1  }
0x15: {  	[smem:$0x3FB4] =	sst s0;
	s0 =	simm.s32 @!p2 $0x0  }
0x16: {  	s3 =	sld [smem:$0x3FDB];
	s0 =	simm.s32 @p2 $0x1  }
0x17: {  	s4 =	simm.s32 $0x1BF5;
	[smem:$0x3FB6] =	sst s0  }
0x18: {  	s0 =	sld [smem:$0x3F99];
	_ =	swait.ge [sflag:s4], $0x0  }
0x19: {  	s7 =	sld [smem:$0x3F9A]  }
0x1a: {  	s8 =	sadd.s32 $0xFFFFE003, lr  }
0x1b: {  	s9 =	sadd.s32 $0xFFFFFEF7, lr;
	s5 =	simm.s32 $0xFFFFFFFF;
	p2 =	slt.u32 s8, $0xFFFFF086  }
0x1c: {  	p1 =	slt.u32 s9, $0xF7A;
	s5 =	simm.s32 @!p2 $0x0  }
0x1d: {  	s5 =	simm.s32 @p1 $0x1;
	p0 =	seq.s32 s7, s2  }
0x1e: {  	s7 =	smul.u32 @!p0 $0xF7A, s2;
	p2 =	seq.s32 @!p0 s5, $0x0  }
0x1f: {  	s9 =	smul.u32 $0xF7A, s1;
	s8 =	simm.s32 @!p0 $0x1BF5;
	p2 =	por !p2, p0  }
0x20: {  	[sflag:s8] =	ssyncset.s32 @!p0 $0xFFFFF086;
	s6 =	sadd.s32 @!p0 s3, s7;
	s7 =	simm.s32 @!p0 $0x108  }
0x21: {  	s3 =	sadd.s32 s3, s9;
	s6 =	sadd.s32 @!p0 $0x88, s6;
	s7 =	simm.s32 @p2 $0x1082  }
0x22: {  	[simem:s7], [sflag:s8] =	dma.local @!p0 [hbm:s6], $0xF7A  }
0x23: {  	s9 =	sor.u32 $0xD0000000, s2;
	s6 =	simm.s32 $0x108;
	_ =	swait.ge @!p0 [sflag:s8], $0x0  }
0x24: {  	s3 =	sadd.s32 $0x88, s3;
	s6 =	simm.s32 @!p1 $0x1082;
	[sflag:s4] =	ssyncset.s32 $0xFFFFF086  }
0x25: {  	[simem:s6], [sflag:s4] =	dma.local [hbm:s3], $0xF7A  }
0x26: {  	[smem:$0x3F9A] =	sst s1;
	(tag) =	ssettag s2;
	_ =	strace s9  }
0x27: {  	s1 =	sld [smem:$0x3FAA]  }
0x28: {  	s2 =	sld [smem:$0x3FAB]  }
0x29: {  	s4 =	sld [smem:$0x3FAD]  }
0x2a: {  	p0 =	seq.s32 s5, $0x0;
	s5 =	sld [smem:$0x3FAE]  }
0x2b: {  	s6 =	sld [smem:$0x3FAF]  }
0x2c: {  	s7 =	sld [smem:$0x3FB0]  }
0x2d: {  	s3 =	simm.s32 $0x108;
	s8 =	sld [smem:$0x3FB1]  }
0x2e: {  	s3 =	simm.s32 @!p0 $0x1082;
	s9 =	sld [smem:$0x3FB2]  }
0x2f: {  	lr =	sadd.s32 s0, s3;
	s0 =	sld [smem:$0x3FA9]  }
0x30: {  	s3 =	sld [smem:$0x3FAC]  }
0x31: {  	[smem:$0x3FB5] =	sst s10  }
0x32: {  	s10 =	sld [smem:$0x3FB3];
	_ =	sdelay $0x3  }
0x33: {  	p0 =	seq.s32 s10, $0x1;
	s10 =	sld [smem:$0x3FB5];
	_ =	sdelay $0x3  }
0x34: {  	[smem:$0x3FB5] =	sst s10  }
0x35: {  	s10 =	sld [smem:$0x3FB4];
	_ =	sdelay $0x3  }
0x36: {  	p1 =	seq.s32 s10, $0x1;
	s10 =	sld [smem:$0x3FB5];
	_ =	sdelay $0x3  }
0x37: {  	[smem:$0x3FB5] =	sst s10  }
0x38: {  	s10 =	sld [smem:$0x3FB6]  }
0x39: {  	_ = 	snop;
	(pc) =	sbr.ind lr, $3  }
0x3a: {  	_ = 	snop  }
0x3b: {  	_ = 	snop  }
0x3c: {  	p2 =	seq.s32 s10, $0x1;
	s10 =	sld [smem:$0x3FB5]  }
0x3d: {  	_ =	shalt  }
0x3e: {  	_ =	shalt  }
0x3f: {  	_ =	shalt  }
0x40: {  	_ =	shalt  }
0x41: {  	_ =	shalt  }
0x42: {  	_ =	shalt  }
0x43: {  	_ =	shalt  }
0x44: {  	_ =	shalt  }
0x45: {  	_ =	shalt  }
0x46: {  	_ =	shalt  }
0x47: {  	_ =	shalt  }
0x48: {  	_ =	shalt  }
0x49: {  	_ =	shalt  }
0x4a: {  	_ =	shalt  }
0x4b: {  	_ =	shalt  }
0x4c: {  	_ =	shalt  }
0x4d: {  	_ =	shalt  }
0x4e: {  	_ =	shalt  }
0x4f: {  	_ =	shalt  }
0x50: {  	_ =	shalt  }
0x51: {  	_ =	shalt  }
0x52: {  	_ =	shalt  }
0x53: {  	_ =	shalt  }
0x54: {  	_ =	shalt  }
0x55: {  	_ =	shalt  }
0x56: {  	_ =	shalt  }
0x57: {  	_ =	shalt  }
0x58: {  	_ =	shalt  }
0x59: {  	_ =	shalt  }
0x5a: {  	_ =	shalt  }
0x5b: {  	_ =	shalt  }
0x5c: {  	_ =	shalt  }
0x5d: {  	_ =	shalt  }
0x5e: {  	_ =	shalt  }
0x5f: {  	_ =	shalt  }
0x60: {  	_ =	shalt  }
0x61: {  	_ =	shalt  }
0x62: {  	_ =	shalt  }
0x63: {  	_ =	shalt  }
0x64: {  	_ =	shalt  }
0x65: {  	_ =	shalt  }
0x66: {  	_ =	shalt  }
0x67: {  	_ =	shalt  }
0x68: {  	_ =	shalt  }
0x69: {  	_ =	shalt  }
0x6a: {  	_ =	shalt  }
0x6b: {  	_ =	shalt  }
0x6c: {  	_ =	shalt  }
0x6d: {  	_ =	shalt  }
0x6e: {  	_ =	shalt  }
0x6f: {  	_ =	shalt  }
0x70: {  	_ =	shalt  }
0x71: {  	_ =	shalt  }
0x72: {  	_ =	shalt  }
0x73: {  	_ =	shalt  }
0x74: {  	_ =	shalt  }
0x75: {  	_ =	shalt  }
0x76: {  	_ =	shalt  }
0x77: {  	_ =	shalt  }
0x78: {  	_ =	shalt  }
0x79: {  	_ =	shalt  }
0x7a: {  	_ =	shalt  }
0x7b: {  	_ =	shalt  }
0x7c: {  	_ =	shalt  }
0x7d: {  	_ =	shalt  }
0x7e: {  	_ =	shalt  }
0x7f: {  	_ =	shalt  }
0x80: {  	_ =	shalt  }
0x81: {  	_ =	shalt  }
0x82: {  	_ =	shalt  }
0x83: {  	_ =	shalt  }
0x84: {  	_ =	shalt  }
0x85: {  	_ =	shalt  }
0x86: {  	_ =	shalt  }
0x87: {  	_ =	shalt  }
.Lfunc_end0:
.L_simem_size_0:
called_computation_lowered:
.L_overlay_start_0:
0x88: {  	s2 =	sld [smem:$0x3FD9]  }
0x89: {  	s3 =	sld [smem:$0x3FFE];
	_ =	sdelay $0x1  }
0x8a: {  	s1 =	srdreg.scid  }
0x8b: {  	s0 =	sand.u32 $0x1, s1  }
0x8c: {  	s17 =	sshll.u32 s0, $0xA;
	s2 =	sadd.s32 s3, s2  }
0x8d: {  	s2 =	sadd.s32 s2, s17  }
0x8e: {  	[smem:$0x3FC1] =	sst s2  }
0x8f: {  	_ = 	snop  }
0x90: {  	s2 =	sld [smem:$0x3FD0];
	(tm) =	ssettm $0x1  }
0x91: {  	s18 =	sld [smem:$0x3FFB];
	_ =	sdelay $0x3  }
0x92: {  	_ =	strace s18  }
0x93: {  	s3 =	sld [smem:$0x3FFC];
	_ =	sdelay $0x3  }
0x94: {  	_ =	strace s3  }
0x95: {  	s3 =	sld [smem:$0x3FFD];
	_ =	sdelay $0x3  }
0x96: {  	_ =	strace s3  }
0x97: {  	_ =	strace $0x8FFFFFFF  }
0x98: {  	s19 =	sld [smem:$0x3FDB];
	_ =	sdelay $0x1  }
0x99: {  	s4 =	simm.s32 $_scs_section_size  }
0x9a: {  	s5 =	simm.s32 $_size__tile_overlayer_lowered;
	s6 =	simm.s32 $_tile_overlayer_lowered  }
0x9b: {  	s22 =	simm.s32 $0x1BFF;
	s21 =	sshll.u32 s6, $0x1;
	s3 =	sadd.s32 s4, s19  }
0x9c: {  	s7 =	simm.s32 $0x0;
	s20 =	sshll.u32 s5, $0x1;
	s5 =	sadd.s32 s21, s3  }
0x9d: {  	[timem:s7], [sflag:s22] =	dma.local [hbm:s5], s20  }
0x9e: {  	_ =	swait.ge [sflag:s22], s20  }
0x9f: {  	s4 =	ssub.s32 $0x0, s20;
	[sflag:s22] =	ssyncset.done $0x0  }
0xa0: {  	[sflag:s22] =	ssyncadd.s32 s4;
	_ =	sdelay $0x1  }
0xa1: {  	s23 =	simm.s32 $0x1B8B  }
0xa2: {  	_ =	swait.ge [sflag:s23], $0x1  }
0xa3: {  	[sflag:s23] =	ssyncset.done $0x0  }
0xa4: {  	s25 =	simm.s32 $0x1B8E;
	s24 =	sld [smem:$0x3FFE];
	[sflag:s23] =	ssyncadd.s32 $0xFFFFFFFF  }
0xa5: {  	s26 =	simm.s32 $execute0_lowered;
	[smem:$0x3FD2] =	sst s25  }
0xa6: {  	s5 =	sshll.u32 s26, $0x1;
	_ =	strace $0x80000046;
	[dreg:$0x1] =	wrdreg $0xFFFFFFFF  }
0xa7: {  	s28 =	simm.s32 $_size_execute0_lowered;
	s3 =	sadd.s32 s3, s5;
	[dreg:$0x0] =	wrdreg $0x0  }
0xa8: {  	s5 =	sshll.u32 s28, $0x1;
	[dreg:$0x2] =	wrdreg s3  }
0xa9: {  	[dreg:$0x3] =	wrdreg s5  }
0xaa: {  	[dreg:$0x4] =	wrdreg $0xC0  }
0xab: {  	_ =	task [dreg:s7], $0x5FFFF  }
0xac: {  	[dreg:$0x1] =	wrdreg $0xFFFFFFFF  }
0xad: {  	[dreg:$0x0] =	wrdreg $0x60  }
0xae: {  	[dreg:$0x2] =	wrdreg s24  }
0xaf: {  	[dreg:$0x3] =	wrdreg s2  }
0xb0: {  	[dreg:$0x4] =	wrdreg $0x9  }
0xb1: {  	_ =	task.clear_ibuf [dreg:s7], $0x5FFFF;
	_ =	strace $0x90000046  }
0xb2: {  	s29 =	simm.s32 $0x9;
	_ =	strace $0x80000048  }
0xb3: {  	_ =	swait.ge [sflag:s29], $0x1  }
0xb4: {  	[sflag:s29] =	ssyncadd.s32 $0xFFFFFFFF  }
0xb5: {  	_ =	strace $0x90000048  }
0xb6: {  	_ =	sfence  }
0xb7: {  	s30 =	sld [smem:$0x0];
	_ =	sdelay $0x2  }
0xb8: {  	s31 =	sshll.u32 s1, $0xD;
	s1 =	sshrl.u32 s1, $0x2  }
0xb9: {  	s3 =	sand.u32 $0x4000, s31;
	s1 =	sadd.s32 s1, s30  }
0xba: {  	s0 =	sor.u32 s3, s0;
	s1 =	sshll.u32 s1, $0x11  }
0xbb: {  	s0 =	sor.u32 s1, s0  }
0xbc: {  	s0 =	sadd.s32 $0x8F2B, s0  }
0xbd: {  	[sflag:s0] =	ssyncadd.remote.s32 $0x1  }
0xbe: {  	_ =	sfence.sel $0xFFFF  }
0xbf: {  	[dreg:$0x0] =	wrdreg $0xFFFFFFFF;
	(pc) =	sbr.abs _section_cstart, $3  }
0xc0: {  	[dreg:$0x1] =	wrdreg $0xFFFFFFFF  }
0xc1: {  	_ =	task.clear_ibuf [dreg:s7], $0x2FFFF;
	_ =	strace $0x9FFFFFFF  }
0xc2: {  	(tm) =	ssettm $0x7FFFFFFF  }
0xc3: {  	_ =	shalt  }
tec
execute0_lowered:
.L_overlay_start_1:
0x0: {  	(tag) =	ssettag $0x1  }
0x1: {  	s0 =	srdreg.scid  }
0x2: {  	s13 =	stileid.u32;
	s4 =	rddreg [dreg:$0x0]  }
0x3: {  	s5 =	rddreg [dreg:$0x1];
	s2 =	simm.s32 $0x0;
	s14 =	simm.s32 $0x2800  }
0x4: {  	s15 =	simm.s32 $0x80;
	s16 =	simm.s32 $0x5000;
	s17 =	simm.s32 $0xD000  }
0x5: {  	s18 =	simm.s32 $0x1;
	s19 =	simm.s32 $0x3;
	s20 =	simm.s32 $0x9000  }
0x6: {  	s22 =	simm.s32 $0x11000;
	s28 =	simm.s32 $0x6;
	s29 =	simm.s32 $0x8  }
0x7: {  	s0 =	sand.u32 $0x1, s0;
	s1 =	sshll.u32 s13, $0x1;
	s13 =	smul.u32 $0x50000, s13  }
0x8: {  	s1 =	sor.u32 s0, s1;
	s8 =	ssub.s32 $0x2, s0;
	s0 =	smul.u32 $0x28000, s0  }
0x9: {  	s30 =	simm.s32 $0x0;
	[smem:$0x7FF] =	sst s2;
	s3 =	smul.u32 $0x2800, s1  }
0xa: {  	s10 =	sadd.s32 $0x534600, s4;
	s12 =	sadd.s32 $0x34600, s4;
	s9 =	smul.u32 $0x28000, s1  }
0xb: {  	_ =	strace $0x80000047;
	s23 =	sshrl.u32 s8, $0x1;
	s1 =	smul.u32 $0x140000, s1  }
0xc: {  	s26 =	sadd.s32 s13, s10;
	s31 =	sadd.s32 s13, s12;
	s13 =	simm.s32 $0x9  }
0xd: {  	s11 =	ssub.s32 s8, s23;
	s23 =	simm.s32 $0x2;
	s6 =	sshrl.u32 s3, $0x3  }
0xe: {  	s3 =	sadd.s32 $0xC600, s4;
	s1 =	sshrl.u32 s1, $0x3;
	s7 =	sadd.s32 s6, s4  }
0xf: {  	s25 =	sadd.s32 s5, s6;
	s6 =	sadd.s32 s10, s9;
	s1 =	sadd.s32 $0x27800, s1  }
0x10: {  	s24 =	sadd.s32 $0x2600, s7;
	[dreg:$0x4] =	wrdreg s25;
	s7 =	sadd.s32 s12, s9  }
0x11: {  	s8 =	sadd.s32 s10, s1;
	s9 =	sadd.s32 s12, s1;
	s10 =	smax.u32 s11, $0x1  }
0x12: {  	s11 =	sadd.s32 s0, s26;
	s12 =	sadd.s32 s0, s31;
	s25 =	simm.s32 $0x5  }
0x13: {  	s26 =	simm.s32 $0x7;
	[dreg:$0x3] =	wrdreg s24;
	s24 =	simm.s32 $0x4  }
.LBB2_1:
0x14: {  	s0 =	rddreg [dreg:$0x3]  }
0x15: {  	[tilespmem:s2], [sflag:$0x9] =	stream.linear.gather [hbm4b:s0+s2], $0x2800, $0x38;
	[tilespmem:$0x15000] =	vst v63  }
0x16: {  	_ =	swait.ge [sflag:s13], $0x2800  }
0x17: {  	[sflag:s13] =	ssyncset.done $0x0  }
0x18: {  	s5 =	rddreg [dreg:$0x4];
	[sflag:s13] =	ssyncadd.s32 $0xFFFFD800  }
0x19: {  	[tilespmem:s14], [sflag:$0x9] =	stream.linear.gather [hbm4b:s5+s2], $0x2800, $0x38;
	[tilespmem:$0x15000] =	vst v63  }
0x1a: {  	_ =	swait.ge [sflag:s13], $0x2800  }
0x1b: {  	[sflag:s13] =	ssyncset.done $0x0  }
0x1c: {  	[sflag:s13] =	ssyncadd.s32 $0xFFFFD800  }
0x1d: {  	[tilespmem:s16], [sflag:$0x1] =	stream.indirect.gather [hbm4b:s3+s15], $0x80, s2, s15, $0xb8;
	[tilespmem:$0x15000] =	vst v63  }
0x1e: {  	_ = 	snop  }
0x1f: {  	[tilespmem:s17], [sflag:$0x3] =	stream.indirect.gather [hbm4b:s3+s15], $0x80, s14, s15, $0xb8;
	[tilespmem:$0x15000] =	vst v63  }
0x20: {  	_ =	swait.ge [sflag:s18], $0x4000  }
0x21: {  	[sflag:s18] =	ssyncset.done $0x0  }
0x22: {  	[sflag:s18] =	ssyncadd.s32 $0xFFFFC000  }
0x23: {  	_ =	swait.ge [sflag:s19], $0x4000  }
0x24: {  	[sflag:s19] =	ssyncset.done $0x0  }
0x25: {  	[sflag:s19] =	ssyncadd.s32 $0xFFFFC000  }
0x26: {  	[tilespmem:s20], [sflag:$0x2] =	stream.indirect.gather [hbm4b:s3+s15], $0x80, s15, s15, $0xb8;
	[tilespmem:$0x15000] =	vst v63  }
0x27: {  	s21 =	simm.s32 $0x2880  }
0x28: {  	[tilespmem:s22], [sflag:$0x4] =	stream.indirect.gather [hbm4b:s3+s15], $0x80, s21, s15, $0xb8;
	[tilespmem:$0x15000] =	vst v63  }
0x29: {  	_ = 	snop  }
0x2a: {  	[hbm4b:s6+s2] =	stream.linear.scatter [tilespmem:s16], [sflag:$0x5], $0x4000, $0x38;
	[tilespmem:$0x15000] =	vst v63  }
0x2b: {  	_ = 	snop  }
0x2c: {  	[hbm4b:s7+s2] =	stream.linear.scatter [tilespmem:s17], [sflag:$0x7], $0x4000, $0x38;
	[tilespmem:$0x15000] =	vst v63  }
0x2d: {  	_ =	swait.ge [sflag:s23], $0x4000  }
0x2e: {  	[sflag:s23] =	ssyncset.done $0x0  }
0x2f: {  	[sflag:s23] =	ssyncadd.s32 $0xFFFFC000  }
0x30: {  	_ =	swait.ge [sflag:s24], $0x4000  }
0x31: {  	[sflag:s24] =	ssyncset.done $0x0  }
0x32: {  	[sflag:s24] =	ssyncadd.s32 $0xFFFFC000  }
0x33: {  	_ =	swait.ge [sflag:s25], $0x4000  }
0x34: {  	[sflag:s25] =	ssyncset.done $0x0  }
0x35: {  	[sflag:s25] =	ssyncadd.s32 $0xFFFFC000  }
0x36: {  	_ =	swait.ge [sflag:s26], $0x4000  }
0x37: {  	[sflag:s26] =	ssyncset.done $0x0  }
0x38: {  	s1 =	simm.s32 $0x100;
	[sflag:s26] =	ssyncadd.s32 $0xFFFFC000  }
0x39: {  	[tilespmem:s16], [sflag:$0x1] =	stream.indirect.gather [hbm4b:s3+s15], $0x80, s1, s15, $0xb8;
	[tilespmem:$0x15000] =	vst v63  }
0x3a: {  	s4 =	simm.s32 $0x2900;
	s1 =	sadd.s32 $0x0, s11  }
0x3b: {  	[tilespmem:s17], [sflag:$0x3] =	stream.indirect.gather [hbm4b:s3+s15], $0x80, s4, s15, $0xb8;
	[tilespmem:$0x15000] =	vst v63  }
0x3c: {  	s21 =	sadd.s32 $0x0, s12;
	s5 =	sadd.s32 $0x800, s1  }
0x3d: {  	[hbm4b:s5+s2] =	stream.linear.scatter [tilespmem:s20], [sflag:$0x6], $0x4000, $0x38;
	[tilespmem:$0x15000] =	vst v63  }
0x3e: {  	s4 =	sadd.s32 $0x800, s21  }
0x3f: {  	[hbm4b:s4+s2] =	stream.linear.scatter [tilespmem:s22], [sflag:$0x8], $0x4000, $0x38;
	[tilespmem:$0x15000] =	vst v63  }
0x40: {  	_ =	swait.ge [sflag:s18], $0x4000  }
0x41: {  	[sflag:s18] =	ssyncset.done $0x0  }
0x42: {  	[sflag:s18] =	ssyncadd.s32 $0xFFFFC000  }
0x43: {  	_ =	swait.ge [sflag:s19], $0x4000  }
0x44: {  	[sflag:s19] =	ssyncset.done $0x0  }
0x45: {  	[sflag:s19] =	ssyncadd.s32 $0xFFFFC000  }
0x46: {  	_ =	swait.ge [sflag:s28], $0x4000  }
0x47: {  	[sflag:s28] =	ssyncset.done $0x0  }
0x48: {  	[sflag:s28] =	ssyncadd.s32 $0xFFFFC000  }
0x49: {  	_ =	swait.ge [sflag:s29], $0x4000  }
0x4a: {  	[sflag:s29] =	ssyncset.done $0x0  }
0x4b: {  	s5 =	simm.s32 $0x180;
	[sflag:s29] =	ssyncadd.s32 $0xFFFFC000  }
0x4c: {  	[tilespmem:s20], [sflag:$0x2] =	stream.indirect.gather [hbm4b:s3+s15], $0x80, s5, s15, $0xb8;
	[tilespmem:$0x15000] =	vst v63  }
0x4d: {  	s31 =	simm.s32 $0x1000;
	s0 =	simm.s32 $0x2A00;
	s4 =	simm.s32 $0x2980  }
0x4e: {  	[tilespmem:s22], [sflag:$0x4] =	stream.indirect.gather [hbm4b:s3+s15], $0x80, s4, s15, $0xb8;
	[tilespmem:$0x15000] =	vst v63  }
0x4f: {  	s21 =	sadd.s32 $0x1000, s21;
	s5 =	sadd.s32 $0x1000, s1;
	s1 =	simm.s32 $0x200  }
0x50: {  	[hbm4b:s5+s2] =	stream.linear.scatter [tilespmem:s16], [sflag:$0x5], $0x4000, $0x38;
	[tilespmem:$0x15000] =	vst v63  }
.LBB2_2:
0x51: {  	[hbm4b:s21+s2] =	stream.linear.scatter [tilespmem:s17], [sflag:$0x7], $0x4000, $0x38;
	[tilespmem:$0x15000] =	vst v63  }
0x52: {  	s21 =	smov.u32 s31  }
0x53: {  	p0 =	sne.s32 s31, $0x26000;
	s31 =	sadd.s32 $0x1000, s31;
	_ =	swait.ge [sflag:s23], $0x4000  }
0x54: {  	[sflag:s23] =	ssyncset.done $0x0  }
0x55: {  	[sflag:s23] =	ssyncadd.s32 $0xFFFFC000  }
0x56: {  	_ =	swait.ge [sflag:s24], $0x4000  }
0x57: {  	[sflag:s24] =	ssyncset.done $0x0  }
0x58: {  	[sflag:s24] =	ssyncadd.s32 $0xFFFFC000  }
0x59: {  	_ =	swait.ge [sflag:s25], $0x4000  }
0x5a: {  	[sflag:s25] =	ssyncset.done $0x0  }
0x5b: {  	[sflag:s25] =	ssyncadd.s32 $0xFFFFC000  }
0x5c: {  	_ =	swait.ge [sflag:s26], $0x4000  }
0x5d: {  	[sflag:s26] =	ssyncset.done $0x0  }
0x5e: {  	[sflag:s26] =	ssyncadd.s32 $0xFFFFC000  }
0x5f: {  	[tilespmem:s16], [sflag:$0x1] =	stream.indirect.gather [hbm4b:s3+s15], $0x80, s1, s15, $0xb8;
	[tilespmem:$0x15000] =	vst v63  }
0x60: {  	s4 =	sadd.s32 s21, s11  }
0x61: {  	[tilespmem:s17], [sflag:$0x3] =	stream.indirect.gather [hbm4b:s3+s15], $0x80, s0, s15, $0xb8;
	[tilespmem:$0x15000] =	vst v63  }
0x62: {  	s21 =	sadd.s32 s21, s12;
	s5 =	sadd.s32 $0x800, s4  }
0x63: {  	[hbm4b:s5+s2] =	stream.linear.scatter [tilespmem:s20], [sflag:$0x6], $0x4000, $0x38;
	[tilespmem:$0x15000] =	vst v63  }
0x64: {  	s5 =	sadd.s32 $0x800, s21  }
0x65: {  	[hbm4b:s5+s2] =	stream.linear.scatter [tilespmem:s22], [sflag:$0x8], $0x4000, $0x38;
	[tilespmem:$0x15000] =	vst v63  }
0x66: {  	_ =	swait.ge [sflag:s18], $0x4000  }
0x67: {  	[sflag:s18] =	ssyncset.done $0x0  }
0x68: {  	[sflag:s18] =	ssyncadd.s32 $0xFFFFC000  }
0x69: {  	_ =	swait.ge [sflag:s19], $0x4000  }
0x6a: {  	[sflag:s19] =	ssyncset.done $0x0  }
0x6b: {  	[sflag:s19] =	ssyncadd.s32 $0xFFFFC000  }
0x6c: {  	_ =	swait.ge [sflag:s28], $0x4000  }
0x6d: {  	[sflag:s28] =	ssyncset.done $0x0  }
0x6e: {  	[sflag:s28] =	ssyncadd.s32 $0xFFFFC000  }
0x6f: {  	_ =	swait.ge [sflag:s29], $0x4000  }
0x70: {  	[sflag:s29] =	ssyncset.done $0x0  }
0x71: {  	s5 =	sadd.s32 $0x80, s1;
	[sflag:s29] =	ssyncadd.s32 $0xFFFFC000  }
0x72: {  	[tilespmem:s20], [sflag:$0x2] =	stream.indirect.gather [hbm4b:s3+s15], $0x80, s5, s15, $0xb8;
	[tilespmem:$0x15000] =	vst v63  }
.Ltmp0:
0x73: {  	s5 =	sadd.s32 $0x80, s0;
	(pc) =	sbr.rel @p0 .LBB2_2-.Ltmp0, $4  }
0x74: {  	[tilespmem:s22], [sflag:$0x4] =	stream.indirect.gather [hbm4b:s3+s15], $0x80, s5, s15, $0xb8;
	[tilespmem:$0x15000] =	vst v63  }
0x75: {  	s4 =	sadd.s32 $0x1000, s4  }
0x76: {  	[hbm4b:s4+s2] =	stream.linear.scatter [tilespmem:s16], [sflag:$0x5], $0x4000, $0x38;
	[tilespmem:$0x15000] =	vst v63  }
0x77: {  	s21 =	sadd.s32 $0x1000, s21;
	s1 =	sadd.s32 $0x100, s1;
	s0 =	sadd.s32 $0x100, s0  }
0x78: {  	[hbm4b:s21+s2] =	stream.linear.scatter [tilespmem:s17], [sflag:$0x7], $0x4000, $0x38;
	[tilespmem:$0x15000] =	vst v63  }
0x79: {  	_ =	swait.ge [sflag:s23], $0x4000  }
0x7a: {  	[sflag:s23] =	ssyncset.done $0x0  }
0x7b: {  	[sflag:s23] =	ssyncadd.s32 $0xFFFFC000  }
0x7c: {  	_ =	swait.ge [sflag:s24], $0x4000  }
0x7d: {  	[sflag:s24] =	ssyncset.done $0x0  }
0x7e: {  	[sflag:s24] =	ssyncadd.s32 $0xFFFFC000  }
0x7f: {  	_ =	swait.ge [sflag:s25], $0x4000  }
0x80: {  	[sflag:s25] =	ssyncset.done $0x0  }
0x81: {  	[sflag:s25] =	ssyncadd.s32 $0xFFFFC000  }
0x82: {  	_ =	swait.ge [sflag:s26], $0x4000  }
0x83: {  	[sflag:s26] =	ssyncset.done $0x0  }
0x84: {  	[sflag:s26] =	ssyncadd.s32 $0xFFFFC000  }
0x85: {  	[hbm4b:s8+s2] =	stream.linear.scatter [tilespmem:s20], [sflag:$0x6], $0x4000, $0x38;
	[tilespmem:$0x15000] =	vst v63  }
0x86: {  	s30 =	sadd.s32 $0x1, s30  }
0x87: {  	[hbm4b:s9+s2] =	stream.linear.scatter [tilespmem:s22], [sflag:$0x8], $0x4000, $0x38;
	[tilespmem:$0x15000] =	vst v63  }
0x88: {  	p0 =	sne.s32 s30, s10;
	_ =	swait.ge [sflag:s28], $0x4000  }
.Ltmp1:
0x89: {  	[sflag:s28] =	ssyncset.done $0x0;
	(pc) =	sbr.rel @p0 .LBB2_1-.Ltmp1, $4  }
0x8a: {  	[sflag:s28] =	ssyncadd.s32 $0xFFFFC000  }
0x8b: {  	_ =	swait.ge [sflag:s29], $0x4000  }
0x8c: {  	[sflag:s29] =	ssyncset.done $0x0  }
0x8d: {  	[sflag:s29] =	ssyncadd.s32 $0xFFFFC000  }
0x8e: {  	_ =	sfence.sel $0x180000  }
0x8f: {  	[bflag:$0x0] =	sbarrier.arrive $0xFFFF  }
0x90: {  	_ =	strace $0x90000047  }
0x91: {  	s0 =	stileid.u32;
	[bflag:$0x2] =	sbarrier.arrive $0xFFFF  }
0x92: {  	p0 =	sne.s32 s0, $0x0;
	s0 =	rddreg [dreg:$0x2]  }
0x93: {  	s0 =	sadd.s32 @!p0 $0x100000, s0  }
0x94: {  	[sflag:s0] =	ssyncadd.tile.s32 @!p0 $0x1;
	_ =	shalt  }
.Lfunc_end2:
_tile_overlayer_lowered:
.L_overlay_start_2:
0x95: {  	(tag) =	ssettag $0x2  }
0x96: {  	s0 =	rddreg [dreg:$0x0];
	s2 =	stileid.u32  }
0x97: {  	s1 =	rddreg [dreg:$0x1];
	p0 =	sne.s32 s2, $0x0  }
0x98: {  	s3 =	rddreg [dreg:$0x2];
	[bflag:$0x3] =	sbarrier.arrive $0xFFFF;
	s2 =	simm.s32 @!p0 $0x1C09  }
0x99: {  	[timem:s3], [sflag:s2] =	dma.local @!p0 [hbm:s0], s1  }
0x9a: {  	s0 =	simm.s32 @!p0 $0x9  }
0x9b: {  	_ =	swait.ge @!p0 [sflag:s0], s1  }
0x9c: {  	s1 =	ssub.s32 @!p0 $0x0, s1;
	[sflag:s0] =	ssyncset.done @!p0 $0x0  }
0x9d: {  	[sflag:s0] =	ssyncadd.s32 @!p0 s1  }
0x9e: {  	[bflag:$0x3] =	sbarrier.arrive $0xFFFF  }
0x9f: {  	_ =	shalt  }

// kernel: kernel.13.cloned.1.call-start
scs
__scs_entry_jumppad:
0x0: {  	(pc) =	sbr.rel $0x88, $3  }
0x1: {  	(tag) =	ssettag $0x0;
	lr =	simm.s32 $0x1  }
0x2: {  	[smem:$0x3F9A] =	sst lr;
	_ =	strace $0xD0000000  }
0x3: {  	_ = 	snop  }
0x4: {  	_ = 	snop  }
0x5: {  	_ = 	snop  }
0x6: {  	_ = 	snop  }
0x7: {  	_ = 	snop  }
__scs_overlays_trampoline_lowered:
0x8: {  	[smem:$0x3FA9] =	sst s0  }
0x9: {  	[smem:$0x3FAA] =	sst s1  }
0xa: {  	[smem:$0x3FAB] =	sst s2  }
0xb: {  	[smem:$0x3FAC] =	sst s3  }
0xc: {  	[smem:$0x3FAD] =	sst s4  }
0xd: {  	[smem:$0x3FAE] =	sst s5  }
0xe: {  	[smem:$0x3FAF] =	sst s6  }
0xf: {  	[smem:$0x3FB0] =	sst s7  }
0x10: {  	[smem:$0x3FB1] =	sst s8  }
0x11: {  	[smem:$0x3FB2] =	sst s9;
	s0 =	simm.s32 @!p0 $0x0  }
0x12: {  	s1 =	sld [smem:$0x3F98];
	s0 =	simm.s32 @p0 $0x1  }
0x13: {  	[smem:$0x3FB3] =	sst s0;
	s0 =	simm.s32 @!p1 $0x0  }
0x14: {  	s2 =	sld [smem:$0x3F97];
	s0 =	simm.s32 @p1 $0x1  }
0x15: {  	[smem:$0x3FB4] =	sst s0;
	s0 =	simm.s32 @!p2 $0x0  }
0x16: {  	s3 =	sld [smem:$0x3FDB];
	s0 =	simm.s32 @p2 $0x1  }
0x17: {  	s4 =	simm.s32 $0x1BF5;
	[smem:$0x3FB6] =	sst s0  }
0x18: {  	s0 =	sld [smem:$0x3F99];
	_ =	swait.ge [sflag:s4], $0x0  }
0x19: {  	s7 =	sld [smem:$0x3F9A]  }
0x1a: {  	s8 =	sadd.s32 $0xFFFFE003, lr  }
0x1b: {  	s9 =	sadd.s32 $0xFFFFFEF7, lr;
	s5 =	simm.s32 $0xFFFFFFFF;
	p2 =	slt.u32 s8, $0xFFFFF086  }
0x1c: {  	p1 =	slt.u32 s9, $0xF7A;
	s5 =	simm.s32 @!p2 $0x0  }
0x1d: {  	s5 =	simm.s32 @p1 $0x1;
	p0 =	seq.s32 s7, s2  }
0x1e: {  	s7 =	smul.u32 @!p0 $0xF7A, s2;
	p2 =	seq.s32 @!p0 s5, $0x0  }
0x1f: {  	s9 =	smul.u32 $0xF7A, s1;
	s8 =	simm.s32 @!p0 $0x1BF5;
	p2 =	por !p2, p0  }
0x20: {  	[sflag:s8] =	ssyncset.s32 @!p0 $0xFFFFF086;
	s6 =	sadd.s32 @!p0 s3, s7;
	s7 =	simm.s32 @!p0 $0x108  }
0x21: {  	s3 =	sadd.s32 s3, s9;
	s6 =	sadd.s32 @!p0 $0x88, s6;
	s7 =	simm.s32 @p2 $0x1082  }
0x22: {  	[simem:s7], [sflag:s8] =	dma.local @!p0 [hbm:s6], $0xF7A  }
0x23: {  	s9 =	sor.u32 $0xD0000000, s2;
	s6 =	simm.s32 $0x108;
	_ =	swait.ge @!p0 [sflag:s8], $0x0  }
0x24: {  	s3 =	sadd.s32 $0x88, s3;
	s6 =	simm.s32 @!p1 $0x1082;
	[sflag:s4] =	ssyncset.s32 $0xFFFFF086  }
0x25: {  	[simem:s6], [sflag:s4] =	dma.local [hbm:s3], $0xF7A  }
0x26: {  	[smem:$0x3F9A] =	sst s1;
	(tag) =	ssettag s2;
	_ =	strace s9  }
0x27: {  	s1 =	sld [smem:$0x3FAA]  }
0x28: {  	s2 =	sld [smem:$0x3FAB]  }
0x29: {  	s4 =	sld [smem:$0x3FAD]  }
0x2a: {  	p0 =	seq.s32 s5, $0x0;
	s5 =	sld [smem:$0x3FAE]  }
0x2b: {  	s6 =	sld [smem:$0x3FAF]  }
0x2c: {  	s7 =	sld [smem:$0x3FB0]  }
0x2d: {  	s3 =	simm.s32 $0x108;
	s8 =	sld [smem:$0x3FB1]  }
0x2e: {  	s3 =	simm.s32 @!p0 $0x1082;
	s9 =	sld [smem:$0x3FB2]  }
0x2f: {  	lr =	sadd.s32 s0, s3;
	s0 =	sld [smem:$0x3FA9]  }
0x30: {  	s3 =	sld [smem:$0x3FAC]  }
0x31: {  	[smem:$0x3FB5] =	sst s10  }
0x32: {  	s10 =	sld [smem:$0x3FB3];
	_ =	sdelay $0x3  }
0x33: {  	p0 =	seq.s32 s10, $0x1;
	s10 =	sld [smem:$0x3FB5];
	_ =	sdelay $0x3  }
0x34: {  	[smem:$0x3FB5] =	sst s10  }
0x35: {  	s10 =	sld [smem:$0x3FB4];
	_ =	sdelay $0x3  }
0x36: {  	p1 =	seq.s32 s10, $0x1;
	s10 =	sld [smem:$0x3FB5];
	_ =	sdelay $0x3  }
0x37: {  	[smem:$0x3FB5] =	sst s10  }
0x38: {  	s10 =	sld [smem:$0x3FB6]  }
0x39: {  	_ = 	snop;
	(pc) =	sbr.ind lr, $3  }
0x3a: {  	_ = 	snop  }
0x3b: {  	_ = 	snop  }
0x3c: {  	p2 =	seq.s32 s10, $0x1;
	s10 =	sld [smem:$0x3FB5]  }
0x3d: {  	_ =	shalt  }
0x3e: {  	_ =	shalt  }
0x3f: {  	_ =	shalt  }
0x40: {  	_ =	shalt  }
0x41: {  	_ =	shalt  }
0x42: {  	_ =	shalt  }
0x43: {  	_ =	shalt  }
0x44: {  	_ =	shalt  }
0x45: {  	_ =	shalt  }
0x46: {  	_ =	shalt  }
0x47: {  	_ =	shalt  }
0x48: {  	_ =	shalt  }
0x49: {  	_ =	shalt  }
0x4a: {  	_ =	shalt  }
0x4b: {  	_ =	shalt  }
0x4c: {  	_ =	shalt  }
0x4d: {  	_ =	shalt  }
0x4e: {  	_ =	shalt  }
0x4f: {  	_ =	shalt  }
0x50: {  	_ =	shalt  }
0x51: {  	_ =	shalt  }
0x52: {  	_ =	shalt  }
0x53: {  	_ =	shalt  }
0x54: {  	_ =	shalt  }
0x55: {  	_ =	shalt  }
0x56: {  	_ =	shalt  }
0x57: {  	_ =	shalt  }
0x58: {  	_ =	shalt  }
0x59: {  	_ =	shalt  }
0x5a: {  	_ =	shalt  }
0x5b: {  	_ =	shalt  }
0x5c: {  	_ =	shalt  }
0x5d: {  	_ =	shalt  }
0x5e: {  	_ =	shalt  }
0x5f: {  	_ =	shalt  }
0x60: {  	_ =	shalt  }
0x61: {  	_ =	shalt  }
0x62: {  	_ =	shalt  }
0x63: {  	_ =	shalt  }
0x64: {  	_ =	shalt  }
0x65: {  	_ =	shalt  }
0x66: {  	_ =	shalt  }
0x67: {  	_ =	shalt  }
0x68: {  	_ =	shalt  }
0x69: {  	_ =	shalt  }
0x6a: {  	_ =	shalt  }
0x6b: {  	_ =	shalt  }
0x6c: {  	_ =	shalt  }
0x6d: {  	_ =	shalt  }
0x6e: {  	_ =	shalt  }
0x6f: {  	_ =	shalt  }
0x70: {  	_ =	shalt  }
0x71: {  	_ =	shalt  }
0x72: {  	_ =	shalt  }
0x73: {  	_ =	shalt  }
0x74: {  	_ =	shalt  }
0x75: {  	_ =	shalt  }
0x76: {  	_ =	shalt  }
0x77: {  	_ =	shalt  }
0x78: {  	_ =	shalt  }
0x79: {  	_ =	shalt  }
0x7a: {  	_ =	shalt  }
0x7b: {  	_ =	shalt  }
0x7c: {  	_ =	shalt  }
0x7d: {  	_ =	shalt  }
0x7e: {  	_ =	shalt  }
0x7f: {  	_ =	shalt  }
0x80: {  	_ =	shalt  }
0x81: {  	_ =	shalt  }
0x82: {  	_ =	shalt  }
0x83: {  	_ =	shalt  }
0x84: {  	_ =	shalt  }
0x85: {  	_ =	shalt  }
0x86: {  	_ =	shalt  }
0x87: {  	_ =	shalt  }
.Lfunc_end0:
.L_simem_size_0:
called_computation.1_lowered:
.L_overlay_start_0:
0x88: {  	s2 =	sld [smem:$0x3FD9]  }
0x89: {  	s3 =	sld [smem:$0x3FFE];
	_ =	sdelay $0x1  }
0x8a: {  	s1 =	srdreg.scid  }
0x8b: {  	s0 =	sand.u32 $0x1, s1  }
0x8c: {  	s17 =	sshll.u32 s0, $0xA;
	s2 =	sadd.s32 s3, s2  }
0x8d: {  	s2 =	sadd.s32 s2, s17  }
0x8e: {  	[smem:$0x3FC1] =	sst s2  }
0x8f: {  	_ = 	snop  }
0x90: {  	s2 =	sld [smem:$0x3FD0];
	(tm) =	ssettm $0x1  }
0x91: {  	s18 =	sld [smem:$0x3FFB];
	_ =	sdelay $0x3  }
0x92: {  	_ =	strace s18  }
0x93: {  	s3 =	sld [smem:$0x3FFC];
	_ =	sdelay $0x3  }
0x94: {  	_ =	strace s3  }
0x95: {  	s3 =	sld [smem:$0x3FFD];
	_ =	sdelay $0x3  }
0x96: {  	_ =	strace s3  }
0x97: {  	_ =	strace $0x8FFFFFFF  }
0x98: {  	s19 =	sld [smem:$0x3FDB];
	_ =	sdelay $0x1  }
0x99: {  	s4 =	simm.s32 $_scs_section_size  }
0x9a: {  	s5 =	simm.s32 $_size__tile_overlayer_lowered;
	s6 =	simm.s32 $_tile_overlayer_lowered  }
0x9b: {  	s22 =	simm.s32 $0x1BFF;
	s21 =	sshll.u32 s6, $0x1;
	s3 =	sadd.s32 s4, s19  }
0x9c: {  	s7 =	simm.s32 $0x0;
	s20 =	sshll.u32 s5, $0x1;
	s5 =	sadd.s32 s21, s3  }
0x9d: {  	[timem:s7], [sflag:s22] =	dma.local [hbm:s5], s20  }
0x9e: {  	_ =	swait.ge [sflag:s22], s20  }
0x9f: {  	s4 =	ssub.s32 $0x0, s20;
	[sflag:s22] =	ssyncset.done $0x0  }
0xa0: {  	[sflag:s22] =	ssyncadd.s32 s4;
	_ =	sdelay $0x1  }
0xa1: {  	s23 =	simm.s32 $0x1B8B  }
0xa2: {  	_ =	swait.ge [sflag:s23], $0x1  }
0xa3: {  	[sflag:s23] =	ssyncset.done $0x0  }
0xa4: {  	s25 =	simm.s32 $0x1B8E;
	s24 =	sld [smem:$0x3FFE];
	[sflag:s23] =	ssyncadd.s32 $0xFFFFFFFF  }
0xa5: {  	s26 =	simm.s32 $execute0_lowered;
	[smem:$0x3FD2] =	sst s25  }
0xa6: {  	s5 =	sshll.u32 s26, $0x1;
	_ =	strace $0x80000049;
	[dreg:$0x1] =	wrdreg $0xFFFFFFFF  }
0xa7: {  	s28 =	simm.s32 $_size_execute0_lowered;
	s3 =	sadd.s32 s3, s5;
	[dreg:$0x0] =	wrdreg $0x0  }
0xa8: {  	s5 =	sshll.u32 s28, $0x1;
	[dreg:$0x2] =	wrdreg s3  }
0xa9: {  	[dreg:$0x3] =	wrdreg s5  }
0xaa: {  	[dreg:$0x4] =	wrdreg $0xC0  }
0xab: {  	_ =	task [dreg:s7], $0x5FFFF  }
0xac: {  	[dreg:$0x1] =	wrdreg $0xFFFFFFFF  }
0xad: {  	[dreg:$0x0] =	wrdreg $0x60  }
0xae: {  	[dreg:$0x2] =	wrdreg s2  }
0xaf: {  	[dreg:$0x3] =	wrdreg s24  }
0xb0: {  	[dreg:$0x4] =	wrdreg $0x81000  }
0xb1: {  	[dreg:$0x5] =	wrdreg $0x9  }
0xb2: {  	_ =	task.clear_ibuf [dreg:s7], $0x6FFFF;
	_ =	strace $0x90000049  }
0xb3: {  	s29 =	simm.s32 $0x9;
	_ =	strace $0x8000004B  }
0xb4: {  	_ =	swait.ge [sflag:s29], $0x1  }
0xb5: {  	[sflag:s29] =	ssyncadd.s32 $0xFFFFFFFF  }
0xb6: {  	_ =	strace $0x9000004B  }
0xb7: {  	_ =	sfence  }
0xb8: {  	s30 =	sld [smem:$0x0];
	_ =	sdelay $0x2  }
0xb9: {  	s31 =	sshll.u32 s1, $0xD;
	s1 =	sshrl.u32 s1, $0x2  }
0xba: {  	s3 =	sand.u32 $0x4000, s31;
	s1 =	sadd.s32 s1, s30  }
0xbb: {  	s0 =	sor.u32 s3, s0;
	s1 =	sshll.u32 s1, $0x11  }
0xbc: {  	s0 =	sor.u32 s1, s0  }
0xbd: {  	s0 =	sadd.s32 $0x8F2B, s0  }
0xbe: {  	[sflag:s0] =	ssyncadd.remote.s32 $0x1  }
0xbf: {  	_ =	sfence.sel $0xFFFF  }
0xc0: {  	[dreg:$0x0] =	wrdreg $0xFFFFFFFF;
	(pc) =	sbr.abs _section_cstart, $3  }
0xc1: {  	[dreg:$0x1] =	wrdreg $0xFFFFFFFF  }
0xc2: {  	_ =	task.clear_ibuf [dreg:s7], $0x2FFFF;
	_ =	strace $0x9FFFFFFF  }
0xc3: {  	(tm) =	ssettm $0x7FFFFFFF  }
tec
execute0_lowered:
.L_overlay_start_1:
0x0: {  	(tag) =	ssettag $0x1  }
0x1: {  	s14 =	rddreg [dreg:$0x0]  }
0x2: {  	s4 =	rddreg [dreg:$0x1];
	s1 =	stileid.u32  }
0x3: {  	s2 =	rddreg [dreg:$0x2];
	s5 =	smul.u32 $0x14000, s1  }
0x4: {  	s0 =	rddreg [dreg:$0x3];
	s9 =	smul.u32 $0x50000, s1  }
0x5: {  	s3 =	simm.s32 $0x0;
	s6 =	srdreg.scid;
	s13 =	smul.u32 $0x2800, s1  }
0x6: {  	s18 =	simm.s32 $0x1;
	s10 =	sand.u32 $0x1, s6;
	s28 =	smul.u32 $0x28000, s1  }
0x7: {  	[smem:$0x7FF] =	sst s3;
	s12 =	sadd.s32 $0xA34600, s4;
	s7 =	smul.u32 $0x140000, s10  }
0x8: {  	s22 =	sshll.u32 s1, $0x6;
	_ =	strace $0x8000004A;
	s8 =	smul.u32 $0x28000, s10  }
0x9: {  	s20 =	ssub.s32 $0x2, s10;
	s26 =	smul.u32 $0x280000, s10;
	s19 =	sshrl.u32 s5, $0x3  }
0xa: {  	s11 =	sshrl.u32 s20, $0x1;
	s21 =	sshrl.u32 s9, $0x2;
	s6 =	sadd.s32 s19, s4  }
0xb: {  	s5 =	sadd.s32 s5, s7;
	s11 =	ssub.s32 s20, s11;
	s13 =	sadd.s32 s13, s8  }
0xc: {  	s16 =	sadd.s32 s21, s2;
	s19 =	simm.s32 $0x3;
	s20 =	simm.s32 $0x80  }
0xd: {  	s21 =	simm.s32 $0x4100;
	s5 =	sshrl.u32 s5, $0x3;
	s23 =	sshrl.u32 s13, $0x3  }
0xe: {  	s24 =	sshll.u32 s13, $0x4;
	s8 =	sor.u32 $0x80, s13;
	s11 =	smax.u32 s11, $0x1  }
0xf: {  	s29 =	sor.u32 $0x180, s13;
	s13 =	sor.u32 $0x100, s13;
	s15 =	sadd.s32 s5, s4  }
0x10: {  	s4 =	sadd.s32 $0x2600, s6;
	s5 =	sor.u32 $0x1C07, s22;
	s6 =	sadd.s32 s14, s23  }
0x11: {  	s7 =	sadd.s32 s12, s24;
	s25 =	sshrl.u32 s8, $0x3;
	s17 =	sshll.u32 s8, $0x4  }
0x12: {  	s30 =	sshrl.u32 s29, $0x3;
	s31 =	sshrl.u32 s13, $0x3;
	s22 =	simm.s32 $0x2  }
0x13: {  	s23 =	simm.s32 $0x4;
	s24 =	simm.s32 $0x5;
	s8 =	sadd.s32 s14, s25  }
0x14: {  	s9 =	sadd.s32 s12, s17;
	s10 =	sadd.s32 $0x2A600, s15;
	s12 =	sadd.s32 s26, s12  }
0x15: {  	s13 =	sadd.s32 s30, s14;
	s14 =	sadd.s32 s31, s14;
	s15 =	sshrl.u32 s16, $0x3  }
0x16: {  	s16 =	simm.s32 $0x7;
	s17 =	simm.s32 $0x100;
	s12 =	sadd.s32 s28, s12  }
0x17: {  	s25 =	simm.s32 $0x6;
	s26 =	simm.s32 $0x0;
	s12 =	sadd.s32 $0x1800, s12  }
.LBB2_1:
0x18: {  	[spmem:s15], [sflag:s5] =	dma.local [hbm:s4], $0x2800  }
0x19: {  	_ =	swait.ge [sflag:s16], $0x2800  }
0x1a: {  	[sflag:s16] =	ssyncset.done $0x0  }
0x1b: {  	[sflag:s16] =	ssyncadd.s32 $0xFFFFD800  }
0x1c: {  	[bflag:$0x0] =	sbarrier.arrive $0xFFFF  }
0x1d: {  	[tilespmem:s3], [sflag:$0x1] =	stream.linear.gather [hbm4b:s6+s3], $0x80, $0x38;
	[tilespmem:$0x1C100] =	vst v63  }
0x1e: {  	_ = 	snop  }
0x1f: {  	[tilespmem:s17], [sflag:$0x3] =	stream.linear.gather [hbm4b:s7+s3], $0x4000, $0x38;
	[tilespmem:$0x1C100] =	vst v63  }
0x20: {  	_ =	swait.ge [sflag:s18], $0x80  }
0x21: {  	[sflag:s18] =	ssyncset.done $0x0  }
0x22: {  	[sflag:s18] =	ssyncadd.s32 $0xFFFFFF80  }
0x23: {  	_ =	swait.ge [sflag:s19], $0x4000  }
0x24: {  	[sflag:s19] =	ssyncset.done $0x0  }
0x25: {  	[sflag:s19] =	ssyncadd.s32 $0xFFFFC000  }
0x26: {  	[tilespmem:s20], [sflag:$0x2] =	stream.linear.gather [hbm4b:s8+s3], $0x80, $0x38;
	[tilespmem:$0x1C100] =	vst v63  }
0x27: {  	_ = 	snop  }
0x28: {  	[tilespmem:s21], [sflag:$0x4] =	stream.linear.gather [hbm4b:s9+s3], $0x4000, $0x38;
	[tilespmem:$0x1C100] =	vst v63  }
0x29: {  	_ = 	snop  }
0x2a: {  	[spmem:s2] =	stream.indirect.scatter.add.f32 [tilespmem:s17], [sflag:$0x5], $0x80, s3, s20, $0xb8;
	[tilespmem:$0x1C100] =	vst v63  }
0x2b: {  	_ =	swait.ge [sflag:s22], $0x80  }
0x2c: {  	[sflag:s22] =	ssyncset.done $0x0  }
0x2d: {  	[sflag:s22] =	ssyncadd.s32 $0xFFFFFF80  }
0x2e: {  	_ =	swait.ge [sflag:s23], $0x4000  }
0x2f: {  	[sflag:s23] =	ssyncset.done $0x0  }
0x30: {  	[sflag:s23] =	ssyncadd.s32 $0xFFFFC000  }
0x31: {  	_ =	swait.ge [sflag:s24], $0x4000  }
0x32: {  	[sflag:s24] =	ssyncset.done $0x0  }
0x33: {  	s28 =	sadd.s32 $0x0, s14;
	[sflag:s24] =	ssyncadd.s32 $0xFFFFC000  }
0x34: {  	[tilespmem:s3], [sflag:$0x1] =	stream.linear.gather [hbm4b:s28+s3], $0x80, $0x38;
	[tilespmem:$0x1C100] =	vst v63  }
0x35: {  	s28 =	sadd.s32 $0xFFFFF800, s12  }
0x36: {  	[tilespmem:s17], [sflag:$0x3] =	stream.linear.gather [hbm4b:s28+s3], $0x4000, $0x38;
	[tilespmem:$0x1C100] =	vst v63  }
0x37: {  	_ = 	snop  }
0x38: {  	[spmem:s2] =	stream.indirect.scatter.add.f32 [tilespmem:s21], [sflag:$0x6], $0x80, s20, s20, $0xb8;
	[tilespmem:$0x1C100] =	vst v63  }
0x39: {  	_ =	swait.ge [sflag:s18], $0x80  }
0x3a: {  	[sflag:s18] =	ssyncset.done $0x0  }
0x3b: {  	[sflag:s18] =	ssyncadd.s32 $0xFFFFFF80  }
0x3c: {  	_ =	swait.ge [sflag:s19], $0x4000  }
0x3d: {  	[sflag:s19] =	ssyncset.done $0x0  }
0x3e: {  	[sflag:s19] =	ssyncadd.s32 $0xFFFFC000  }
0x3f: {  	_ =	swait.ge [sflag:s25], $0x4000  }
0x40: {  	[sflag:s25] =	ssyncset.done $0x0  }
0x41: {  	s28 =	sadd.s32 $0x0, s13;
	[sflag:s25] =	ssyncadd.s32 $0xFFFFC000  }
0x42: {  	[tilespmem:s20], [sflag:$0x2] =	stream.linear.gather [hbm4b:s28+s3], $0x80, $0x38;
	[tilespmem:$0x1C100] =	vst v63  }
0x43: {  	s29 =	sadd.s32 $0x1000, s12;
	s28 =	simm.s32 $0x20  }
0x44: {  	[tilespmem:s21], [sflag:$0x4] =	stream.linear.gather [hbm4b:s12+s3], $0x4000, $0x38;
	[tilespmem:$0x1C100] =	vst v63  }
.LBB2_2:
0x45: {  	[spmem:s2] =	stream.indirect.scatter.add.f32 [tilespmem:s17], [sflag:$0x5], $0x80, s3, s20, $0xb8;
	[tilespmem:$0x1C100] =	vst v63  }
0x46: {  	s30 =	smov.u32 s28  }
0x47: {  	p0 =	sne.s32 s28, $0x4C0;
	s28 =	sadd.s32 $0x20, s28;
	_ =	swait.ge [sflag:s22], $0x80  }
0x48: {  	[sflag:s22] =	ssyncset.done $0x0  }
0x49: {  	[sflag:s22] =	ssyncadd.s32 $0xFFFFFF80  }
0x4a: {  	_ =	swait.ge [sflag:s23], $0x4000  }
0x4b: {  	[sflag:s23] =	ssyncset.done $0x0  }
0x4c: {  	[sflag:s23] =	ssyncadd.s32 $0xFFFFC000  }
0x4d: {  	_ =	swait.ge [sflag:s24], $0x4000  }
0x4e: {  	[sflag:s24] =	ssyncset.done $0x0  }
0x4f: {  	s31 =	sadd.s32 s30, s14;
	[sflag:s24] =	ssyncadd.s32 $0xFFFFC000  }
0x50: {  	[tilespmem:s3], [sflag:$0x1] =	stream.linear.gather [hbm4b:s31+s3], $0x80, $0x38;
	[tilespmem:$0x1C100] =	vst v63  }
0x51: {  	s31 =	sadd.s32 $0xFFFFF800, s29  }
0x52: {  	[tilespmem:s17], [sflag:$0x3] =	stream.linear.gather [hbm4b:s31+s3], $0x4000, $0x38;
	[tilespmem:$0x1C100] =	vst v63  }
0x53: {  	_ = 	snop  }
0x54: {  	[spmem:s2] =	stream.indirect.scatter.add.f32 [tilespmem:s21], [sflag:$0x6], $0x80, s20, s20, $0xb8;
	[tilespmem:$0x1C100] =	vst v63  }
0x55: {  	_ =	swait.ge [sflag:s18], $0x80  }
0x56: {  	[sflag:s18] =	ssyncset.done $0x0  }
0x57: {  	[sflag:s18] =	ssyncadd.s32 $0xFFFFFF80  }
0x58: {  	_ =	swait.ge [sflag:s19], $0x4000  }
0x59: {  	[sflag:s19] =	ssyncset.done $0x0  }
0x5a: {  	[sflag:s19] =	ssyncadd.s32 $0xFFFFC000  }
0x5b: {  	_ =	swait.ge [sflag:s25], $0x4000  }
0x5c: {  	[sflag:s25] =	ssyncset.done $0x0  }
.Ltmp0:
0x5d: {  	s30 =	sadd.s32 s30, s13;
	[sflag:s25] =	ssyncadd.s32 $0xFFFFC000;
	(pc) =	sbr.rel @p0 .LBB2_2-.Ltmp0, $4  }
0x5e: {  	[tilespmem:s20], [sflag:$0x2] =	stream.linear.gather [hbm4b:s30+s3], $0x80, $0x38;
	[tilespmem:$0x1C100] =	vst v63  }
0x5f: {  	_ = 	snop  }
0x60: {  	[tilespmem:s21], [sflag:$0x4] =	stream.linear.gather [hbm4b:s29+s3], $0x4000, $0x38;
	[tilespmem:$0x1C100] =	vst v63  }
0x61: {  	s29 =	sadd.s32 $0x1000, s29  }
0x62: {  	[spmem:s2] =	stream.indirect.scatter.add.f32 [tilespmem:s17], [sflag:$0x5], $0x80, s3, s20, $0xb8;
	[tilespmem:$0x1C100] =	vst v63  }
0x63: {  	_ =	swait.ge [sflag:s22], $0x80  }
0x64: {  	[sflag:s22] =	ssyncset.done $0x0  }
0x65: {  	[sflag:s22] =	ssyncadd.s32 $0xFFFFFF80  }
0x66: {  	_ =	swait.ge [sflag:s23], $0x4000  }
0x67: {  	[sflag:s23] =	ssyncset.done $0x0  }
0x68: {  	[sflag:s23] =	ssyncadd.s32 $0xFFFFC000  }
0x69: {  	_ =	swait.ge [sflag:s24], $0x4000  }
0x6a: {  	[sflag:s24] =	ssyncset.done $0x0  }
0x6b: {  	[sflag:s24] =	ssyncadd.s32 $0xFFFFC000  }
0x6c: {  	[spmem:s2] =	stream.indirect.scatter.add.f32 [tilespmem:s21], [sflag:$0x6], $0x80, s20, s20, $0xb8;
	[tilespmem:$0x1C100] =	vst v63  }
0x6d: {  	_ =	swait.ge [sflag:s25], $0x4000  }
0x6e: {  	s26 =	sadd.s32 $0x1, s26;
	[sflag:s25] =	ssyncset.done $0x0  }
0x6f: {  	p0 =	sne.s32 s26, s11;
	[sflag:s25] =	ssyncadd.s32 $0xFFFFC000  }
.Ltmp1:
0x70: {  	[bflag:$0x0] =	sbarrier.arrive $0xFFFF;
	(pc) =	sbr.rel @p0 .LBB2_1-.Ltmp1, $4  }
0x71: {  	[hbm:s10], [sflag:s5] =	dma.local [spmem:s15], $0x2800  }
0x72: {  	_ =	swait.ge [sflag:s16], $0x2800  }
0x73: {  	[sflag:s16] =	ssyncset.done $0x0  }
0x74: {  	[sflag:s16] =	ssyncadd.s32 $0xFFFFD800  }
0x75: {  	_ =	sfence.sel $0x180000  }
0x76: {  	[bflag:$0x0] =	sbarrier.arrive $0xFFFF  }
0x77: {  	p0 =	sne.s32 s1, $0x0;
	_ =	strace $0x9000004A  }
0x78: {  	s0 =	sadd.s32 @!p0 $0x100000, s0;
	[bflag:$0x2] =	sbarrier.arrive $0xFFFF  }
0x79: {  	[sflag:s0] =	ssyncadd.tile.s32 @!p0 $0x1;
	_ =	shalt  }
.Lfunc_end2:
_tile_overlayer_lowered:
.L_overlay_start_2:
0x7a: {  	(tag) =	ssettag $0x2  }
0x7b: {  	s0 =	rddreg [dreg:$0x0];
	s2 =	stileid.u32  }
0x7c: {  	s1 =	rddreg [dreg:$0x1];
	p0 =	sne.s32 s2, $0x0  }
0x7d: {  	s3 =	rddreg [dreg:$0x2];
	[bflag:$0x3] =	sbarrier.arrive $0xFFFF;
	s2 =	simm.s32 @!p0 $0x1C07  }
0x7e: {  	[timem:s3], [sflag:s2] =	dma.local @!p0 [hbm:s0], s1  }
0x7f: {  	s0 =	simm.s32 @!p0 $0x7  }
0x80: {  	_ =	swait.ge @!p0 [sflag:s0], s1  }
0x81: {  	s1 =	ssub.s32 @!p0 $0x0, s1;
	[sflag:s0] =	ssyncset.done @!p0 $0x0  }
0x82: {  	[sflag:s0] =	ssyncadd.s32 @!p0 s1  }
0x83: {  	[bflag:$0x3] =	sbarrier.arrive $0xFFFF  }
0x84: {  	_ =	shalt  }

// kernel: kernel.16.cloned.1.call-start
scs
__scs_entry_jumppad:
0x0: {  	(pc) =	sbr.rel $0x88, $3  }
0x1: {  	(tag) =	ssettag $0x0;
	lr =	simm.s32 $0x1  }
0x2: {  	[smem:$0x3F9A] =	sst lr;
	_ =	strace $0xD0000000  }
0x3: {  	_ = 	snop  }
0x4: {  	_ = 	snop  }
0x5: {  	_ = 	snop  }
0x6: {  	_ = 	snop  }
0x7: {  	_ = 	snop  }
__scs_overlays_trampoline_lowered:
0x8: {  	[smem:$0x3FA9] =	sst s0  }
0x9: {  	[smem:$0x3FAA] =	sst s1  }
0xa: {  	[smem:$0x3FAB] =	sst s2  }
0xb: {  	[smem:$0x3FAC] =	sst s3  }
0xc: {  	[smem:$0x3FAD] =	sst s4  }
0xd: {  	[smem:$0x3FAE] =	sst s5  }
0xe: {  	[smem:$0x3FAF] =	sst s6  }
0xf: {  	[smem:$0x3FB0] =	sst s7  }
0x10: {  	[smem:$0x3FB1] =	sst s8  }
0x11: {  	[smem:$0x3FB2] =	sst s9;
	s0 =	simm.s32 @!p0 $0x0  }
0x12: {  	s1 =	sld [smem:$0x3F98];
	s0 =	simm.s32 @p0 $0x1  }
0x13: {  	[smem:$0x3FB3] =	sst s0;
	s0 =	simm.s32 @!p1 $0x0  }
0x14: {  	s2 =	sld [smem:$0x3F97];
	s0 =	simm.s32 @p1 $0x1  }
0x15: {  	[smem:$0x3FB4] =	sst s0;
	s0 =	simm.s32 @!p2 $0x0  }
0x16: {  	s3 =	sld [smem:$0x3FDB];
	s0 =	simm.s32 @p2 $0x1  }
0x17: {  	s4 =	simm.s32 $0x1BF5;
	[smem:$0x3FB6] =	sst s0  }
0x18: {  	s0 =	sld [smem:$0x3F99];
	_ =	swait.ge [sflag:s4], $0x0  }
0x19: {  	s7 =	sld [smem:$0x3F9A]  }
0x1a: {  	s8 =	sadd.s32 $0xFFFFE003, lr  }
0x1b: {  	s9 =	sadd.s32 $0xFFFFFEF7, lr;
	s5 =	simm.s32 $0xFFFFFFFF;
	p2 =	slt.u32 s8, $0xFFFFF086  }
0x1c: {  	p1 =	slt.u32 s9, $0xF7A;
	s5 =	simm.s32 @!p2 $0x0  }
0x1d: {  	s5 =	simm.s32 @p1 $0x1;
	p0 =	seq.s32 s7, s2  }
0x1e: {  	s7 =	smul.u32 @!p0 $0xF7A, s2;
	p2 =	seq.s32 @!p0 s5, $0x0  }
0x1f: {  	s9 =	smul.u32 $0xF7A, s1;
	s8 =	simm.s32 @!p0 $0x1BF5;
	p2 =	por !p2, p0  }
0x20: {  	[sflag:s8] =	ssyncset.s32 @!p0 $0xFFFFF086;
	s6 =	sadd.s32 @!p0 s3, s7;
	s7 =	simm.s32 @!p0 $0x108  }
0x21: {  	s3 =	sadd.s32 s3, s9;
	s6 =	sadd.s32 @!p0 $0x88, s6;
	s7 =	simm.s32 @p2 $0x1082  }
0x22: {  	[simem:s7], [sflag:s8] =	dma.local @!p0 [hbm:s6], $0xF7A  }
0x23: {  	s9 =	sor.u32 $0xD0000000, s2;
	s6 =	simm.s32 $0x108;
	_ =	swait.ge @!p0 [sflag:s8], $0x0  }
0x24: {  	s3 =	sadd.s32 $0x88, s3;
	s6 =	simm.s32 @!p1 $0x1082;
	[sflag:s4] =	ssyncset.s32 $0xFFFFF086  }
0x25: {  	[simem:s6], [sflag:s4] =	dma.local [hbm:s3], $0xF7A  }
0x26: {  	[smem:$0x3F9A] =	sst s1;
	(tag) =	ssettag s2;
	_ =	strace s9  }
0x27: {  	s1 =	sld [smem:$0x3FAA]  }
0x28: {  	s2 =	sld [smem:$0x3FAB]  }
0x29: {  	s4 =	sld [smem:$0x3FAD]  }
0x2a: {  	p0 =	seq.s32 s5, $0x0;
	s5 =	sld [smem:$0x3FAE]  }
0x2b: {  	s6 =	sld [smem:$0x3FAF]  }
0x2c: {  	s7 =	sld [smem:$0x3FB0]  }
0x2d: {  	s3 =	simm.s32 $0x108;
	s8 =	sld [smem:$0x3FB1]  }
0x2e: {  	s3 =	simm.s32 @!p0 $0x1082;
	s9 =	sld [smem:$0x3FB2]  }
0x2f: {  	lr =	sadd.s32 s0, s3;
	s0 =	sld [smem:$0x3FA9]  }
0x30: {  	s3 =	sld [smem:$0x3FAC]  }
0x31: {  	[smem:$0x3FB5] =	sst s10  }
0x32: {  	s10 =	sld [smem:$0x3FB3];
	_ =	sdelay $0x3  }
0x33: {  	p0 =	seq.s32 s10, $0x1;
	s10 =	sld [smem:$0x3FB5];
	_ =	sdelay $0x3  }
0x34: {  	[smem:$0x3FB5] =	sst s10  }
0x35: {  	s10 =	sld [smem:$0x3FB4];
	_ =	sdelay $0x3  }
0x36: {  	p1 =	seq.s32 s10, $0x1;
	s10 =	sld [smem:$0x3FB5];
	_ =	sdelay $0x3  }
0x37: {  	[smem:$0x3FB5] =	sst s10  }
0x38: {  	s10 =	sld [smem:$0x3FB6]  }
0x39: {  	_ = 	snop;
	(pc) =	sbr.ind lr, $3  }
0x3a: {  	_ = 	snop  }
0x3b: {  	_ = 	snop  }
0x3c: {  	p2 =	seq.s32 s10, $0x1;
	s10 =	sld [smem:$0x3FB5]  }
0x3d: {  	_ =	shalt  }
0x3e: {  	_ =	shalt  }
0x3f: {  	_ =	shalt  }
0x40: {  	_ =	shalt  }
0x41: {  	_ =	shalt  }
0x42: {  	_ =	shalt  }
0x43: {  	_ =	shalt  }
0x44: {  	_ =	shalt  }
0x45: {  	_ =	shalt  }
0x46: {  	_ =	shalt  }
0x47: {  	_ =	shalt  }
0x48: {  	_ =	shalt  }
0x49: {  	_ =	shalt  }
0x4a: {  	_ =	shalt  }
0x4b: {  	_ =	shalt  }
0x4c: {  	_ =	shalt  }
0x4d: {  	_ =	shalt  }
0x4e: {  	_ =	shalt  }
0x4f: {  	_ =	shalt  }
0x50: {  	_ =	shalt  }
0x51: {  	_ =	shalt  }
0x52: {  	_ =	shalt  }
0x53: {  	_ =	shalt  }
0x54: {  	_ =	shalt  }
0x55: {  	_ =	shalt  }
0x56: {  	_ =	shalt  }
0x57: {  	_ =	shalt  }
0x58: {  	_ =	shalt  }
0x59: {  	_ =	shalt  }
0x5a: {  	_ =	shalt  }
0x5b: {  	_ =	shalt  }
0x5c: {  	_ =	shalt  }
0x5d: {  	_ =	shalt  }
0x5e: {  	_ =	shalt  }
0x5f: {  	_ =	shalt  }
0x60: {  	_ =	shalt  }
0x61: {  	_ =	shalt  }
0x62: {  	_ =	shalt  }
0x63: {  	_ =	shalt  }
0x64: {  	_ =	shalt  }
0x65: {  	_ =	shalt  }
0x66: {  	_ =	shalt  }
0x67: {  	_ =	shalt  }
0x68: {  	_ =	shalt  }
0x69: {  	_ =	shalt  }
0x6a: {  	_ =	shalt  }
0x6b: {  	_ =	shalt  }
0x6c: {  	_ =	shalt  }
0x6d: {  	_ =	shalt  }
0x6e: {  	_ =	shalt  }
0x6f: {  	_ =	shalt  }
0x70: {  	_ =	shalt  }
0x71: {  	_ =	shalt  }
0x72: {  	_ =	shalt  }
0x73: {  	_ =	shalt  }
0x74: {  	_ =	shalt  }
0x75: {  	_ =	shalt  }
0x76: {  	_ =	shalt  }
0x77: {  	_ =	shalt  }
0x78: {  	_ =	shalt  }
0x79: {  	_ =	shalt  }
0x7a: {  	_ =	shalt  }
0x7b: {  	_ =	shalt  }
0x7c: {  	_ =	shalt  }
0x7d: {  	_ =	shalt  }
0x7e: {  	_ =	shalt  }
0x7f: {  	_ =	shalt  }
0x80: {  	_ =	shalt  }
0x81: {  	_ =	shalt  }
0x82: {  	_ =	shalt  }
0x83: {  	_ =	shalt  }
0x84: {  	_ =	shalt  }
0x85: {  	_ =	shalt  }
0x86: {  	_ =	shalt  }
0x87: {  	_ =	shalt  }
.Lfunc_end0:
.L_simem_size_0:
called_computation.2_lowered:
.L_overlay_start_0:
0x88: {  	s2 =	sld [smem:$0x3FD9]  }
0x89: {  	s3 =	sld [smem:$0x3FFE];
	_ =	sdelay $0x1  }
0x8a: {  	s1 =	srdreg.scid  }
0x8b: {  	s0 =	sand.u32 $0x1, s1  }
0x8c: {  	s17 =	sshll.u32 s0, $0xA;
	s2 =	sadd.s32 s3, s2  }
0x8d: {  	s2 =	sadd.s32 s2, s17  }
0x8e: {  	[smem:$0x3FC1] =	sst s2  }
0x8f: {  	_ = 	snop  }
0x90: {  	s18 =	sld [smem:$0x3FD0];
	(tm) =	ssettm $0x1  }
0x91: {  	s19 =	sld [smem:$0x3FFB];
	_ =	sdelay $0x3  }
0x92: {  	_ =	strace s19  }
0x93: {  	s2 =	sld [smem:$0x3FFC];
	_ =	sdelay $0x3  }
0x94: {  	_ =	strace s2  }
0x95: {  	s2 =	sld [smem:$0x3FFD];
	_ =	sdelay $0x3  }
0x96: {  	_ =	strace s2  }
0x97: {  	_ =	strace $0x8FFFFFFF  }
0x98: {  	s20 =	sld [smem:$0x3FDB];
	_ =	sdelay $0x1  }
0x99: {  	s4 =	simm.s32 $_scs_section_size  }
0x9a: {  	s5 =	simm.s32 $_size__tile_overlayer_lowered;
	s6 =	simm.s32 $_tile_overlayer_lowered  }
0x9b: {  	s7 =	simm.s32 $0x1BFF;
	s21 =	sshll.u32 s6, $0x1;
	s4 =	sadd.s32 s4, s20  }
0x9c: {  	s22 =	simm.s32 $0x0;
	s5 =	sshll.u32 s5, $0x1;
	s6 =	sadd.s32 s21, s4  }
0x9d: {  	[timem:s22], [sflag:s7] =	dma.local [hbm:s6], s5  }
0x9e: {  	_ =	swait.ge [sflag:s7], s5  }
0x9f: {  	s5 =	ssub.s32 $0x0, s5;
	[sflag:s7] =	ssyncset.done $0x0  }
0xa0: {  	[sflag:s7] =	ssyncadd.s32 s5;
	_ =	sdelay $0x1  }
0xa1: {  	s23 =	simm.s32 $0x1B8B  }
0xa2: {  	_ =	swait.ge [sflag:s23], $0x1  }
0xa3: {  	[sflag:s23] =	ssyncset.done $0x0  }
0xa4: {  	[sflag:s23] =	ssyncadd.s32 $0xFFFFFFFF  }
0xa5: {  	s5 =	sld [smem:$0x0]  }
0xa6: {  	s6 =	sand.u32 $0xFFFFFFFE, s1  }
0xa7: {  	p0 =	sne.s32 s1, s6  }
0xa8: {  	s6 =	sshll.u32 @p0 s6, $0xE  }
0xa9: {  	s6 =	sadd.s32 @p0 $0x11B8D, s6;
	s7 =	sshll.u32 @p0 s5, $0x11  }
0xaa: {  	s6 =	sor.u32 @p0 s7, s6  }
0xab: {  	[sflag:s6] =	ssyncadd.remote.s32 @p0 $0x1;
	_ =	sdelay $0x1  }
0xac: {  	s6 =	simm.s32 @p0 $0x1B8D  }
0xad: {  	_ =	swait.eq @p0 [sflag:s6], $0x1  }
0xae: {  	[sflag:s6] =	ssyncadd.s32 @p0 $0xFFFFFFFF  }
0xaf: {  	s7 =	sshll.u32 @!p0 s1, $0xE  }
0xb0: {  	s7 =	sor.u32 @!p0 $0x4000, s7;
	s6 =	simm.s32 @!p0 $0x1B8D  }
0xb1: {  	s5 =	sshll.u32 @!p0 s5, $0x11;
	s7 =	sadd.s32 @!p0 $0x11B8D, s7;
	_ =	swait.eq @!p0 [sflag:s6], $0x1  }
0xb2: {  	s5 =	sor.u32 @!p0 s5, s7;
	[sflag:s6] =	ssyncadd.s32 @!p0 $0xFFFFFFFF  }
0xb3: {  	s25 =	simm.s32 $0x1B8E;
	s24 =	sld [smem:$0x3FFE];
	[sflag:s5] =	ssyncadd.remote.s32 @!p0 $0x1  }
0xb4: {  	s26 =	simm.s32 $execute0_lowered;
	[smem:$0x3FD2] =	sst s25  }
0xb5: {  	s6 =	sshll.u32 s26, $0x1;
	_ =	strace $0x8000004C;
	[dreg:$0x1] =	wrdreg $0xFFFFFFFF  }
0xb6: {  	s28 =	simm.s32 $_size_execute0_lowered;
	s4 =	sadd.s32 s4, s6;
	[dreg:$0x0] =	wrdreg $0x0  }
0xb7: {  	s6 =	sshll.u32 s28, $0x1;
	[dreg:$0x2] =	wrdreg s4  }
0xb8: {  	[dreg:$0x3] =	wrdreg s6  }
0xb9: {  	[dreg:$0x4] =	wrdreg $0xC0  }
0xba: {  	_ =	task [dreg:s22], $0x5FFFF  }
0xbb: {  	[dreg:$0x1] =	wrdreg $0xFFFFFFFF  }
0xbc: {  	[dreg:$0x0] =	wrdreg $0x60  }
0xbd: {  	[dreg:$0x2] =	wrdreg s18  }
0xbe: {  	[dreg:$0x3] =	wrdreg s24  }
0xbf: {  	[dreg:$0x4] =	wrdreg $0x81000  }
0xc0: {  	[dreg:$0x5] =	wrdreg $0xA  }
0xc1: {  	_ =	task.clear_ibuf [dreg:s22], $0x6FFFF;
	_ =	strace $0x9000004C  }
0xc2: {  	s29 =	simm.s32 $0xA;
	_ =	strace $0x8000004E  }
0xc3: {  	_ =	swait.ge [sflag:s29], $0x1  }
0xc4: {  	[sflag:s29] =	ssyncadd.s32 $0xFFFFFFFF  }
0xc5: {  	_ =	strace $0x9000004E  }
0xc6: {  	_ =	sfence  }
0xc7: {  	s30 =	sld [smem:$0x0];
	_ =	sdelay $0x2  }
0xc8: {  	s31 =	sshll.u32 s1, $0xD;
	s1 =	sshrl.u32 s1, $0x2  }
0xc9: {  	s4 =	sand.u32 $0x4000, s31;
	s1 =	sadd.s32 s1, s30  }
0xca: {  	s0 =	sor.u32 s4, s0;
	s1 =	sshll.u32 s1, $0x11  }
0xcb: {  	s0 =	sor.u32 s1, s0  }
0xcc: {  	s0 =	sadd.s32 $0x8F2B, s0  }
0xcd: {  	[sflag:s0] =	ssyncadd.remote.s32 $0x1  }
0xce: {  	_ =	sfence.sel $0xFFFF  }
0xcf: {  	[dreg:$0x0] =	wrdreg $0xFFFFFFFF;
	(pc) =	sbr.abs _section_cstart, $3  }
0xd0: {  	[dreg:$0x1] =	wrdreg $0xFFFFFFFF  }
0xd1: {  	_ =	task.clear_ibuf [dreg:s22], $0x2FFFF;
	_ =	strace $0x9FFFFFFF  }
0xd2: {  	(tm) =	ssettm $0x7FFFFFFF  }
0xd3: {  	_ =	shalt  }
tec
execute0_lowered:
.L_overlay_start_1:
0x0: {  	(tag) =	ssettag $0x1  }
0x1: {  	s14 =	rddreg [dreg:$0x0]  }
0x2: {  	s4 =	rddreg [dreg:$0x1];
	s1 =	stileid.u32  }
0x3: {  	s2 =	rddreg [dreg:$0x2];
	s5 =	smul.u32 $0x14000, s1  }
0x4: {  	s0 =	rddreg [dreg:$0x3];
	s9 =	smul.u32 $0x50000, s1  }
0x5: {  	s3 =	simm.s32 $0x0;
	s6 =	srdreg.scid;
	s13 =	smul.u32 $0x2800, s1  }
0x6: {  	s18 =	simm.s32 $0x1;
	s10 =	sand.u32 $0x1, s6;
	s28 =	smul.u32 $0x28000, s1  }
0x7: {  	[smem:$0x7FF] =	sst s3;
	s12 =	sadd.s32 $0xF34600, s4;
	s7 =	smul.u32 $0x140000, s10  }
0x8: {  	s22 =	sshll.u32 s1, $0x6;
	_ =	strace $0x8000004D;
	s8 =	smul.u32 $0x28000, s10  }
0x9: {  	s20 =	ssub.s32 $0x2, s10;
	s26 =	smul.u32 $0x280000, s10;
	s19 =	sshrl.u32 s5, $0x3  }
0xa: {  	s11 =	sshrl.u32 s20, $0x1;
	s21 =	sshrl.u32 s9, $0x2;
	s6 =	sadd.s32 s19, s4  }
0xb: {  	s5 =	sadd.s32 s5, s7;
	s11 =	ssub.s32 s20, s11;
	s13 =	sadd.s32 s13, s8  }
0xc: {  	s16 =	sadd.s32 s21, s2;
	s19 =	simm.s32 $0x3;
	s20 =	simm.s32 $0x80  }
0xd: {  	s21 =	simm.s32 $0x4100;
	s5 =	sshrl.u32 s5, $0x3;
	s23 =	sshrl.u32 s13, $0x3  }
0xe: {  	s24 =	sshll.u32 s13, $0x4;
	s8 =	sor.u32 $0x80, s13;
	s11 =	smax.u32 s11, $0x1  }
0xf: {  	s29 =	sor.u32 $0x180, s13;
	s13 =	sor.u32 $0x100, s13;
	s15 =	sadd.s32 s5, s4  }
0x10: {  	s4 =	sadd.s32 $0x2600, s6;
	s5 =	sor.u32 $0x1C07, s22;
	s6 =	sadd.s32 s14, s23  }
0x11: {  	s7 =	sadd.s32 s12, s24;
	s25 =	sshrl.u32 s8, $0x3;
	s17 =	sshll.u32 s8, $0x4  }
0x12: {  	s30 =	sshrl.u32 s29, $0x3;
	s31 =	sshrl.u32 s13, $0x3;
	s22 =	simm.s32 $0x2  }
0x13: {  	s23 =	simm.s32 $0x4;
	s24 =	simm.s32 $0x5;
	s8 =	sadd.s32 s14, s25  }
0x14: {  	s9 =	sadd.s32 s12, s17;
	s10 =	sadd.s32 $0x7A600, s15;
	s12 =	sadd.s32 s26, s12  }
0x15: {  	s13 =	sadd.s32 s30, s14;
	s14 =	sadd.s32 s31, s14;
	s15 =	sshrl.u32 s16, $0x3  }
0x16: {  	s16 =	simm.s32 $0x7;
	s17 =	simm.s32 $0x100;
	s12 =	sadd.s32 s28, s12  }
0x17: {  	s25 =	simm.s32 $0x6;
	s26 =	simm.s32 $0x0;
	s12 =	sadd.s32 $0x1800, s12  }
.LBB2_1:
0x18: {  	[spmem:s15], [sflag:s5] =	dma.local [hbm:s4], $0x2800  }
0x19: {  	_ =	swait.ge [sflag:s16], $0x2800  }
0x1a: {  	[sflag:s16] =	ssyncset.done $0x0  }
0x1b: {  	[sflag:s16] =	ssyncadd.s32 $0xFFFFD800  }
0x1c: {  	[bflag:$0x0] =	sbarrier.arrive $0xFFFF  }
0x1d: {  	[tilespmem:s3], [sflag:$0x1] =	stream.linear.gather [hbm4b:s6+s3], $0x80, $0x38;
	[tilespmem:$0x1C100] =	vst v63  }
0x1e: {  	_ = 	snop  }
0x1f: {  	[tilespmem:s17], [sflag:$0x3] =	stream.linear.gather [hbm4b:s7+s3], $0x4000, $0x38;
	[tilespmem:$0x1C100] =	vst v63  }
0x20: {  	_ =	swait.ge [sflag:s18], $0x80  }
0x21: {  	[sflag:s18] =	ssyncset.done $0x0  }
0x22: {  	[sflag:s18] =	ssyncadd.s32 $0xFFFFFF80  }
0x23: {  	_ =	swait.ge [sflag:s19], $0x4000  }
0x24: {  	[sflag:s19] =	ssyncset.done $0x0  }
0x25: {  	[sflag:s19] =	ssyncadd.s32 $0xFFFFC000  }
0x26: {  	[tilespmem:s20], [sflag:$0x2] =	stream.linear.gather [hbm4b:s8+s3], $0x80, $0x38;
	[tilespmem:$0x1C100] =	vst v63  }
0x27: {  	_ = 	snop  }
0x28: {  	[tilespmem:s21], [sflag:$0x4] =	stream.linear.gather [hbm4b:s9+s3], $0x4000, $0x38;
	[tilespmem:$0x1C100] =	vst v63  }
0x29: {  	_ = 	snop  }
0x2a: {  	[spmem:s2] =	stream.indirect.scatter.add.f32 [tilespmem:s17], [sflag:$0x5], $0x80, s3, s20, $0xb8;
	[tilespmem:$0x1C100] =	vst v63  }
0x2b: {  	_ =	swait.ge [sflag:s22], $0x80  }
0x2c: {  	[sflag:s22] =	ssyncset.done $0x0  }
0x2d: {  	[sflag:s22] =	ssyncadd.s32 $0xFFFFFF80  }
0x2e: {  	_ =	swait.ge [sflag:s23], $0x4000  }
0x2f: {  	[sflag:s23] =	ssyncset.done $0x0  }
0x30: {  	[sflag:s23] =	ssyncadd.s32 $0xFFFFC000  }
0x31: {  	_ =	swait.ge [sflag:s24], $0x4000  }
0x32: {  	[sflag:s24] =	ssyncset.done $0x0  }
0x33: {  	s28 =	sadd.s32 $0x0, s14;
	[sflag:s24] =	ssyncadd.s32 $0xFFFFC000  }
0x34: {  	[tilespmem:s3], [sflag:$0x1] =	stream.linear.gather [hbm4b:s28+s3], $0x80, $0x38;
	[tilespmem:$0x1C100] =	vst v63  }
0x35: {  	s28 =	sadd.s32 $0xFFFFF800, s12  }
0x36: {  	[tilespmem:s17], [sflag:$0x3] =	stream.linear.gather [hbm4b:s28+s3], $0x4000, $0x38;
	[tilespmem:$0x1C100] =	vst v63  }
0x37: {  	_ = 	snop  }
0x38: {  	[spmem:s2] =	stream.indirect.scatter.add.f32 [tilespmem:s21], [sflag:$0x6], $0x80, s20, s20, $0xb8;
	[tilespmem:$0x1C100] =	vst v63  }
0x39: {  	_ =	swait.ge [sflag:s18], $0x80  }
0x3a: {  	[sflag:s18] =	ssyncset.done $0x0  }
0x3b: {  	[sflag:s18] =	ssyncadd.s32 $0xFFFFFF80  }
0x3c: {  	_ =	swait.ge [sflag:s19], $0x4000  }
0x3d: {  	[sflag:s19] =	ssyncset.done $0x0  }
0x3e: {  	[sflag:s19] =	ssyncadd.s32 $0xFFFFC000  }
0x3f: {  	_ =	swait.ge [sflag:s25], $0x4000  }
0x40: {  	[sflag:s25] =	ssyncset.done $0x0  }
0x41: {  	s28 =	sadd.s32 $0x0, s13;
	[sflag:s25] =	ssyncadd.s32 $0xFFFFC000  }
0x42: {  	[tilespmem:s20], [sflag:$0x2] =	stream.linear.gather [hbm4b:s28+s3], $0x80, $0x38;
	[tilespmem:$0x1C100] =	vst v63  }
0x43: {  	s29 =	sadd.s32 $0x1000, s12;
	s28 =	simm.s32 $0x20  }
0x44: {  	[tilespmem:s21], [sflag:$0x4] =	stream.linear.gather [hbm4b:s12+s3], $0x4000, $0x38;
	[tilespmem:$0x1C100] =	vst v63  }
.LBB2_2:
0x45: {  	[spmem:s2] =	stream.indirect.scatter.add.f32 [tilespmem:s17], [sflag:$0x5], $0x80, s3, s20, $0xb8;
	[tilespmem:$0x1C100] =	vst v63  }
0x46: {  	s30 =	smov.u32 s28  }
0x47: {  	p0 =	sne.s32 s28, $0x4C0;
	s28 =	sadd.s32 $0x20, s28;
	_ =	swait.ge [sflag:s22], $0x80  }
0x48: {  	[sflag:s22] =	ssyncset.done $0x0  }
0x49: {  	[sflag:s22] =	ssyncadd.s32 $0xFFFFFF80  }
0x4a: {  	_ =	swait.ge [sflag:s23], $0x4000  }
0x4b: {  	[sflag:s23] =	ssyncset.done $0x0  }
0x4c: {  	[sflag:s23] =	ssyncadd.s32 $0xFFFFC000  }
0x4d: {  	_ =	swait.ge [sflag:s24], $0x4000  }
0x4e: {  	[sflag:s24] =	ssyncset.done $0x0  }
0x4f: {  	s31 =	sadd.s32 s30, s14;
	[sflag:s24] =	ssyncadd.s32 $0xFFFFC000  }
0x50: {  	[tilespmem:s3], [sflag:$0x1] =	stream.linear.gather [hbm4b:s31+s3], $0x80, $0x38;
	[tilespmem:$0x1C100] =	vst v63  }
0x51: {  	s31 =	sadd.s32 $0xFFFFF800, s29  }
0x52: {  	[tilespmem:s17], [sflag:$0x3] =	stream.linear.gather [hbm4b:s31+s3], $0x4000, $0x38;
	[tilespmem:$0x1C100] =	vst v63  }
0x53: {  	_ = 	snop  }
0x54: {  	[spmem:s2] =	stream.indirect.scatter.add.f32 [tilespmem:s21], [sflag:$0x6], $0x80, s20, s20, $0xb8;
	[tilespmem:$0x1C100] =	vst v63  }
0x55: {  	_ =	swait.ge [sflag:s18], $0x80  }
0x56: {  	[sflag:s18] =	ssyncset.done $0x0  }
0x57: {  	[sflag:s18] =	ssyncadd.s32 $0xFFFFFF80  }
0x58: {  	_ =	swait.ge [sflag:s19], $0x4000  }
0x59: {  	[sflag:s19] =	ssyncset.done $0x0  }
0x5a: {  	[sflag:s19] =	ssyncadd.s32 $0xFFFFC000  }
0x5b: {  	_ =	swait.ge [sflag:s25], $0x4000  }
0x5c: {  	[sflag:s25] =	ssyncset.done $0x0  }
.Ltmp0:
0x5d: {  	s30 =	sadd.s32 s30, s13;
	[sflag:s25] =	ssyncadd.s32 $0xFFFFC000;
	(pc) =	sbr.rel @p0 .LBB2_2-.Ltmp0, $4  }
0x5e: {  	[tilespmem:s20], [sflag:$0x2] =	stream.linear.gather [hbm4b:s30+s3], $0x80, $0x38;
	[tilespmem:$0x1C100] =	vst v63  }
0x5f: {  	_ = 	snop  }
0x60: {  	[tilespmem:s21], [sflag:$0x4] =	stream.linear.gather [hbm4b:s29+s3], $0x4000, $0x38;
	[tilespmem:$0x1C100] =	vst v63  }
0x61: {  	s29 =	sadd.s32 $0x1000, s29  }
0x62: {  	[spmem:s2] =	stream.indirect.scatter.add.f32 [tilespmem:s17], [sflag:$0x5], $0x80, s3, s20, $0xb8;
	[tilespmem:$0x1C100] =	vst v63  }
0x63: {  	_ =	swait.ge [sflag:s22], $0x80  }
0x64: {  	[sflag:s22] =	ssyncset.done $0x0  }
0x65: {  	[sflag:s22] =	ssyncadd.s32 $0xFFFFFF80  }
0x66: {  	_ =	swait.ge [sflag:s23], $0x4000  }
0x67: {  	[sflag:s23] =	ssyncset.done $0x0  }
0x68: {  	[sflag:s23] =	ssyncadd.s32 $0xFFFFC000  }
0x69: {  	_ =	swait.ge [sflag:s24], $0x4000  }
0x6a: {  	[sflag:s24] =	ssyncset.done $0x0  }
0x6b: {  	[sflag:s24] =	ssyncadd.s32 $0xFFFFC000  }
0x6c: {  	[spmem:s2] =	stream.indirect.scatter.add.f32 [tilespmem:s21], [sflag:$0x6], $0x80, s20, s20, $0xb8;
	[tilespmem:$0x1C100] =	vst v63  }
0x6d: {  	_ =	swait.ge [sflag:s25], $0x4000  }
0x6e: {  	s26 =	sadd.s32 $0x1, s26;
	[sflag:s25] =	ssyncset.done $0x0  }
0x6f: {  	p0 =	sne.s32 s26, s11;
	[sflag:s25] =	ssyncadd.s32 $0xFFFFC000  }
.Ltmp1:
0x70: {  	[bflag:$0x0] =	sbarrier.arrive $0xFFFF;
	(pc) =	sbr.rel @p0 .LBB2_1-.Ltmp1, $4  }
0x71: {  	[hbm:s10], [sflag:s5] =	dma.local [spmem:s15], $0x2800  }
0x72: {  	_ =	swait.ge [sflag:s16], $0x2800  }
0x73: {  	[sflag:s16] =	ssyncset.done $0x0  }
0x74: {  	[sflag:s16] =	ssyncadd.s32 $0xFFFFD800  }
0x75: {  	_ =	sfence.sel $0x180000  }
0x76: {  	[bflag:$0x0] =	sbarrier.arrive $0xFFFF  }
0x77: {  	p0 =	sne.s32 s1, $0x0;
	_ =	strace $0x9000004D  }
0x78: {  	s0 =	sadd.s32 @!p0 $0x100000, s0;
	[bflag:$0x2] =	sbarrier.arrive $0xFFFF  }
0x79: {  	[sflag:s0] =	ssyncadd.tile.s32 @!p0 $0x1;
	_ =	shalt  }
.Lfunc_end2:
_tile_overlayer_lowered:
.L_overlay_start_2:
0x7a: {  	(tag) =	ssettag $0x2  }
0x7b: {  	s0 =	rddreg [dreg:$0x0];
	s2 =	stileid.u32  }
0x7c: {  	s1 =	rddreg [dreg:$0x1];
	p0 =	sne.s32 s2, $0x0  }
0x7d: {  	s3 =	rddreg [dreg:$0x2];
	[bflag:$0x3] =	sbarrier.arrive $0xFFFF;
	s2 =	simm.s32 @!p0 $0x1C07  }
0x7e: {  	[timem:s3], [sflag:s2] =	dma.local @!p0 [hbm:s0], s1  }
0x7f: {  	s0 =	simm.s32 @!p0 $0x7  }
0x80: {  	_ =	swait.ge @!p0 [sflag:s0], s1  }
0x81: {  	s1 =	ssub.s32 @!p0 $0x0, s1;
	[sflag:s0] =	ssyncset.done @!p0 $0x0  }
0x82: {  	[sflag:s0] =	ssyncadd.s32 @!p0 s1  }
0x83: {  	[bflag:$0x3] =	sbarrier.arrive $0xFFFF  }
0x84: {  	_ =	shalt  }

</sc_bundles>
